<compile_context>
chip_gen: v7x
topology: tpu7x:2x2x1
jax: 0.10.2.dev20260603
libtpu: 0.0.44.dev20260713+nightly
codegen_flags: <defaults>
</compile_context>

<pallas_src>
import jax
import jax.numpy as jnp
from jax import lax
from jax.experimental import pallas as pl
from jax.experimental.pallas import tpu as pltpu
from jax.experimental.pallas import tpu_sc as plsc

N_NODES = 10000
N_EDGES = 320000
D = 128

NC = 2
NS = 16
NW = NC * NS

CHUNK = 112
N_CHUNKS = 90
E_PER_TILE = CHUNK * N_CHUNKS
E_PAD = NW * E_PER_TILE

NR = 3
NQ = 6

ACC_ROWS = 10112
ROWS_PER_TILE = ACC_ROWS // NS


def _sc_body(x_hbm, src_hbm, dst_hbm, z_hbm, out_hbm,
             acc, s0, s1, s2, s3, s4, s5, d0, d1, d2, d3, d4, d5,
             r0, r1, r2,
             si0, si1, si2, si3, si4, si5, sr0, sr1, sr2, ss0, ss1, ss2):
  cid = lax.axis_index("c")
  sid = lax.axis_index("s")
  wid = cid * NS + sid
  sidx = (s0, s1, s2, s3, s4, s5)
  didx = (d0, d1, d2, d3, d4, d5)
  rows = (r0, r1, r2)
  isem = (si0, si1, si2, si3, si4, si5)
  rsem = (sr0, sr1, sr2)
  ssem = (ss0, ss1, ss2)

  base = wid * E_PER_TILE
  row0 = sid * ROWS_PER_TILE

  def fire_idx(jj, q):
    pltpu.async_copy(src_hbm.at[pl.ds(base + jj * CHUNK, CHUNK)], sidx[q], isem[q])
    pltpu.async_copy(dst_hbm.at[pl.ds(base + jj * CHUNK, CHUNK)], didx[q], isem[q])

  def wait_idx(jj, q):
    pltpu.make_async_copy(src_hbm.at[pl.ds(base + jj * CHUNK, CHUNK)], sidx[q], isem[q]).wait()
    pltpu.make_async_copy(dst_hbm.at[pl.ds(base + jj * CHUNK, CHUNK)], didx[q], isem[q]).wait()

  def fire_gather(p, q):
    pltpu.async_copy(x_hbm.at[sidx[q]], rows[p], rsem[p])

  def wait_gather(p, q):
    pltpu.make_async_copy(x_hbm.at[sidx[q]], rows[p], rsem[p]).wait()

  def fire_scatter(p, q):
    pltpu.async_copy(rows[p], acc.at[didx[q]], ssem[p], add=True)

  def wait_scatter(p, q):
    pltpu.make_async_copy(rows[p], acc.at[didx[q]], ssem[p]).wait()

  @pl.when(cid == 0)
  def _():
    def x_read(o, p, sz):
      pltpu.async_copy(x_hbm.at[pl.ds(row0 + o * CHUNK, sz)],
                       rows[p].at[pl.ds(0, sz)], rsem[p])
    def x_wait(o, p, sz):
      pltpu.make_async_copy(x_hbm.at[pl.ds(row0 + o * CHUNK, sz)],
                            rows[p].at[pl.ds(0, sz)], rsem[p]).wait()
    x_read(0, 0, CHUNK)
    x_read(1, 1, CHUNK)
    for o in range(4):
      p = o % 2
      x_wait(o, p, CHUNK)
      pltpu.sync_copy(rows[p], acc.at[pl.ds(row0 + o * CHUNK, CHUNK)])
      if o < 2:
        x_read(o + 2, p, CHUNK)
    @pl.when(sid < NS - 1)
    def _():
      pltpu.sync_copy(x_hbm.at[pl.ds(row0 + 448, CHUNK)], r0)
      pltpu.sync_copy(r0, acc.at[pl.ds(row0 + 448, CHUNK)])
      pltpu.sync_copy(x_hbm.at[pl.ds(row0 + 560, 72)], r1.at[pl.ds(0, 72)])
      pltpu.sync_copy(r1.at[pl.ds(0, 72)], acc.at[pl.ds(row0 + 560, 72)])
    @pl.when(sid == NS - 1)
    def _():
      pltpu.sync_copy(x_hbm.at[pl.ds(row0 + 448, 72)], r0.at[pl.ds(0, 72)])
      pltpu.sync_copy(r0.at[pl.ds(0, 72)], acc.at[pl.ds(row0 + 448, 72)])

  @pl.when(cid == 1)
  def _():
    pltpu.sync_copy(z_hbm, r0)
    def init(i, c):
      pltpu.sync_copy(r0, acc.at[pl.ds(row0 + i * CHUNK, CHUNK)])
      return c
    lax.fori_loop(0, 5, init, 0)
    pltpu.sync_copy(r0.at[pl.ds(0, 72)], acc.at[pl.ds(row0 + 560, 72)])

  fire_idx(0, 0)
  fire_idx(1, 1)
  fire_idx(2, 2)
  fire_idx(3, 3)
  wait_idx(0, 0)
  fire_gather(0, 0)
  wait_idx(1, 1)
  fire_gather(1, 1)

  plsc.subcore_barrier()

  def steps(j, jq, skip_ws=False, skip_fi=False, skip_g=False):
    r, q = jq % NR, jq % NQ
    wait_gather(r, q)
    if not skip_ws:
      wait_scatter((r + 2) % NR, (q + 5) % NQ)
    fire_scatter(r, q)
    if not skip_fi:
      fire_idx(j + 4, (q + 4) % NQ)
    if not skip_g:
      wait_idx(j + 2, (q + 2) % NQ)
      fire_gather((r + 2) % NR, (q + 2) % NQ)

  steps(0, 0, skip_ws=True)
  for j in range(1, 6):
    steps(j, j)

  def group(g, c):
    j0 = NQ * g
    for b in range(NQ):
      steps(j0 + b, b)
    return c

  lax.fori_loop(1, N_CHUNKS // NQ - 1, group, 0)

  for j in range(N_CHUNKS - 6, N_CHUNKS):
    steps(j, j, skip_fi=(j + 4 >= N_CHUNKS), skip_g=(j + 2 >= N_CHUNKS))
  wait_scatter((N_CHUNKS - 1) % NR, (N_CHUNKS - 1) % NQ)

  plsc.subcore_barrier()

  obase = cid * ACC_ROWS + row0

  def w_fire(o, p, sz):
    pltpu.async_copy(rows[p].at[pl.ds(0, sz)],
                     out_hbm.at[pl.ds(obase + o * CHUNK, sz)], ssem[p])
  def w_wait(o, p, sz):
    pltpu.make_async_copy(rows[p].at[pl.ds(0, sz)],
                          out_hbm.at[pl.ds(obase + o * CHUNK, sz)], ssem[p]).wait()

  for o in range(5):
    p = o % 2
    if o >= 2:
      w_wait(o - 2, p, CHUNK)
    pltpu.sync_copy(acc.at[pl.ds(row0 + o * CHUNK, CHUNK)], rows[p])
    w_fire(o, p, CHUNK)
  w_wait(3, 1, CHUNK)
  pltpu.sync_copy(acc.at[pl.ds(row0 + 560, 72)], r1.at[pl.ds(0, 72)])
  w_fire(5, 1, 72)
  w_wait(4, 0, CHUNK)
  w_wait(5, 1, 72)


_sc_agg = pl.kernel(
    _sc_body,
    out_type=jax.ShapeDtypeStruct((NC * ACC_ROWS, D), jnp.float32),
    mesh=plsc.VectorSubcoreMesh(
        core_axis_name="c", subcore_axis_name="s",
        num_cores=NC, num_subcores=NS),
    scratch_types=(
        [pltpu.VMEM_SHARED((ACC_ROWS, D), jnp.float32)]
        + [pltpu.VMEM((CHUNK,), jnp.int32)] * NQ
        + [pltpu.VMEM((CHUNK,), jnp.int32)] * NQ
        + [pltpu.VMEM((CHUNK, D), jnp.float32)] * NR
        + [pltpu.SemaphoreType.DMA] * NQ
        + [pltpu.SemaphoreType.DMA] * NR
        + [pltpu.SemaphoreType.DMA] * NR
    ),
)


BR = 1000


def _tc_body(p_ref, w_ref, b_ref, deg_ref, o_ref):
  pool = p_ref[0] + p_ref[1]
  y = jnp.dot(pool, w_ref[...], preferred_element_type=jnp.float32)
  y = (y + b_ref[...]) / deg_ref[...]
  o_ref[...] = jnp.maximum(y, 0.0)


_tc_fin = pl.pallas_call(
    _tc_body,
    grid=(N_NODES // BR,),
    in_specs=[
        pl.BlockSpec((NC, BR, D), lambda i: (0, i, 0)),
        pl.BlockSpec((D, D), lambda i: (0, 0)),
        pl.BlockSpec((1, D), lambda i: (0, 0)),
        pl.BlockSpec((BR, 1), lambda i: (i, 0)),
    ],
    out_specs=pl.BlockSpec((BR, D), lambda i: (i, 0)),
    out_shape=jax.ShapeDtypeStruct((N_NODES, D), jnp.float32),
)


@jax.jit
def kernel(input_tensor, edge_index, node_degree_matrix, weight, bias):
  src = edge_index[0].astype(jnp.int32)
  dst = edge_index[1].astype(jnp.int32)
  npad = E_PAD - N_EDGES
  k = jnp.arange(npad, dtype=jnp.int32)
  src = jnp.concatenate([src, k % N_NODES])
  dst = jnp.concatenate([dst, N_NODES + (k % (ACC_ROWS - N_NODES))])
  zeros = jnp.zeros((CHUNK, D), jnp.float32)
  partials = _sc_agg(input_tensor, src, dst, zeros).reshape(NC, ACC_ROWS, D)
  return _tc_fin(partials, weight, bias.reshape(1, D), node_degree_matrix)

# --- scband reference (transcript-rebuilt; emitter-appended) ---
"""Pipeline reference for scband-graph-convolution-layer-graph-sage-45423574123238 (READ-ONLY COPY).

The authoritative reference and input builder live on the scoring server;
editing this copy changes nothing except your own understanding.
"""

import jax, jax.numpy as jnp
import numpy as np

N_NODES = 10000
N_EDGES = 320000
D_IN = 128
D_OUT = 128

def setup_inputs(seed: int = 0) -> dict:
    key = jax.random.key(seed)
    k1, k2, k3, k4, k5 = jax.random.split(key, 5)
    input_tensor = jax.random.normal(k1, (N_NODES, D_IN), dtype=jnp.float32)
    edge_index = jax.random.randint(k2, (2, N_EDGES), 0, N_NODES, dtype=jnp.int64)
    # node degrees (strictly positive to keep division well-conditioned)
    node_degree_matrix = jax.random.uniform(k3, (N_NODES, 1), dtype=jnp.float32, minval=0.05, maxval=1.0)
    # learned parameters, sized per init_kwargs (input_dim=128, latent_dim=128)
    weight = jax.random.normal(k4, (D_IN, D_OUT), dtype=jnp.float32) * (1.0 / np.sqrt(D_IN))
    bias = jax.random.normal(k5, (D_OUT,), dtype=jnp.float32) * 0.01
    return {"input_tensor": input_tensor, "edge_index": edge_index, "node_degree_matrix": node_degree_matrix, "weight": weight, "bias": bias}

def reference(input_tensor, edge_index, node_degree_matrix, weight, bias):
    # gnn_spmm(adjacency_matrix, input_tensor): unweighted sparse adjacency
    # A[dst, src] = 1 for each edge -> scatter-add of gathered src features into dst rows
    src = edge_index[0]
    dst = edge_index[1]
    gathered = jnp.take(input_tensor, src, axis=0)
    agg = jax.ops.segment_sum(gathered, dst, num_segments=input_tensor.shape[0])
    adjacency_matrixpool = agg + input_tensor
    node_linear = jnp.matmul(adjacency_matrixpool, weight) + bias
    # normalize_embedding == 2: divide by node degree
    normalized_linear = node_linear / node_degree_matrix
    output_tensor = jax.nn.relu(normalized_linear)
    return output_tensor

if __name__ == "__main__":
    import jax
    _d = setup_inputs()
    print(jax.jit(kernel)(*tuple(_d.values())))

</pallas_src>

<mosaic_0001>
#map = affine_map<(d0, d1) -> (0, 0)>
#map1 = affine_map<(d0, d1) -> (0)>
module attributes {stable_mosaic.version = 14 : i64} {
  func.func @_sc_body(%arg0: i32, %arg1: i32, %arg2: memref<10000x128xf32, #tpu.memory_space<hbm>>, %arg3: memref<322560xi32, #tpu.memory_space<hbm>>, %arg4: memref<322560xi32, #tpu.memory_space<hbm>>, %arg5: memref<112x128xf32, #tpu.memory_space<hbm>>, %arg6: memref<20224x128xf32, #tpu.memory_space<hbm>>, %arg7: memref<10112x128xf32, #tpu.memory_space<vmem_shared>>, %arg8: memref<112xi32, #tpu.memory_space<vmem>>, %arg9: memref<112xi32, #tpu.memory_space<vmem>>, %arg10: memref<112xi32, #tpu.memory_space<vmem>>, %arg11: memref<112xi32, #tpu.memory_space<vmem>>, %arg12: memref<112xi32, #tpu.memory_space<vmem>>, %arg13: memref<112xi32, #tpu.memory_space<vmem>>, %arg14: memref<112xi32, #tpu.memory_space<vmem>>, %arg15: memref<112xi32, #tpu.memory_space<vmem>>, %arg16: memref<112xi32, #tpu.memory_space<vmem>>, %arg17: memref<112xi32, #tpu.memory_space<vmem>>, %arg18: memref<112xi32, #tpu.memory_space<vmem>>, %arg19: memref<112xi32, #tpu.memory_space<vmem>>, %arg20: memref<112x128xf32, #tpu.memory_space<vmem>>, %arg21: memref<112x128xf32, #tpu.memory_space<vmem>>, %arg22: memref<112x128xf32, #tpu.memory_space<vmem>>, %arg23: memref<!tpu.dma_semaphore, #tpu.memory_space<semaphore_mem>>, %arg24: memref<!tpu.dma_semaphore, #tpu.memory_space<semaphore_mem>>, %arg25: memref<!tpu.dma_semaphore, #tpu.memory_space<semaphore_mem>>, %arg26: memref<!tpu.dma_semaphore, #tpu.memory_space<semaphore_mem>>, %arg27: memref<!tpu.dma_semaphore, #tpu.memory_space<semaphore_mem>>, %arg28: memref<!tpu.dma_semaphore, #tpu.memory_space<semaphore_mem>>, %arg29: memref<!tpu.dma_semaphore, #tpu.memory_space<semaphore_mem>>, %arg30: memref<!tpu.dma_semaphore, #tpu.memory_space<semaphore_mem>>, %arg31: memref<!tpu.dma_semaphore, #tpu.memory_space<semaphore_mem>>, %arg32: memref<!tpu.dma_semaphore, #tpu.memory_space<semaphore_mem>>, %arg33: memref<!tpu.dma_semaphore, #tpu.memory_space<semaphore_mem>>, %arg34: memref<!tpu.dma_semaphore, #tpu.memory_space<semaphore_mem>>) attributes {dimension_semantics = [#tpu.dimension_semantics<core_parallel>, #tpu.dimension_semantics<subcore_parallel>], iteration_bounds = array<i64: 2, 16>, scalar_prefetch = 0 : i64, scratch_operands = 28 : i64, tpu.core_type = #tpu.core_type<sc_vector_subcore>, window_params = [{transform_indices = #map}, {transform_indices = #map1}, {transform_indices = #map1}, {transform_indices = #map}, {transform_indices = #map}]} {
    %mul3A = arith.constant 16 : i32
    %mul3A_0 = arith.muli %arg0, %mul3A : i32
    %add3A = arith.addi %mul3A_0, %arg1 : i32
    %mul3A_1 = arith.constant 10080 : i32
    %mul3A_2 = arith.muli %add3A, %mul3A_1 : i32
    %mul3A_3 = arith.constant 632 : i32
    %mul3A_4 = arith.muli %arg1, %mul3A_3 : i32
    %eq3A = arith.constant 0 : i32
    %eq3A_5 = arith.cmpi eq, %arg0, %eq3A : i32
    %convert_element_type3A = arith.extui %eq3A_5 : i1 to i32
    %cond3A = arith.constant 0 : i32
    %cond3A_6 = arith.cmpi ne, %convert_element_type3A, %cond3A : i32
    scf.if %cond3A_6 {
      %add3A_511 = arith.constant 0 : i32
      %add3A_512 = arith.addi %mul3A_4, %add3A_511 : i32
      %dma_start3A_513 = arith.constant 0 : i32
      %dma_start3A_514 = arith.constant 0 : i32
      %dma_start3A_515 = tpu.memref_slice %arg20[%dma_start3A_513, %dma_start3A_514] : memref<112x128xf32, #tpu.memory_space<vmem>> -> memref<112x128xf32, #tpu.memory_space<vmem>>
      %dma_start3A_516 = arith.constant 0 : i32
      %dma_start3A_517 = tpu.memref_slice %arg2[%add3A_512, %dma_start3A_516] : memref<10000x128xf32, #tpu.memory_space<hbm>> -> memref<112x128xf32, #tpu.memory_space<hbm>>
      %dma_start3A_518 = arith.constant 0 : i32
      %dma_start3A_519 = arith.constant 0 : i32
      %dma_start3A_520 = tpu.memref_slice %arg20[%dma_start3A_518, %dma_start3A_519] : memref<112x128xf32, #tpu.memory_space<vmem>> -> memref<112x128xf32, #tpu.memory_space<vmem>>
      %dma_start3A_521 = arith.constant 0 : i32
      %dma_start3A_522 = tpu.memref_slice %arg2[%add3A_512, %dma_start3A_521] : memref<10000x128xf32, #tpu.memory_space<hbm>> -> memref<112x128xf32, #tpu.memory_space<hbm>>
      tpu.enqueue_dma source(%dma_start3A_522 : memref<112x128xf32, #tpu.memory_space<hbm>>) target(%dma_start3A_520 : memref<112x128xf32, #tpu.memory_space<vmem>>) target_semaphore(%arg29 : memref<!tpu.dma_semaphore, #tpu.memory_space<semaphore_mem>>)
      %add3A_523 = arith.constant 112 : i32
      %add3A_524 = arith.addi %mul3A_4, %add3A_523 : i32
      %dma_start3A_525 = arith.constant 0 : i32
      %dma_start3A_526 = arith.constant 0 : i32
      %dma_start3A_527 = tpu.memref_slice %arg21[%dma_start3A_525, %dma_start3A_526] : memref<112x128xf32, #tpu.memory_space<vmem>> -> memref<112x128xf32, #tpu.memory_space<vmem>>
      %dma_start3A_528 = arith.constant 0 : i32
      %dma_start3A_529 = tpu.memref_slice %arg2[%add3A_524, %dma_start3A_528] : memref<10000x128xf32, #tpu.memory_space<hbm>> -> memref<112x128xf32, #tpu.memory_space<hbm>>
      %dma_start3A_530 = arith.constant 0 : i32
      %dma_start3A_531 = arith.constant 0 : i32
      %dma_start3A_532 = tpu.memref_slice %arg21[%dma_start3A_530, %dma_start3A_531] : memref<112x128xf32, #tpu.memory_space<vmem>> -> memref<112x128xf32, #tpu.memory_space<vmem>>
      %dma_start3A_533 = arith.constant 0 : i32
      %dma_start3A_534 = tpu.memref_slice %arg2[%add3A_524, %dma_start3A_533] : memref<10000x128xf32, #tpu.memory_space<hbm>> -> memref<112x128xf32, #tpu.memory_space<hbm>>
      tpu.enqueue_dma source(%dma_start3A_534 : memref<112x128xf32, #tpu.memory_space<hbm>>) target(%dma_start3A_532 : memref<112x128xf32, #tpu.memory_space<vmem>>) target_semaphore(%arg30 : memref<!tpu.dma_semaphore, #tpu.memory_space<semaphore_mem>>)
      %add3A_535 = arith.constant 0 : i32
      %add3A_536 = arith.addi %mul3A_4, %add3A_535 : i32
      %dma_wait3A_537 = arith.constant 0 : i32
      %dma_wait3A_538 = arith.constant 0 : i32
      %dma_wait3A_539 = tpu.memref_slice %arg20[%dma_wait3A_537, %dma_wait3A_538] : memref<112x128xf32, #tpu.memory_space<vmem>> -> memref<112x128xf32, #tpu.memory_space<vmem>>
      %dma_wait3A_540 = arith.constant 0 : i32
      %dma_wait3A_541 = tpu.memref_slice %arg2[%add3A_536, %dma_wait3A_540] : memref<10000x128xf32, #tpu.memory_space<hbm>> -> memref<112x128xf32, #tpu.memory_space<hbm>>
      %dma_wait3A_542 = arith.constant 0 : i32
      %dma_wait3A_543 = arith.constant 0 : i32
      %dma_wait3A_544 = tpu.memref_slice %arg20[%dma_wait3A_542, %dma_wait3A_543] : memref<112x128xf32, #tpu.memory_space<vmem>> -> memref<112x128xf32, #tpu.memory_space<vmem>>
      %dma_wait3A_545 = arith.constant 0 : i32
      %dma_wait3A_546 = tpu.memref_slice %arg2[%add3A_536, %dma_wait3A_545] : memref<10000x128xf32, #tpu.memory_space<hbm>> -> memref<112x128xf32, #tpu.memory_space<hbm>>
      tpu.wait_dma2 semaphore(%arg29 : memref<!tpu.dma_semaphore, #tpu.memory_space<semaphore_mem>>) src(%dma_wait3A_546 : memref<112x128xf32, #tpu.memory_space<hbm>>) dst(%dma_wait3A_544 : memref<112x128xf32, #tpu.memory_space<vmem>>)
      %add3A_547 = arith.constant 0 : i32
      %add3A_548 = arith.addi %mul3A_4, %add3A_547 : i32
      "tpu.region"() ({
        %run_scoped3A = tpu.sem_alloc : memref<!tpu.dma_semaphore, #tpu.memory_space<semaphore_mem>>
        %dma_start3A_624 = arith.constant 0 : i32
        %dma_start3A_625 = tpu.memref_slice %arg7[%add3A_548, %dma_start3A_624] : memref<10112x128xf32, #tpu.memory_space<vmem_shared>> -> memref<112x128xf32, #tpu.memory_space<vmem_shared>>
        %dma_start3A_626 = arith.constant 0 : i32
        %dma_start3A_627 = tpu.memref_slice %arg7[%add3A_548, %dma_start3A_626] : memref<10112x128xf32, #tpu.memory_space<vmem_shared>> -> memref<112x128xf32, #tpu.memory_space<vmem_shared>>
        tpu.enqueue_dma source(%arg20 : memref<112x128xf32, #tpu.memory_space<vmem>>) target(%dma_start3A_627 : memref<112x128xf32, #tpu.memory_space<vmem_shared>>) target_semaphore(%run_scoped3A : memref<!tpu.dma_semaphore, #tpu.memory_space<semaphore_mem>>)
        %dma_wait3A_628 = arith.constant 0 : i32
        %dma_wait3A_629 = tpu.memref_slice %arg7[%add3A_548, %dma_wait3A_628] : memref<10112x128xf32, #tpu.memory_space<vmem_shared>> -> memref<112x128xf32, #tpu.memory_space<vmem_shared>>
        %dma_wait3A_630 = arith.constant 0 : i32
        %dma_wait3A_631 = tpu.memref_slice %arg7[%add3A_548, %dma_wait3A_630] : memref<10112x128xf32, #tpu.memory_space<vmem_shared>> -> memref<112x128xf32, #tpu.memory_space<vmem_shared>>
        tpu.wait_dma2 semaphore(%run_scoped3A : memref<!tpu.dma_semaphore, #tpu.memory_space<semaphore_mem>>) src(%arg20 : memref<112x128xf32, #tpu.memory_space<vmem>>) dst(%dma_wait3A_631 : memref<112x128xf32, #tpu.memory_space<vmem_shared>>)
        tpu.yield
      }) : () -> ()
      %add3A_549 = arith.constant 224 : i32
      %add3A_550 = arith.addi %mul3A_4, %add3A_549 : i32
      %dma_start3A_551 = arith.constant 0 : i32
      %dma_start3A_552 = arith.constant 0 : i32
      %dma_start3A_553 = tpu.memref_slice %arg20[%dma_start3A_551, %dma_start3A_552] : memref<112x128xf32, #tpu.memory_space<vmem>> -> memref<112x128xf32, #tpu.memory_space<vmem>>
      %dma_start3A_554 = arith.constant 0 : i32
      %dma_start3A_555 = tpu.memref_slice %arg2[%add3A_550, %dma_start3A_554] : memref<10000x128xf32, #tpu.memory_space<hbm>> -> memref<112x128xf32, #tpu.memory_space<hbm>>
      %dma_start3A_556 = arith.constant 0 : i32
      %dma_start3A_557 = arith.constant 0 : i32
      %dma_start3A_558 = tpu.memref_slice %arg20[%dma_start3A_556, %dma_start3A_557] : memref<112x128xf32, #tpu.memory_space<vmem>> -> memref<112x128xf32, #tpu.memory_space<vmem>>
      %dma_start3A_559 = arith.constant 0 : i32
      %dma_start3A_560 = tpu.memref_slice %arg2[%add3A_550, %dma_start3A_559] : memref<10000x128xf32, #tpu.memory_space<hbm>> -> memref<112x128xf32, #tpu.memory_space<hbm>>
      tpu.enqueue_dma source(%dma_start3A_560 : memref<112x128xf32, #tpu.memory_space<hbm>>) target(%dma_start3A_558 : memref<112x128xf32, #tpu.memory_space<vmem>>) target_semaphore(%arg29 : memref<!tpu.dma_semaphore, #tpu.memory_space<semaphore_mem>>)
      %add3A_561 = arith.constant 112 : i32
      %add3A_562 = arith.addi %mul3A_4, %add3A_561 : i32
      %dma_wait3A_563 = arith.constant 0 : i32
      %dma_wait3A_564 = arith.constant 0 : i32
      %dma_wait3A_565 = tpu.memref_slice %arg21[%dma_wait3A_563, %dma_wait3A_564] : memref<112x128xf32, #tpu.memory_space<vmem>> -> memref<112x128xf32, #tpu.memory_space<vmem>>
      %dma_wait3A_566 = arith.constant 0 : i32
      %dma_wait3A_567 = tpu.memref_slice %arg2[%add3A_562, %dma_wait3A_566] : memref<10000x128xf32, #tpu.memory_space<hbm>> -> memref<112x128xf32, #tpu.memory_space<hbm>>
      %dma_wait3A_568 = arith.constant 0 : i32
      %dma_wait3A_569 = arith.constant 0 : i32
      %dma_wait3A_570 = tpu.memref_slice %arg21[%dma_wait3A_568, %dma_wait3A_569] : memref<112x128xf32, #tpu.memory_space<vmem>> -> memref<112x128xf32, #tpu.memory_space<vmem>>
      %dma_wait3A_571 = arith.constant 0 : i32
      %dma_wait3A_572 = tpu.memref_slice %arg2[%add3A_562, %dma_wait3A_571] : memref<10000x128xf32, #tpu.memory_space<hbm>> -> memref<112x128xf32, #tpu.memory_space<hbm>>
      tpu.wait_dma2 semaphore(%arg30 : memref<!tpu.dma_semaphore, #tpu.memory_space<semaphore_mem>>) src(%dma_wait3A_572 : memref<112x128xf32, #tpu.memory_space<hbm>>) dst(%dma_wait3A_570 : memref<112x128xf32, #tpu.memory_space<vmem>>)
      %add3A_573 = arith.constant 112 : i32
      %add3A_574 = arith.addi %mul3A_4, %add3A_573 : i32
      "tpu.region"() ({
        %run_scoped3A = tpu.sem_alloc : memref<!tpu.dma_semaphore, #tpu.memory_space<semaphore_mem>>
        %dma_start3A_624 = arith.constant 0 : i32
        %dma_start3A_625 = tpu.memref_slice %arg7[%add3A_574, %dma_start3A_624] : memref<10112x128xf32, #tpu.memory_space<vmem_shared>> -> memref<112x128xf32, #tpu.memory_space<vmem_shared>>
        %dma_start3A_626 = arith.constant 0 : i32
        %dma_start3A_627 = tpu.memref_slice %arg7[%add3A_574, %dma_start3A_626] : memref<10112x128xf32, #tpu.memory_space<vmem_shared>> -> memref<112x128xf32, #tpu.memory_space<vmem_shared>>
        tpu.enqueue_dma source(%arg21 : memref<112x128xf32, #tpu.memory_space<vmem>>) target(%dma_start3A_627 : memref<112x128xf32, #tpu.memory_space<vmem_shared>>) target_semaphore(%run_scoped3A : memref<!tpu.dma_semaphore, #tpu.memory_space<semaphore_mem>>)
        %dma_wait3A_628 = arith.constant 0 : i32
        %dma_wait3A_629 = tpu.memref_slice %arg7[%add3A_574, %dma_wait3A_628] : memref<10112x128xf32, #tpu.memory_space<vmem_shared>> -> memref<112x128xf32, #tpu.memory_space<vmem_shared>>
        %dma_wait3A_630 = arith.constant 0 : i32
        %dma_wait3A_631 = tpu.memref_slice %arg7[%add3A_574, %dma_wait3A_630] : memref<10112x128xf32, #tpu.memory_space<vmem_shared>> -> memref<112x128xf32, #tpu.memory_space<vmem_shared>>
        tpu.wait_dma2 semaphore(%run_scoped3A : memref<!tpu.dma_semaphore, #tpu.memory_space<semaphore_mem>>) src(%arg21 : memref<112x128xf32, #tpu.memory_space<vmem>>) dst(%dma_wait3A_631 : memref<112x128xf32, #tpu.memory_space<vmem_shared>>)
        tpu.yield
      }) : () -> ()
      %add3A_575 = arith.constant 336 : i32
      %add3A_576 = arith.addi %mul3A_4, %add3A_575 : i32
      %dma_start3A_577 = arith.constant 0 : i32
      %dma_start3A_578 = arith.constant 0 : i32
      %dma_start3A_579 = tpu.memref_slice %arg21[%dma_start3A_577, %dma_start3A_578] : memref<112x128xf32, #tpu.memory_space<vmem>> -> memref<112x128xf32, #tpu.memory_space<vmem>>
      %dma_start3A_580 = arith.constant 0 : i32
      %dma_start3A_581 = tpu.memref_slice %arg2[%add3A_576, %dma_start3A_580] : memref<10000x128xf32, #tpu.memory_space<hbm>> -> memref<112x128xf32, #tpu.memory_space<hbm>>
      %dma_start3A_582 = arith.constant 0 : i32
      %dma_start3A_583 = arith.constant 0 : i32
      %dma_start3A_584 = tpu.memref_slice %arg21[%dma_start3A_582, %dma_start3A_583] : memref<112x128xf32, #tpu.memory_space<vmem>> -> memref<112x128xf32, #tpu.memory_space<vmem>>
      %dma_start3A_585 = arith.constant 0 : i32
      %dma_start3A_586 = tpu.memref_slice %arg2[%add3A_576, %dma_start3A_585] : memref<10000x128xf32, #tpu.memory_space<hbm>> -> memref<112x128xf32, #tpu.memory_space<hbm>>
      tpu.enqueue_dma source(%dma_start3A_586 : memref<112x128xf32, #tpu.memory_space<hbm>>) target(%dma_start3A_584 : memref<112x128xf32, #tpu.memory_space<vmem>>) target_semaphore(%arg30 : memref<!tpu.dma_semaphore, #tpu.memory_space<semaphore_mem>>)
      %add3A_587 = arith.constant 224 : i32
      %add3A_588 = arith.addi %mul3A_4, %add3A_587 : i32
      %dma_wait3A_589 = arith.constant 0 : i32
      %dma_wait3A_590 = arith.constant 0 : i32
      %dma_wait3A_591 = tpu.memref_slice %arg20[%dma_wait3A_589, %dma_wait3A_590] : memref<112x128xf32, #tpu.memory_space<vmem>> -> memref<112x128xf32, #tpu.memory_space<vmem>>
      %dma_wait3A_592 = arith.constant 0 : i32
      %dma_wait3A_593 = tpu.memref_slice %arg2[%add3A_588, %dma_wait3A_592] : memref<10000x128xf32, #tpu.memory_space<hbm>> -> memref<112x128xf32, #tpu.memory_space<hbm>>
      %dma_wait3A_594 = arith.constant 0 : i32
      %dma_wait3A_595 = arith.constant 0 : i32
      %dma_wait3A_596 = tpu.memref_slice %arg20[%dma_wait3A_594, %dma_wait3A_595] : memref<112x128xf32, #tpu.memory_space<vmem>> -> memref<112x128xf32, #tpu.memory_space<vmem>>
      %dma_wait3A_597 = arith.constant 0 : i32
      %dma_wait3A_598 = tpu.memref_slice %arg2[%add3A_588, %dma_wait3A_597] : memref<10000x128xf32, #tpu.memory_space<hbm>> -> memref<112x128xf32, #tpu.memory_space<hbm>>
      tpu.wait_dma2 semaphore(%arg29 : memref<!tpu.dma_semaphore, #tpu.memory_space<semaphore_mem>>) src(%dma_wait3A_598 : memref<112x128xf32, #tpu.memory_space<hbm>>) dst(%dma_wait3A_596 : memref<112x128xf32, #tpu.memory_space<vmem>>)
      %add3A_599 = arith.constant 224 : i32
      %add3A_600 = arith.addi %mul3A_4, %add3A_599 : i32
      "tpu.region"() ({
        %run_scoped3A = tpu.sem_alloc : memref<!tpu.dma_semaphore, #tpu.memory_space<semaphore_mem>>
        %dma_start3A_624 = arith.constant 0 : i32
        %dma_start3A_625 = tpu.memref_slice %arg7[%add3A_600, %dma_start3A_624] : memref<10112x128xf32, #tpu.memory_space<vmem_shared>> -> memref<112x128xf32, #tpu.memory_space<vmem_shared>>
        %dma_start3A_626 = arith.constant 0 : i32
        %dma_start3A_627 = tpu.memref_slice %arg7[%add3A_600, %dma_start3A_626] : memref<10112x128xf32, #tpu.memory_space<vmem_shared>> -> memref<112x128xf32, #tpu.memory_space<vmem_shared>>
        tpu.enqueue_dma source(%arg20 : memref<112x128xf32, #tpu.memory_space<vmem>>) target(%dma_start3A_627 : memref<112x128xf32, #tpu.memory_space<vmem_shared>>) target_semaphore(%run_scoped3A : memref<!tpu.dma_semaphore, #tpu.memory_space<semaphore_mem>>)
        %dma_wait3A_628 = arith.constant 0 : i32
        %dma_wait3A_629 = tpu.memref_slice %arg7[%add3A_600, %dma_wait3A_628] : memref<10112x128xf32, #tpu.memory_space<vmem_shared>> -> memref<112x128xf32, #tpu.memory_space<vmem_shared>>
        %dma_wait3A_630 = arith.constant 0 : i32
        %dma_wait3A_631 = tpu.memref_slice %arg7[%add3A_600, %dma_wait3A_630] : memref<10112x128xf32, #tpu.memory_space<vmem_shared>> -> memref<112x128xf32, #tpu.memory_space<vmem_shared>>
        tpu.wait_dma2 semaphore(%run_scoped3A : memref<!tpu.dma_semaphore, #tpu.memory_space<semaphore_mem>>) src(%arg20 : memref<112x128xf32, #tpu.memory_space<vmem>>) dst(%dma_wait3A_631 : memref<112x128xf32, #tpu.memory_space<vmem_shared>>)
        tpu.yield
      }) : () -> ()
      %add3A_601 = arith.constant 336 : i32
      %add3A_602 = arith.addi %mul3A_4, %add3A_601 : i32
      %dma_wait3A_603 = arith.constant 0 : i32
      %dma_wait3A_604 = arith.constant 0 : i32
      %dma_wait3A_605 = tpu.memref_slice %arg21[%dma_wait3A_603, %dma_wait3A_604] : memref<112x128xf32, #tpu.memory_space<vmem>> -> memref<112x128xf32, #tpu.memory_space<vmem>>
      %dma_wait3A_606 = arith.constant 0 : i32
      %dma_wait3A_607 = tpu.memref_slice %arg2[%add3A_602, %dma_wait3A_606] : memref<10000x128xf32, #tpu.memory_space<hbm>> -> memref<112x128xf32, #tpu.memory_space<hbm>>
      %dma_wait3A_608 = arith.constant 0 : i32
      %dma_wait3A_609 = arith.constant 0 : i32
      %dma_wait3A_610 = tpu.memref_slice %arg21[%dma_wait3A_608, %dma_wait3A_609] : memref<112x128xf32, #tpu.memory_space<vmem>> -> memref<112x128xf32, #tpu.memory_space<vmem>>
      %dma_wait3A_611 = arith.constant 0 : i32
      %dma_wait3A_612 = tpu.memref_slice %arg2[%add3A_602, %dma_wait3A_611] : memref<10000x128xf32, #tpu.memory_space<hbm>> -> memref<112x128xf32, #tpu.memory_space<hbm>>
      tpu.wait_dma2 semaphore(%arg30 : memref<!tpu.dma_semaphore, #tpu.memory_space<semaphore_mem>>) src(%dma_wait3A_612 : memref<112x128xf32, #tpu.memory_space<hbm>>) dst(%dma_wait3A_610 : memref<112x128xf32, #tpu.memory_space<vmem>>)
      %add3A_613 = arith.constant 336 : i32
      %add3A_614 = arith.addi %mul3A_4, %add3A_613 : i32
      "tpu.region"() ({
        %run_scoped3A = tpu.sem_alloc : memref<!tpu.dma_semaphore, #tpu.memory_space<semaphore_mem>>
        %dma_start3A_624 = arith.constant 0 : i32
        %dma_start3A_625 = tpu.memref_slice %arg7[%add3A_614, %dma_start3A_624] : memref<10112x128xf32, #tpu.memory_space<vmem_shared>> -> memref<112x128xf32, #tpu.memory_space<vmem_shared>>
        %dma_start3A_626 = arith.constant 0 : i32
        %dma_start3A_627 = tpu.memref_slice %arg7[%add3A_614, %dma_start3A_626] : memref<10112x128xf32, #tpu.memory_space<vmem_shared>> -> memref<112x128xf32, #tpu.memory_space<vmem_shared>>
        tpu.enqueue_dma source(%arg21 : memref<112x128xf32, #tpu.memory_space<vmem>>) target(%dma_start3A_627 : memref<112x128xf32, #tpu.memory_space<vmem_shared>>) target_semaphore(%run_scoped3A : memref<!tpu.dma_semaphore, #tpu.memory_space<semaphore_mem>>)
        %dma_wait3A_628 = arith.constant 0 : i32
        %dma_wait3A_629 = tpu.memref_slice %arg7[%add3A_614, %dma_wait3A_628] : memref<10112x128xf32, #tpu.memory_space<vmem_shared>> -> memref<112x128xf32, #tpu.memory_space<vmem_shared>>
        %dma_wait3A_630 = arith.constant 0 : i32
        %dma_wait3A_631 = tpu.memref_slice %arg7[%add3A_614, %dma_wait3A_630] : memref<10112x128xf32, #tpu.memory_space<vmem_shared>> -> memref<112x128xf32, #tpu.memory_space<vmem_shared>>
        tpu.wait_dma2 semaphore(%run_scoped3A : memref<!tpu.dma_semaphore, #tpu.memory_space<semaphore_mem>>) src(%arg21 : memref<112x128xf32, #tpu.memory_space<vmem>>) dst(%dma_wait3A_631 : memref<112x128xf32, #tpu.memory_space<vmem_shared>>)
        tpu.yield
      }) : () -> ()
      %lt3A = arith.constant 15 : i32
      %lt3A_615 = arith.cmpi slt, %arg1, %lt3A : i32
      %convert_element_type3A_616 = arith.extui %lt3A_615 : i1 to i32
      %cond3A_617 = arith.constant 0 : i32
      %cond3A_618 = arith.cmpi ne, %convert_element_type3A_616, %cond3A_617 : i32
      scf.if %cond3A_618 {
        %add3A_624 = arith.constant 448 : i32
        %add3A_625 = arith.addi %mul3A_4, %add3A_624 : i32
        "tpu.region"() ({
          %run_scoped3A = tpu.sem_alloc : memref<!tpu.dma_semaphore, #tpu.memory_space<semaphore_mem>>
          %dma_start3A_632 = arith.constant 0 : i32
          %dma_start3A_633 = tpu.memref_slice %arg2[%add3A_625, %dma_start3A_632] : memref<10000x128xf32, #tpu.memory_space<hbm>> -> memref<112x128xf32, #tpu.memory_space<hbm>>
          %dma_start3A_634 = arith.constant 0 : i32
          %dma_start3A_635 = tpu.memref_slice %arg2[%add3A_625, %dma_start3A_634] : memref<10000x128xf32, #tpu.memory_space<hbm>> -> memref<112x128xf32, #tpu.memory_space<hbm>>
          tpu.enqueue_dma source(%dma_start3A_635 : memref<112x128xf32, #tpu.memory_space<hbm>>) target(%arg20 : memref<112x128xf32, #tpu.memory_space<vmem>>) target_semaphore(%run_scoped3A : memref<!tpu.dma_semaphore, #tpu.memory_space<semaphore_mem>>)
          %dma_wait3A_636 = arith.constant 0 : i32
          %dma_wait3A_637 = tpu.memref_slice %arg2[%add3A_625, %dma_wait3A_636] : memref<10000x128xf32, #tpu.memory_space<hbm>> -> memref<112x128xf32, #tpu.memory_space<hbm>>
          %dma_wait3A_638 = arith.constant 0 : i32
          %dma_wait3A_639 = tpu.memref_slice %arg2[%add3A_625, %dma_wait3A_638] : memref<10000x128xf32, #tpu.memory_space<hbm>> -> memref<112x128xf32, #tpu.memory_space<hbm>>
          tpu.wait_dma2 semaphore(%run_scoped3A : memref<!tpu.dma_semaphore, #tpu.memory_space<semaphore_mem>>) src(%dma_wait3A_639 : memref<112x128xf32, #tpu.memory_space<hbm>>) dst(%arg20 : memref<112x128xf32, #tpu.memory_space<vmem>>)
          tpu.yield
        }) : () -> ()
        %add3A_626 = arith.constant 448 : i32
        %add3A_627 = arith.addi %mul3A_4, %add3A_626 : i32
        "tpu.region"() ({
          %run_scoped3A = tpu.sem_alloc : memref<!tpu.dma_semaphore, #tpu.memory_space<semaphore_mem>>
          %dma_start3A_632 = arith.constant 0 : i32
          %dma_start3A_633 = tpu.memref_slice %arg7[%add3A_627, %dma_start3A_632] : memref<10112x128xf32, #tpu.memory_space<vmem_shared>> -> memref<112x128xf32, #tpu.memory_space<vmem_shared>>
          %dma_start3A_634 = arith.constant 0 : i32
          %dma_start3A_635 = tpu.memref_slice %arg7[%add3A_627, %dma_start3A_634] : memref<10112x128xf32, #tpu.memory_space<vmem_shared>> -> memref<112x128xf32, #tpu.memory_space<vmem_shared>>
          tpu.enqueue_dma source(%arg20 : memref<112x128xf32, #tpu.memory_space<vmem>>) target(%dma_start3A_635 : memref<112x128xf32, #tpu.memory_space<vmem_shared>>) target_semaphore(%run_scoped3A : memref<!tpu.dma_semaphore, #tpu.memory_space<semaphore_mem>>)
          %dma_wait3A_636 = arith.constant 0 : i32
          %dma_wait3A_637 = tpu.memref_slice %arg7[%add3A_627, %dma_wait3A_636] : memref<10112x128xf32, #tpu.memory_space<vmem_shared>> -> memref<112x128xf32, #tpu.memory_space<vmem_shared>>
          %dma_wait3A_638 = arith.constant 0 : i32
          %dma_wait3A_639 = tpu.memref_slice %arg7[%add3A_627, %dma_wait3A_638] : memref<10112x128xf32, #tpu.memory_space<vmem_shared>> -> memref<112x128xf32, #tpu.memory_space<vmem_shared>>
          tpu.wait_dma2 semaphore(%run_scoped3A : memref<!tpu.dma_semaphore, #tpu.memory_space<semaphore_mem>>) src(%arg20 : memref<112x128xf32, #tpu.memory_space<vmem>>) dst(%dma_wait3A_639 : memref<112x128xf32, #tpu.memory_space<vmem_shared>>)
          tpu.yield
        }) : () -> ()
        %add3A_628 = arith.constant 560 : i32
        %add3A_629 = arith.addi %mul3A_4, %add3A_628 : i32
        "tpu.region"() ({
          %run_scoped3A = tpu.sem_alloc : memref<!tpu.dma_semaphore, #tpu.memory_space<semaphore_mem>>
          %dma_start3A_632 = arith.constant 0 : i32
          %dma_start3A_633 = arith.constant 0 : i32
          %dma_start3A_634 = tpu.memref_slice %arg21[%dma_start3A_632, %dma_start3A_633] : memref<112x128xf32, #tpu.memory_space<vmem>> -> memref<72x128xf32, #tpu.memory_space<vmem>>
          %dma_start3A_635 = arith.constant 0 : i32
          %dma_start3A_636 = tpu.memref_slice %arg2[%add3A_629, %dma_start3A_635] : memref<10000x128xf32, #tpu.memory_space<hbm>> -> memref<72x128xf32, #tpu.memory_space<hbm>>
          %dma_start3A_637 = arith.constant 0 : i32
          %dma_start3A_638 = arith.constant 0 : i32
          %dma_start3A_639 = tpu.memref_slice %arg21[%dma_start3A_637, %dma_start3A_638] : memref<112x128xf32, #tpu.memory_space<vmem>> -> memref<72x128xf32, #tpu.memory_space<vmem>>
          %dma_start3A_640 = arith.constant 0 : i32
          %dma_start3A_641 = tpu.memref_slice %arg2[%add3A_629, %dma_start3A_640] : memref<10000x128xf32, #tpu.memory_space<hbm>> -> memref<72x128xf32, #tpu.memory_space<hbm>>
          tpu.enqueue_dma source(%dma_start3A_641 : memref<72x128xf32, #tpu.memory_space<hbm>>) target(%dma_start3A_639 : memref<72x128xf32, #tpu.memory_space<vmem>>) target_semaphore(%run_scoped3A : memref<!tpu.dma_semaphore, #tpu.memory_space<semaphore_mem>>)
          %dma_wait3A_642 = arith.constant 0 : i32
          %dma_wait3A_643 = arith.constant 0 : i32
          %dma_wait3A_644 = tpu.memref_slice %arg21[%dma_wait3A_642, %dma_wait3A_643] : memref<112x128xf32, #tpu.memory_space<vmem>> -> memref<72x128xf32, #tpu.memory_space<vmem>>
          %dma_wait3A_645 = arith.constant 0 : i32
          %dma_wait3A_646 = tpu.memref_slice %arg2[%add3A_629, %dma_wait3A_645] : memref<10000x128xf32, #tpu.memory_space<hbm>> -> memref<72x128xf32, #tpu.memory_space<hbm>>
          %dma_wait3A_647 = arith.constant 0 : i32
          %dma_wait3A_648 = arith.constant 0 : i32
          %dma_wait3A_649 = tpu.memref_slice %arg21[%dma_wait3A_647, %dma_wait3A_648] : memref<112x128xf32, #tpu.memory_space<vmem>> -> memref<72x128xf32, #tpu.memory_space<vmem>>
          %dma_wait3A_650 = arith.constant 0 : i32
          %dma_wait3A_651 = tpu.memref_slice %arg2[%add3A_629, %dma_wait3A_650] : memref<10000x128xf32, #tpu.memory_space<hbm>> -> memref<72x128xf32, #tpu.memory_space<hbm>>
          tpu.wait_dma2 semaphore(%run_scoped3A : memref<!tpu.dma_semaphore, #tpu.memory_space<semaphore_mem>>) src(%dma_wait3A_651 : memref<72x128xf32, #tpu.memory_space<hbm>>) dst(%dma_wait3A_649 : memref<72x128xf32, #tpu.memory_space<vmem>>)
          tpu.yield
        }) : () -> ()
        %add3A_630 = arith.constant 560 : i32
        %add3A_631 = arith.addi %mul3A_4, %add3A_630 : i32
        "tpu.region"() ({
          %run_scoped3A = tpu.sem_alloc : memref<!tpu.dma_semaphore, #tpu.memory_space<semaphore_mem>>
          %dma_start3A_632 = arith.constant 0 : i32
          %dma_start3A_633 = arith.constant 0 : i32
          %dma_start3A_634 = tpu.memref_slice %arg21[%dma_start3A_632, %dma_start3A_633] : memref<112x128xf32, #tpu.memory_space<vmem>> -> memref<72x128xf32, #tpu.memory_space<vmem>>
          %dma_start3A_635 = arith.constant 0 : i32
          %dma_start3A_636 = tpu.memref_slice %arg7[%add3A_631, %dma_start3A_635] : memref<10112x128xf32, #tpu.memory_space<vmem_shared>> -> memref<72x128xf32, #tpu.memory_space<vmem_shared>>
          %dma_start3A_637 = arith.constant 0 : i32
          %dma_start3A_638 = tpu.memref_slice %arg7[%add3A_631, %dma_start3A_637] : memref<10112x128xf32, #tpu.memory_space<vmem_shared>> -> memref<72x128xf32, #tpu.memory_space<vmem_shared>>
          %dma_start3A_639 = arith.constant 0 : i32
          %dma_start3A_640 = arith.constant 0 : i32
          %dma_start3A_641 = tpu.memref_slice %arg21[%dma_start3A_639, %dma_start3A_640] : memref<112x128xf32, #tpu.memory_space<vmem>> -> memref<72x128xf32, #tpu.memory_space<vmem>>
          tpu.enqueue_dma source(%dma_start3A_641 : memref<72x128xf32, #tpu.memory_space<vmem>>) target(%dma_start3A_638 : memref<72x128xf32, #tpu.memory_space<vmem_shared>>) target_semaphore(%run_scoped3A : memref<!tpu.dma_semaphore, #tpu.memory_space<semaphore_mem>>)
          %dma_wait3A_642 = arith.constant 0 : i32
          %dma_wait3A_643 = arith.constant 0 : i32
          %dma_wait3A_644 = tpu.memref_slice %arg21[%dma_wait3A_642, %dma_wait3A_643] : memref<112x128xf32, #tpu.memory_space<vmem>> -> memref<72x128xf32, #tpu.memory_space<vmem>>
          %dma_wait3A_645 = arith.constant 0 : i32
          %dma_wait3A_646 = tpu.memref_slice %arg7[%add3A_631, %dma_wait3A_645] : memref<10112x128xf32, #tpu.memory_space<vmem_shared>> -> memref<72x128xf32, #tpu.memory_space<vmem_shared>>
          %dma_wait3A_647 = arith.constant 0 : i32
          %dma_wait3A_648 = tpu.memref_slice %arg7[%add3A_631, %dma_wait3A_647] : memref<10112x128xf32, #tpu.memory_space<vmem_shared>> -> memref<72x128xf32, #tpu.memory_space<vmem_shared>>
          %dma_wait3A_649 = arith.constant 0 : i32
          %dma_wait3A_650 = arith.constant 0 : i32
          %dma_wait3A_651 = tpu.memref_slice %arg21[%dma_wait3A_649, %dma_wait3A_650] : memref<112x128xf32, #tpu.memory_space<vmem>> -> memref<72x128xf32, #tpu.memory_space<vmem>>
          tpu.wait_dma2 semaphore(%run_scoped3A : memref<!tpu.dma_semaphore, #tpu.memory_space<semaphore_mem>>) src(%dma_wait3A_651 : memref<72x128xf32, #tpu.memory_space<vmem>>) dst(%dma_wait3A_648 : memref<72x128xf32, #tpu.memory_space<vmem_shared>>)
          tpu.yield
        }) : () -> ()
      } else {
      }
      %eq3A_619 = arith.constant 15 : i32
      %eq3A_620 = arith.cmpi eq, %arg1, %eq3A_619 : i32
      %convert_element_type3A_621 = arith.extui %eq3A_620 : i1 to i32
      %cond3A_622 = arith.constant 0 : i32
      %cond3A_623 = arith.cmpi ne, %convert_element_type3A_621, %cond3A_622 : i32
      scf.if %cond3A_623 {
        %add3A_624 = arith.constant 448 : i32
        %add3A_625 = arith.addi %mul3A_4, %add3A_624 : i32
        "tpu.region"() ({
          %run_scoped3A = tpu.sem_alloc : memref<!tpu.dma_semaphore, #tpu.memory_space<semaphore_mem>>
          %dma_start3A_628 = arith.constant 0 : i32
          %dma_start3A_629 = arith.constant 0 : i32
          %dma_start3A_630 = tpu.memref_slice %arg20[%dma_start3A_628, %dma_start3A_629] : memref<112x128xf32, #tpu.memory_space<vmem>> -> memref<72x128xf32, #tpu.memory_space<vmem>>
          %dma_start3A_631 = arith.constant 0 : i32
          %dma_start3A_632 = tpu.memref_slice %arg2[%add3A_625, %dma_start3A_631] : memref<10000x128xf32, #tpu.memory_space<hbm>> -> memref<72x128xf32, #tpu.memory_space<hbm>>
          %dma_start3A_633 = arith.constant 0 : i32
          %dma_start3A_634 = arith.constant 0 : i32
          %dma_start3A_635 = tpu.memref_slice %arg20[%dma_start3A_633, %dma_start3A_634] : memref<112x128xf32, #tpu.memory_space<vmem>> -> memref<72x128xf32, #tpu.memory_space<vmem>>
          %dma_start3A_636 = arith.constant 0 : i32
          %dma_start3A_637 = tpu.memref_slice %arg2[%add3A_625, %dma_start3A_636] : memref<10000x128xf32, #tpu.memory_space<hbm>> -> memref<72x128xf32, #tpu.memory_space<hbm>>
          tpu.enqueue_dma source(%dma_start3A_637 : memref<72x128xf32, #tpu.memory_space<hbm>>) target(%dma_start3A_635 : memref<72x128xf32, #tpu.memory_space<vmem>>) target_semaphore(%run_scoped3A : memref<!tpu.dma_semaphore, #tpu.memory_space<semaphore_mem>>)
          %dma_wait3A_638 = arith.constant 0 : i32
          %dma_wait3A_639 = arith.constant 0 : i32
          %dma_wait3A_640 = tpu.memref_slice %arg20[%dma_wait3A_638, %dma_wait3A_639] : memref<112x128xf32, #tpu.memory_space<vmem>> -> memref<72x128xf32, #tpu.memory_space<vmem>>
          %dma_wait3A_641 = arith.constant 0 : i32
          %dma_wait3A_642 = tpu.memref_slice %arg2[%add3A_625, %dma_wait3A_641] : memref<10000x128xf32, #tpu.memory_space<hbm>> -> memref<72x128xf32, #tpu.memory_space<hbm>>
          %dma_wait3A_643 = arith.constant 0 : i32
          %dma_wait3A_644 = arith.constant 0 : i32
          %dma_wait3A_645 = tpu.memref_slice %arg20[%dma_wait3A_643, %dma_wait3A_644] : memref<112x128xf32, #tpu.memory_space<vmem>> -> memref<72x128xf32, #tpu.memory_space<vmem>>
          %dma_wait3A_646 = arith.constant 0 : i32
          %dma_wait3A_647 = tpu.memref_slice %arg2[%add3A_625, %dma_wait3A_646] : memref<10000x128xf32, #tpu.memory_space<hbm>> -> memref<72x128xf32, #tpu.memory_space<hbm>>
          tpu.wait_dma2 semaphore(%run_scoped3A : memref<!tpu.dma_semaphore, #tpu.memory_space<semaphore_mem>>) src(%dma_wait3A_647 : memref<72x128xf32, #tpu.memory_space<hbm>>) dst(%dma_wait3A_645 : memref<72x128xf32, #tpu.memory_space<vmem>>)
          tpu.yield
        }) : () -> ()
        %add3A_626 = arith.constant 448 : i32
        %add3A_627 = arith.addi %mul3A_4, %add3A_626 : i32
        "tpu.region"() ({
          %run_scoped3A = tpu.sem_alloc : memref<!tpu.dma_semaphore, #tpu.memory_space<semaphore_mem>>
          %dma_start3A_628 = arith.constant 0 : i32
          %dma_start3A_629 = arith.constant 0 : i32
          %dma_start3A_630 = tpu.memref_slice %arg20[%dma_start3A_628, %dma_start3A_629] : memref<112x128xf32, #tpu.memory_space<vmem>> -> memref<72x128xf32, #tpu.memory_space<vmem>>
          %dma_start3A_631 = arith.constant 0 : i32
          %dma_start3A_632 = tpu.memref_slice %arg7[%add3A_627, %dma_start3A_631] : memref<10112x128xf32, #tpu.memory_space<vmem_shared>> -> memref<72x128xf32, #tpu.memory_space<vmem_shared>>
          %dma_start3A_633 = arith.constant 0 : i32
          %dma_start3A_634 = tpu.memref_slice %arg7[%add3A_627, %dma_start3A_633] : memref<10112x128xf32, #tpu.memory_space<vmem_shared>> -> memref<72x128xf32, #tpu.memory_space<vmem_shared>>
          %dma_start3A_635 = arith.constant 0 : i32
          %dma_start3A_636 = arith.constant 0 : i32
          %dma_start3A_637 = tpu.memref_slice %arg20[%dma_start3A_635, %dma_start3A_636] : memref<112x128xf32, #tpu.memory_space<vmem>> -> memref<72x128xf32, #tpu.memory_space<vmem>>
          tpu.enqueue_dma source(%dma_start3A_637 : memref<72x128xf32, #tpu.memory_space<vmem>>) target(%dma_start3A_634 : memref<72x128xf32, #tpu.memory_space<vmem_shared>>) target_semaphore(%run_scoped3A : memref<!tpu.dma_semaphore, #tpu.memory_space<semaphore_mem>>)
          %dma_wait3A_638 = arith.constant 0 : i32
          %dma_wait3A_639 = arith.constant 0 : i32
          %dma_wait3A_640 = tpu.memref_slice %arg20[%dma_wait3A_638, %dma_wait3A_639] : memref<112x128xf32, #tpu.memory_space<vmem>> -> memref<72x128xf32, #tpu.memory_space<vmem>>
          %dma_wait3A_641 = arith.constant 0 : i32
          %dma_wait3A_642 = tpu.memref_slice %arg7[%add3A_627, %dma_wait3A_641] : memref<10112x128xf32, #tpu.memory_space<vmem_shared>> -> memref<72x128xf32, #tpu.memory_space<vmem_shared>>
          %dma_wait3A_643 = arith.constant 0 : i32
          %dma_wait3A_644 = tpu.memref_slice %arg7[%add3A_627, %dma_wait3A_643] : memref<10112x128xf32, #tpu.memory_space<vmem_shared>> -> memref<72x128xf32, #tpu.memory_space<vmem_shared>>
          %dma_wait3A_645 = arith.constant 0 : i32
          %dma_wait3A_646 = arith.constant 0 : i32
          %dma_wait3A_647 = tpu.memref_slice %arg20[%dma_wait3A_645, %dma_wait3A_646] : memref<112x128xf32, #tpu.memory_space<vmem>> -> memref<72x128xf32, #tpu.memory_space<vmem>>
          tpu.wait_dma2 semaphore(%run_scoped3A : memref<!tpu.dma_semaphore, #tpu.memory_space<semaphore_mem>>) src(%dma_wait3A_647 : memref<72x128xf32, #tpu.memory_space<vmem>>) dst(%dma_wait3A_644 : memref<72x128xf32, #tpu.memory_space<vmem_shared>>)
          tpu.yield
        }) : () -> ()
      } else {
      }
    } else {
    }
    %eq3A_7 = arith.constant 1 : i32
    %eq3A_8 = arith.cmpi eq, %arg0, %eq3A_7 : i32
    %convert_element_type3A_9 = arith.extui %eq3A_8 : i1 to i32
    %cond3A_10 = arith.constant 0 : i32
    %cond3A_11 = arith.cmpi ne, %convert_element_type3A_9, %cond3A_10 : i32
    scf.if %cond3A_11 {
      "tpu.region"() ({
        %run_scoped3A = tpu.sem_alloc : memref<!tpu.dma_semaphore, #tpu.memory_space<semaphore_mem>>
        tpu.enqueue_dma source(%arg5 : memref<112x128xf32, #tpu.memory_space<hbm>>) target(%arg20 : memref<112x128xf32, #tpu.memory_space<vmem>>) target_semaphore(%run_scoped3A : memref<!tpu.dma_semaphore, #tpu.memory_space<semaphore_mem>>)
        tpu.wait_dma2 semaphore(%run_scoped3A : memref<!tpu.dma_semaphore, #tpu.memory_space<semaphore_mem>>) src(%arg5 : memref<112x128xf32, #tpu.memory_space<hbm>>) dst(%arg20 : memref<112x128xf32, #tpu.memory_space<vmem>>)
        tpu.yield
      }) : () -> ()
      %scan3A_511 = arith.constant 0 : i32
      %scan3A_512 = arith.constant 0 : i32
      %scan3A_513 = arith.constant 5 : i32
      %scan3A_514 = arith.addi %scan3A_512, %scan3A_513 : i32
      %scan3A_515 = arith.constant 1 : i32
      scf.for %scan3A_519 = %scan3A_512 to %scan3A_514 step %scan3A_515  : i32 {
        %mul3A_520 = arith.constant 112 : i32
        %mul3A_521 = arith.muli %scan3A_519, %mul3A_520 : i32
        %add3A_522 = arith.addi %mul3A_4, %mul3A_521 : i32
        "tpu.region"() ({
          %run_scoped3A = tpu.sem_alloc : memref<!tpu.dma_semaphore, #tpu.memory_space<semaphore_mem>>
          %dma_start3A_523 = arith.constant 0 : i32
          %dma_start3A_524 = tpu.memref_slice %arg7[%add3A_522, %dma_start3A_523] : memref<10112x128xf32, #tpu.memory_space<vmem_shared>> -> memref<112x128xf32, #tpu.memory_space<vmem_shared>>
          %dma_start3A_525 = arith.constant 0 : i32
          %dma_start3A_526 = tpu.memref_slice %arg7[%add3A_522, %dma_start3A_525] : memref<10112x128xf32, #tpu.memory_space<vmem_shared>> -> memref<112x128xf32, #tpu.memory_space<vmem_shared>>
          tpu.enqueue_dma source(%arg20 : memref<112x128xf32, #tpu.memory_space<vmem>>) target(%dma_start3A_526 : memref<112x128xf32, #tpu.memory_space<vmem_shared>>) target_semaphore(%run_scoped3A : memref<!tpu.dma_semaphore, #tpu.memory_space<semaphore_mem>>)
          %dma_wait3A_527 = arith.constant 0 : i32
          %dma_wait3A_528 = tpu.memref_slice %arg7[%add3A_522, %dma_wait3A_527] : memref<10112x128xf32, #tpu.memory_space<vmem_shared>> -> memref<112x128xf32, #tpu.memory_space<vmem_shared>>
          %dma_wait3A_529 = arith.constant 0 : i32
          %dma_wait3A_530 = tpu.memref_slice %arg7[%add3A_522, %dma_wait3A_529] : memref<10112x128xf32, #tpu.memory_space<vmem_shared>> -> memref<112x128xf32, #tpu.memory_space<vmem_shared>>
          tpu.wait_dma2 semaphore(%run_scoped3A : memref<!tpu.dma_semaphore, #tpu.memory_space<semaphore_mem>>) src(%arg20 : memref<112x128xf32, #tpu.memory_space<vmem>>) dst(%dma_wait3A_530 : memref<112x128xf32, #tpu.memory_space<vmem_shared>>)
          tpu.yield
        }) : () -> ()
      }
      %scan3A_516 = arith.constant 5 : i32
      %add3A_517 = arith.constant 560 : i32
      %add3A_518 = arith.addi %mul3A_4, %add3A_517 : i32
      "tpu.region"() ({
        %run_scoped3A = tpu.sem_alloc : memref<!tpu.dma_semaphore, #tpu.memory_space<semaphore_mem>>
        %dma_start3A_519 = arith.constant 0 : i32
        %dma_start3A_520 = arith.constant 0 : i32
        %dma_start3A_521 = tpu.memref_slice %arg20[%dma_start3A_519, %dma_start3A_520] : memref<112x128xf32, #tpu.memory_space<vmem>> -> memref<72x128xf32, #tpu.memory_space<vmem>>
        %dma_start3A_522 = arith.constant 0 : i32
        %dma_start3A_523 = tpu.memref_slice %arg7[%add3A_518, %dma_start3A_522] : memref<10112x128xf32, #tpu.memory_space<vmem_shared>> -> memref<72x128xf32, #tpu.memory_space<vmem_shared>>
        %dma_start3A_524 = arith.constant 0 : i32
        %dma_start3A_525 = tpu.memref_slice %arg7[%add3A_518, %dma_start3A_524] : memref<10112x128xf32, #tpu.memory_space<vmem_shared>> -> memref<72x128xf32, #tpu.memory_space<vmem_shared>>
        %dma_start3A_526 = arith.constant 0 : i32
        %dma_start3A_527 = arith.constant 0 : i32
        %dma_start3A_528 = tpu.memref_slice %arg20[%dma_start3A_526, %dma_start3A_527] : memref<112x128xf32, #tpu.memory_space<vmem>> -> memref<72x128xf32, #tpu.memory_space<vmem>>
        tpu.enqueue_dma source(%dma_start3A_528 : memref<72x128xf32, #tpu.memory_space<vmem>>) target(%dma_start3A_525 : memref<72x128xf32, #tpu.memory_space<vmem_shared>>) target_semaphore(%run_scoped3A : memref<!tpu.dma_semaphore, #tpu.memory_space<semaphore_mem>>)
        %dma_wait3A_529 = arith.constant 0 : i32
        %dma_wait3A_530 = arith.constant 0 : i32
        %dma_wait3A_531 = tpu.memref_slice %arg20[%dma_wait3A_529, %dma_wait3A_530] : memref<112x128xf32, #tpu.memory_space<vmem>> -> memref<72x128xf32, #tpu.memory_space<vmem>>
        %dma_wait3A_532 = arith.constant 0 : i32
        %dma_wait3A_533 = tpu.memref_slice %arg7[%add3A_518, %dma_wait3A_532] : memref<10112x128xf32, #tpu.memory_space<vmem_shared>> -> memref<72x128xf32, #tpu.memory_space<vmem_shared>>
        %dma_wait3A_534 = arith.constant 0 : i32
        %dma_wait3A_535 = tpu.memref_slice %arg7[%add3A_518, %dma_wait3A_534] : memref<10112x128xf32, #tpu.memory_space<vmem_shared>> -> memref<72x128xf32, #tpu.memory_space<vmem_shared>>
        %dma_wait3A_536 = arith.constant 0 : i32
        %dma_wait3A_537 = arith.constant 0 : i32
        %dma_wait3A_538 = tpu.memref_slice %arg20[%dma_wait3A_536, %dma_wait3A_537] : memref<112x128xf32, #tpu.memory_space<vmem>> -> memref<72x128xf32, #tpu.memory_space<vmem>>
        tpu.wait_dma2 semaphore(%run_scoped3A : memref<!tpu.dma_semaphore, #tpu.memory_space<semaphore_mem>>) src(%dma_wait3A_538 : memref<72x128xf32, #tpu.memory_space<vmem>>) dst(%dma_wait3A_535 : memref<72x128xf32, #tpu.memory_space<vmem_shared>>)
        tpu.yield
      }) : () -> ()
    } else {
    }
    %add3A_12 = arith.constant 0 : i32
    %add3A_13 = arith.addi %mul3A_2, %add3A_12 : i32
    %dma_start3A = tpu.memref_slice %arg3[%add3A_13] : memref<322560xi32, #tpu.memory_space<hbm>> -> memref<112xi32, #tpu.memory_space<hbm>>
    %dma_start3A_14 = tpu.memref_slice %arg3[%add3A_13] : memref<322560xi32, #tpu.memory_space<hbm>> -> memref<112xi32, #tpu.memory_space<hbm>>
    tpu.enqueue_dma source(%dma_start3A_14 : memref<112xi32, #tpu.memory_space<hbm>>) target(%arg8 : memref<112xi32, #tpu.memory_space<vmem>>) target_semaphore(%arg23 : memref<!tpu.dma_semaphore, #tpu.memory_space<semaphore_mem>>)
    %add3A_15 = arith.constant 0 : i32
    %add3A_16 = arith.addi %mul3A_2, %add3A_15 : i32
    %dma_start3A_17 = tpu.memref_slice %arg4[%add3A_16] : memref<322560xi32, #tpu.memory_space<hbm>> -> memref<112xi32, #tpu.memory_space<hbm>>
    %dma_start3A_18 = tpu.memref_slice %arg4[%add3A_16] : memref<322560xi32, #tpu.memory_space<hbm>> -> memref<112xi32, #tpu.memory_space<hbm>>
    tpu.enqueue_dma source(%dma_start3A_18 : memref<112xi32, #tpu.memory_space<hbm>>) target(%arg14 : memref<112xi32, #tpu.memory_space<vmem>>) target_semaphore(%arg23 : memref<!tpu.dma_semaphore, #tpu.memory_space<semaphore_mem>>)
    %add3A_19 = arith.constant 112 : i32
    %add3A_20 = arith.addi %mul3A_2, %add3A_19 : i32
    %dma_start3A_21 = tpu.memref_slice %arg3[%add3A_20] : memref<322560xi32, #tpu.memory_space<hbm>> -> memref<112xi32, #tpu.memory_space<hbm>>
    %dma_start3A_22 = tpu.memref_slice %arg3[%add3A_20] : memref<322560xi32, #tpu.memory_space<hbm>> -> memref<112xi32, #tpu.memory_space<hbm>>
    tpu.enqueue_dma source(%dma_start3A_22 : memref<112xi32, #tpu.memory_space<hbm>>) target(%arg9 : memref<112xi32, #tpu.memory_space<vmem>>) target_semaphore(%arg24 : memref<!tpu.dma_semaphore, #tpu.memory_space<semaphore_mem>>)
    %add3A_23 = arith.constant 112 : i32
    %add3A_24 = arith.addi %mul3A_2, %add3A_23 : i32
    %dma_start3A_25 = tpu.memref_slice %arg4[%add3A_24] : memref<322560xi32, #tpu.memory_space<hbm>> -> memref<112xi32, #tpu.memory_space<hbm>>
    %dma_start3A_26 = tpu.memref_slice %arg4[%add3A_24] : memref<322560xi32, #tpu.memory_space<hbm>> -> memref<112xi32, #tpu.memory_space<hbm>>
    tpu.enqueue_dma source(%dma_start3A_26 : memref<112xi32, #tpu.memory_space<hbm>>) target(%arg15 : memref<112xi32, #tpu.memory_space<vmem>>) target_semaphore(%arg24 : memref<!tpu.dma_semaphore, #tpu.memory_space<semaphore_mem>>)
    %add3A_27 = arith.constant 224 : i32
    %add3A_28 = arith.addi %mul3A_2, %add3A_27 : i32
    %dma_start3A_29 = tpu.memref_slice %arg3[%add3A_28] : memref<322560xi32, #tpu.memory_space<hbm>> -> memref<112xi32, #tpu.memory_space<hbm>>
    %dma_start3A_30 = tpu.memref_slice %arg3[%add3A_28] : memref<322560xi32, #tpu.memory_space<hbm>> -> memref<112xi32, #tpu.memory_space<hbm>>
    tpu.enqueue_dma source(%dma_start3A_30 : memref<112xi32, #tpu.memory_space<hbm>>) target(%arg10 : memref<112xi32, #tpu.memory_space<vmem>>) target_semaphore(%arg25 : memref<!tpu.dma_semaphore, #tpu.memory_space<semaphore_mem>>)
    %add3A_31 = arith.constant 224 : i32
    %add3A_32 = arith.addi %mul3A_2, %add3A_31 : i32
    %dma_start3A_33 = tpu.memref_slice %arg4[%add3A_32] : memref<322560xi32, #tpu.memory_space<hbm>> -> memref<112xi32, #tpu.memory_space<hbm>>
    %dma_start3A_34 = tpu.memref_slice %arg4[%add3A_32] : memref<322560xi32, #tpu.memory_space<hbm>> -> memref<112xi32, #tpu.memory_space<hbm>>
    tpu.enqueue_dma source(%dma_start3A_34 : memref<112xi32, #tpu.memory_space<hbm>>) target(%arg16 : memref<112xi32, #tpu.memory_space<vmem>>) target_semaphore(%arg25 : memref<!tpu.dma_semaphore, #tpu.memory_space<semaphore_mem>>)
    %add3A_35 = arith.constant 336 : i32
    %add3A_36 = arith.addi %mul3A_2, %add3A_35 : i32
    %dma_start3A_37 = tpu.memref_slice %arg3[%add3A_36] : memref<322560xi32, #tpu.memory_space<hbm>> -> memref<112xi32, #tpu.memory_space<hbm>>
    %dma_start3A_38 = tpu.memref_slice %arg3[%add3A_36] : memref<322560xi32, #tpu.memory_space<hbm>> -> memref<112xi32, #tpu.memory_space<hbm>>
    tpu.enqueue_dma source(%dma_start3A_38 : memref<112xi32, #tpu.memory_space<hbm>>) target(%arg11 : memref<112xi32, #tpu.memory_space<vmem>>) target_semaphore(%arg26 : memref<!tpu.dma_semaphore, #tpu.memory_space<semaphore_mem>>)
    %add3A_39 = arith.constant 336 : i32
    %add3A_40 = arith.addi %mul3A_2, %add3A_39 : i32
    %dma_start3A_41 = tpu.memref_slice %arg4[%add3A_40] : memref<322560xi32, #tpu.memory_space<hbm>> -> memref<112xi32, #tpu.memory_space<hbm>>
    %dma_start3A_42 = tpu.memref_slice %arg4[%add3A_40] : memref<322560xi32, #tpu.memory_space<hbm>> -> memref<112xi32, #tpu.memory_space<hbm>>
    tpu.enqueue_dma source(%dma_start3A_42 : memref<112xi32, #tpu.memory_space<hbm>>) target(%arg17 : memref<112xi32, #tpu.memory_space<vmem>>) target_semaphore(%arg26 : memref<!tpu.dma_semaphore, #tpu.memory_space<semaphore_mem>>)
    %add3A_43 = arith.constant 0 : i32
    %add3A_44 = arith.addi %mul3A_2, %add3A_43 : i32
    %dma_wait3A = tpu.memref_slice %arg3[%add3A_44] : memref<322560xi32, #tpu.memory_space<hbm>> -> memref<112xi32, #tpu.memory_space<hbm>>
    %dma_wait3A_45 = tpu.memref_slice %arg3[%add3A_44] : memref<322560xi32, #tpu.memory_space<hbm>> -> memref<112xi32, #tpu.memory_space<hbm>>
    tpu.wait_dma2 semaphore(%arg23 : memref<!tpu.dma_semaphore, #tpu.memory_space<semaphore_mem>>) src(%dma_wait3A_45 : memref<112xi32, #tpu.memory_space<hbm>>) dst(%arg8 : memref<112xi32, #tpu.memory_space<vmem>>)
    %add3A_46 = arith.constant 0 : i32
    %add3A_47 = arith.addi %mul3A_2, %add3A_46 : i32
    %dma_wait3A_48 = tpu.memref_slice %arg4[%add3A_47] : memref<322560xi32, #tpu.memory_space<hbm>> -> memref<112xi32, #tpu.memory_space<hbm>>
    %dma_wait3A_49 = tpu.memref_slice %arg4[%add3A_47] : memref<322560xi32, #tpu.memory_space<hbm>> -> memref<112xi32, #tpu.memory_space<hbm>>
    tpu.wait_dma2 semaphore(%arg23 : memref<!tpu.dma_semaphore, #tpu.memory_space<semaphore_mem>>) src(%dma_wait3A_49 : memref<112xi32, #tpu.memory_space<hbm>>) dst(%arg14 : memref<112xi32, #tpu.memory_space<vmem>>)
    %dma_start3A_50 = arith.constant 0 : i32
    %dma_start3A_51 = arith.constant 0 : i32
    %dma_start3A_52 = tpu.memref_slice %arg2[%dma_start3A_50, %dma_start3A_51] : memref<10000x128xf32, #tpu.memory_space<hbm>> -> memref<10000x128xf32, #tpu.memory_space<hbm>>
    tpu.enqueue_indirect_dma source(%dma_start3A_52 : memref<10000x128xf32, #tpu.memory_space<hbm>>) target(%arg20 : memref<112x128xf32, #tpu.memory_space<vmem>>) offsets(%arg8 : memref<112xi32, #tpu.memory_space<vmem>>) semaphore(%arg29 : memref<!tpu.dma_semaphore, #tpu.memory_space<semaphore_mem>>)
    %add3A_53 = arith.constant 112 : i32
    %add3A_54 = arith.addi %mul3A_2, %add3A_53 : i32
    %dma_wait3A_55 = tpu.memref_slice %arg3[%add3A_54] : memref<322560xi32, #tpu.memory_space<hbm>> -> memref<112xi32, #tpu.memory_space<hbm>>
    %dma_wait3A_56 = tpu.memref_slice %arg3[%add3A_54] : memref<322560xi32, #tpu.memory_space<hbm>> -> memref<112xi32, #tpu.memory_space<hbm>>
    tpu.wait_dma2 semaphore(%arg24 : memref<!tpu.dma_semaphore, #tpu.memory_space<semaphore_mem>>) src(%dma_wait3A_56 : memref<112xi32, #tpu.memory_space<hbm>>) dst(%arg9 : memref<112xi32, #tpu.memory_space<vmem>>)
    %add3A_57 = arith.constant 112 : i32
    %add3A_58 = arith.addi %mul3A_2, %add3A_57 : i32
    %dma_wait3A_59 = tpu.memref_slice %arg4[%add3A_58] : memref<322560xi32, #tpu.memory_space<hbm>> -> memref<112xi32, #tpu.memory_space<hbm>>
    %dma_wait3A_60 = tpu.memref_slice %arg4[%add3A_58] : memref<322560xi32, #tpu.memory_space<hbm>> -> memref<112xi32, #tpu.memory_space<hbm>>
    tpu.wait_dma2 semaphore(%arg24 : memref<!tpu.dma_semaphore, #tpu.memory_space<semaphore_mem>>) src(%dma_wait3A_60 : memref<112xi32, #tpu.memory_space<hbm>>) dst(%arg15 : memref<112xi32, #tpu.memory_space<vmem>>)
    %dma_start3A_61 = arith.constant 0 : i32
    %dma_start3A_62 = arith.constant 0 : i32
    %dma_start3A_63 = tpu.memref_slice %arg2[%dma_start3A_61, %dma_start3A_62] : memref<10000x128xf32, #tpu.memory_space<hbm>> -> memref<10000x128xf32, #tpu.memory_space<hbm>>
    tpu.enqueue_indirect_dma source(%dma_start3A_63 : memref<10000x128xf32, #tpu.memory_space<hbm>>) target(%arg21 : memref<112x128xf32, #tpu.memory_space<vmem>>) offsets(%arg9 : memref<112xi32, #tpu.memory_space<vmem>>) semaphore(%arg30 : memref<!tpu.dma_semaphore, #tpu.memory_space<semaphore_mem>>)
    %barrier3A = arith.constant 0 : index
    tpu.barrier barrier_id(%barrier3A)
    %dma_wait3A_64 = arith.constant 0 : i32
    %dma_wait3A_65 = arith.constant 0 : i32
    %dma_wait3A_66 = tpu.memref_slice %arg2[%dma_wait3A_64, %dma_wait3A_65] : memref<10000x128xf32, #tpu.memory_space<hbm>> -> memref<10000x128xf32, #tpu.memory_space<hbm>>
    tpu.wait_indirect_dma semaphore(%arg29 : memref<!tpu.dma_semaphore, #tpu.memory_space<semaphore_mem>>) src(%dma_wait3A_66 : memref<10000x128xf32, #tpu.memory_space<hbm>>) dst(%arg20 : memref<112x128xf32, #tpu.memory_space<vmem>>)
    %dma_start3A_67 = arith.constant 0 : i32
    %dma_start3A_68 = arith.constant 0 : i32
    %dma_start3A_69 = tpu.memref_slice %arg7[%dma_start3A_67, %dma_start3A_68] : memref<10112x128xf32, #tpu.memory_space<vmem_shared>> -> memref<10112x128xf32, #tpu.memory_space<vmem_shared>>
    tpu.enqueue_indirect_dma source(%arg20 : memref<112x128xf32, #tpu.memory_space<vmem>>) target(%dma_start3A_69 : memref<10112x128xf32, #tpu.memory_space<vmem_shared>>) offsets(%arg14 : memref<112xi32, #tpu.memory_space<vmem>>) semaphore(%arg32 : memref<!tpu.dma_semaphore, #tpu.memory_space<semaphore_mem>>) {add = true}
    %add3A_70 = arith.constant 448 : i32
    %add3A_71 = arith.addi %mul3A_2, %add3A_70 : i32
    %dma_start3A_72 = tpu.memref_slice %arg3[%add3A_71] : memref<322560xi32, #tpu.memory_space<hbm>> -> memref<112xi32, #tpu.memory_space<hbm>>
    %dma_start3A_73 = tpu.memref_slice %arg3[%add3A_71] : memref<322560xi32, #tpu.memory_space<hbm>> -> memref<112xi32, #tpu.memory_space<hbm>>
    tpu.enqueue_dma source(%dma_start3A_73 : memref<112xi32, #tpu.memory_space<hbm>>) target(%arg12 : memref<112xi32, #tpu.memory_space<vmem>>) target_semaphore(%arg27 : memref<!tpu.dma_semaphore, #tpu.memory_space<semaphore_mem>>)
    %add3A_74 = arith.constant 448 : i32
    %add3A_75 = arith.addi %mul3A_2, %add3A_74 : i32
    %dma_start3A_76 = tpu.memref_slice %arg4[%add3A_75] : memref<322560xi32, #tpu.memory_space<hbm>> -> memref<112xi32, #tpu.memory_space<hbm>>
    %dma_start3A_77 = tpu.memref_slice %arg4[%add3A_75] : memref<322560xi32, #tpu.memory_space<hbm>> -> memref<112xi32, #tpu.memory_space<hbm>>
    tpu.enqueue_dma source(%dma_start3A_77 : memref<112xi32, #tpu.memory_space<hbm>>) target(%arg18 : memref<112xi32, #tpu.memory_space<vmem>>) target_semaphore(%arg27 : memref<!tpu.dma_semaphore, #tpu.memory_space<semaphore_mem>>)
    %add3A_78 = arith.constant 224 : i32
    %add3A_79 = arith.addi %mul3A_2, %add3A_78 : i32
    %dma_wait3A_80 = tpu.memref_slice %arg3[%add3A_79] : memref<322560xi32, #tpu.memory_space<hbm>> -> memref<112xi32, #tpu.memory_space<hbm>>
    %dma_wait3A_81 = tpu.memref_slice %arg3[%add3A_79] : memref<322560xi32, #tpu.memory_space<hbm>> -> memref<112xi32, #tpu.memory_space<hbm>>
    tpu.wait_dma2 semaphore(%arg25 : memref<!tpu.dma_semaphore, #tpu.memory_space<semaphore_mem>>) src(%dma_wait3A_81 : memref<112xi32, #tpu.memory_space<hbm>>) dst(%arg10 : memref<112xi32, #tpu.memory_space<vmem>>)
    %add3A_82 = arith.constant 224 : i32
    %add3A_83 = arith.addi %mul3A_2, %add3A_82 : i32
    %dma_wait3A_84 = tpu.memref_slice %arg4[%add3A_83] : memref<322560xi32, #tpu.memory_space<hbm>> -> memref<112xi32, #tpu.memory_space<hbm>>
    %dma_wait3A_85 = tpu.memref_slice %arg4[%add3A_83] : memref<322560xi32, #tpu.memory_space<hbm>> -> memref<112xi32, #tpu.memory_space<hbm>>
    tpu.wait_dma2 semaphore(%arg25 : memref<!tpu.dma_semaphore, #tpu.memory_space<semaphore_mem>>) src(%dma_wait3A_85 : memref<112xi32, #tpu.memory_space<hbm>>) dst(%arg16 : memref<112xi32, #tpu.memory_space<vmem>>)
    %dma_start3A_86 = arith.constant 0 : i32
    %dma_start3A_87 = arith.constant 0 : i32
    %dma_start3A_88 = tpu.memref_slice %arg2[%dma_start3A_86, %dma_start3A_87] : memref<10000x128xf32, #tpu.memory_space<hbm>> -> memref<10000x128xf32, #tpu.memory_space<hbm>>
    tpu.enqueue_indirect_dma source(%dma_start3A_88 : memref<10000x128xf32, #tpu.memory_space<hbm>>) target(%arg22 : memref<112x128xf32, #tpu.memory_space<vmem>>) offsets(%arg10 : memref<112xi32, #tpu.memory_space<vmem>>) semaphore(%arg31 : memref<!tpu.dma_semaphore, #tpu.memory_space<semaphore_mem>>)
    %dma_wait3A_89 = arith.constant 0 : i32
    %dma_wait3A_90 = arith.constant 0 : i32
    %dma_wait3A_91 = tpu.memref_slice %arg2[%dma_wait3A_89, %dma_wait3A_90] : memref<10000x128xf32, #tpu.memory_space<hbm>> -> memref<10000x128xf32, #tpu.memory_space<hbm>>
    tpu.wait_indirect_dma semaphore(%arg30 : memref<!tpu.dma_semaphore, #tpu.memory_space<semaphore_mem>>) src(%dma_wait3A_91 : memref<10000x128xf32, #tpu.memory_space<hbm>>) dst(%arg21 : memref<112x128xf32, #tpu.memory_space<vmem>>)
    %dma_wait3A_92 = arith.constant 0 : i32
    %dma_wait3A_93 = arith.constant 0 : i32
    %dma_wait3A_94 = tpu.memref_slice %arg7[%dma_wait3A_92, %dma_wait3A_93] : memref<10112x128xf32, #tpu.memory_space<vmem_shared>> -> memref<10112x128xf32, #tpu.memory_space<vmem_shared>>
    tpu.wait_indirect_dma semaphore(%arg32 : memref<!tpu.dma_semaphore, #tpu.memory_space<semaphore_mem>>) src(%arg20 : memref<112x128xf32, #tpu.memory_space<vmem>>) dst(%dma_wait3A_94 : memref<10112x128xf32, #tpu.memory_space<vmem_shared>>)
    %dma_start3A_95 = arith.constant 0 : i32
    %dma_start3A_96 = arith.constant 0 : i32
    %dma_start3A_97 = tpu.memref_slice %arg7[%dma_start3A_95, %dma_start3A_96] : memref<10112x128xf32, #tpu.memory_space<vmem_shared>> -> memref<10112x128xf32, #tpu.memory_space<vmem_shared>>
    tpu.enqueue_indirect_dma source(%arg21 : memref<112x128xf32, #tpu.memory_space<vmem>>) target(%dma_start3A_97 : memref<10112x128xf32, #tpu.memory_space<vmem_shared>>) offsets(%arg15 : memref<112xi32, #tpu.memory_space<vmem>>) semaphore(%arg33 : memref<!tpu.dma_semaphore, #tpu.memory_space<semaphore_mem>>) {add = true}
    %add3A_98 = arith.constant 560 : i32
    %add3A_99 = arith.addi %mul3A_2, %add3A_98 : i32
    %dma_start3A_100 = tpu.memref_slice %arg3[%add3A_99] : memref<322560xi32, #tpu.memory_space<hbm>> -> memref<112xi32, #tpu.memory_space<hbm>>
    %dma_start3A_101 = tpu.memref_slice %arg3[%add3A_99] : memref<322560xi32, #tpu.memory_space<hbm>> -> memref<112xi32, #tpu.memory_space<hbm>>
    tpu.enqueue_dma source(%dma_start3A_101 : memref<112xi32, #tpu.memory_space<hbm>>) target(%arg13 : memref<112xi32, #tpu.memory_space<vmem>>) target_semaphore(%arg28 : memref<!tpu.dma_semaphore, #tpu.memory_space<semaphore_mem>>)
    %add3A_102 = arith.constant 560 : i32
    %add3A_103 = arith.addi %mul3A_2, %add3A_102 : i32
    %dma_start3A_104 = tpu.memref_slice %arg4[%add3A_103] : memref<322560xi32, #tpu.memory_space<hbm>> -> memref<112xi32, #tpu.memory_space<hbm>>
    %dma_start3A_105 = tpu.memref_slice %arg4[%add3A_103] : memref<322560xi32, #tpu.memory_space<hbm>> -> memref<112xi32, #tpu.memory_space<hbm>>
    tpu.enqueue_dma source(%dma_start3A_105 : memref<112xi32, #tpu.memory_space<hbm>>) target(%arg19 : memref<112xi32, #tpu.memory_space<vmem>>) target_semaphore(%arg28 : memref<!tpu.dma_semaphore, #tpu.memory_space<semaphore_mem>>)
    %add3A_106 = arith.constant 336 : i32
    %add3A_107 = arith.addi %mul3A_2, %add3A_106 : i32
    %dma_wait3A_108 = tpu.memref_slice %arg3[%add3A_107] : memref<322560xi32, #tpu.memory_space<hbm>> -> memref<112xi32, #tpu.memory_space<hbm>>
    %dma_wait3A_109 = tpu.memref_slice %arg3[%add3A_107] : memref<322560xi32, #tpu.memory_space<hbm>> -> memref<112xi32, #tpu.memory_space<hbm>>
    tpu.wait_dma2 semaphore(%arg26 : memref<!tpu.dma_semaphore, #tpu.memory_space<semaphore_mem>>) src(%dma_wait3A_109 : memref<112xi32, #tpu.memory_space<hbm>>) dst(%arg11 : memref<112xi32, #tpu.memory_space<vmem>>)
    %add3A_110 = arith.constant 336 : i32
    %add3A_111 = arith.addi %mul3A_2, %add3A_110 : i32
    %dma_wait3A_112 = tpu.memref_slice %arg4[%add3A_111] : memref<322560xi32, #tpu.memory_space<hbm>> -> memref<112xi32, #tpu.memory_space<hbm>>
    %dma_wait3A_113 = tpu.memref_slice %arg4[%add3A_111] : memref<322560xi32, #tpu.memory_space<hbm>> -> memref<112xi32, #tpu.memory_space<hbm>>
    tpu.wait_dma2 semaphore(%arg26 : memref<!tpu.dma_semaphore, #tpu.memory_space<semaphore_mem>>) src(%dma_wait3A_113 : memref<112xi32, #tpu.memory_space<hbm>>) dst(%arg17 : memref<112xi32, #tpu.memory_space<vmem>>)
    %dma_start3A_114 = arith.constant 0 : i32
    %dma_start3A_115 = arith.constant 0 : i32
    %dma_start3A_116 = tpu.memref_slice %arg2[%dma_start3A_114, %dma_start3A_115] : memref<10000x128xf32, #tpu.memory_space<hbm>> -> memref<10000x128xf32, #tpu.memory_space<hbm>>
    tpu.enqueue_indirect_dma source(%dma_start3A_116 : memref<10000x128xf32, #tpu.memory_space<hbm>>) target(%arg20 : memref<112x128xf32, #tpu.memory_space<vmem>>) offsets(%arg11 : memref<112xi32, #tpu.memory_space<vmem>>) semaphore(%arg29 : memref<!tpu.dma_semaphore, #tpu.memory_space<semaphore_mem>>)
    %dma_wait3A_117 = arith.constant 0 : i32
    %dma_wait3A_118 = arith.constant 0 : i32
    %dma_wait3A_119 = tpu.memref_slice %arg2[%dma_wait3A_117, %dma_wait3A_118] : memref<10000x128xf32, #tpu.memory_space<hbm>> -> memref<10000x128xf32, #tpu.memory_space<hbm>>
    tpu.wait_indirect_dma semaphore(%arg31 : memref<!tpu.dma_semaphore, #tpu.memory_space<semaphore_mem>>) src(%dma_wait3A_119 : memref<10000x128xf32, #tpu.memory_space<hbm>>) dst(%arg22 : memref<112x128xf32, #tpu.memory_space<vmem>>)
    %dma_wait3A_120 = arith.constant 0 : i32
    %dma_wait3A_121 = arith.constant 0 : i32
    %dma_wait3A_122 = tpu.memref_slice %arg7[%dma_wait3A_120, %dma_wait3A_121] : memref<10112x128xf32, #tpu.memory_space<vmem_shared>> -> memref<10112x128xf32, #tpu.memory_space<vmem_shared>>
    tpu.wait_indirect_dma semaphore(%arg33 : memref<!tpu.dma_semaphore, #tpu.memory_space<semaphore_mem>>) src(%arg21 : memref<112x128xf32, #tpu.memory_space<vmem>>) dst(%dma_wait3A_122 : memref<10112x128xf32, #tpu.memory_space<vmem_shared>>)
    %dma_start3A_123 = arith.constant 0 : i32
    %dma_start3A_124 = arith.constant 0 : i32
    %dma_start3A_125 = tpu.memref_slice %arg7[%dma_start3A_123, %dma_start3A_124] : memref<10112x128xf32, #tpu.memory_space<vmem_shared>> -> memref<10112x128xf32, #tpu.memory_space<vmem_shared>>
    tpu.enqueue_indirect_dma source(%arg22 : memref<112x128xf32, #tpu.memory_space<vmem>>) target(%dma_start3A_125 : memref<10112x128xf32, #tpu.memory_space<vmem_shared>>) offsets(%arg16 : memref<112xi32, #tpu.memory_space<vmem>>) semaphore(%arg34 : memref<!tpu.dma_semaphore, #tpu.memory_space<semaphore_mem>>) {add = true}
    %add3A_126 = arith.constant 672 : i32
    %add3A_127 = arith.addi %mul3A_2, %add3A_126 : i32
    %dma_start3A_128 = tpu.memref_slice %arg3[%add3A_127] : memref<322560xi32, #tpu.memory_space<hbm>> -> memref<112xi32, #tpu.memory_space<hbm>>
    %dma_start3A_129 = tpu.memref_slice %arg3[%add3A_127] : memref<322560xi32, #tpu.memory_space<hbm>> -> memref<112xi32, #tpu.memory_space<hbm>>
    tpu.enqueue_dma source(%dma_start3A_129 : memref<112xi32, #tpu.memory_space<hbm>>) target(%arg8 : memref<112xi32, #tpu.memory_space<vmem>>) target_semaphore(%arg23 : memref<!tpu.dma_semaphore, #tpu.memory_space<semaphore_mem>>)
    %add3A_130 = arith.constant 672 : i32
    %add3A_131 = arith.addi %mul3A_2, %add3A_130 : i32
    %dma_start3A_132 = tpu.memref_slice %arg4[%add3A_131] : memref<322560xi32, #tpu.memory_space<hbm>> -> memref<112xi32, #tpu.memory_space<hbm>>
    %dma_start3A_133 = tpu.memref_slice %arg4[%add3A_131] : memref<322560xi32, #tpu.memory_space<hbm>> -> memref<112xi32, #tpu.memory_space<hbm>>
    tpu.enqueue_dma source(%dma_start3A_133 : memref<112xi32, #tpu.memory_space<hbm>>) target(%arg14 : memref<112xi32, #tpu.memory_space<vmem>>) target_semaphore(%arg23 : memref<!tpu.dma_semaphore, #tpu.memory_space<semaphore_mem>>)
    %add3A_134 = arith.constant 448 : i32
    %add3A_135 = arith.addi %mul3A_2, %add3A_134 : i32
    %dma_wait3A_136 = tpu.memref_slice %arg3[%add3A_135] : memref<322560xi32, #tpu.memory_space<hbm>> -> memref<112xi32, #tpu.memory_space<hbm>>
    %dma_wait3A_137 = tpu.memref_slice %arg3[%add3A_135] : memref<322560xi32, #tpu.memory_space<hbm>> -> memref<112xi32, #tpu.memory_space<hbm>>
    tpu.wait_dma2 semaphore(%arg27 : memref<!tpu.dma_semaphore, #tpu.memory_space<semaphore_mem>>) src(%dma_wait3A_137 : memref<112xi32, #tpu.memory_space<hbm>>) dst(%arg12 : memref<112xi32, #tpu.memory_space<vmem>>)
    %add3A_138 = arith.constant 448 : i32
    %add3A_139 = arith.addi %mul3A_2, %add3A_138 : i32
    %dma_wait3A_140 = tpu.memref_slice %arg4[%add3A_139] : memref<322560xi32, #tpu.memory_space<hbm>> -> memref<112xi32, #tpu.memory_space<hbm>>
    %dma_wait3A_141 = tpu.memref_slice %arg4[%add3A_139] : memref<322560xi32, #tpu.memory_space<hbm>> -> memref<112xi32, #tpu.memory_space<hbm>>
    tpu.wait_dma2 semaphore(%arg27 : memref<!tpu.dma_semaphore, #tpu.memory_space<semaphore_mem>>) src(%dma_wait3A_141 : memref<112xi32, #tpu.memory_space<hbm>>) dst(%arg18 : memref<112xi32, #tpu.memory_space<vmem>>)
    %dma_start3A_142 = arith.constant 0 : i32
    %dma_start3A_143 = arith.constant 0 : i32
    %dma_start3A_144 = tpu.memref_slice %arg2[%dma_start3A_142, %dma_start3A_143] : memref<10000x128xf32, #tpu.memory_space<hbm>> -> memref<10000x128xf32, #tpu.memory_space<hbm>>
    tpu.enqueue_indirect_dma source(%dma_start3A_144 : memref<10000x128xf32, #tpu.memory_space<hbm>>) target(%arg21 : memref<112x128xf32, #tpu.memory_space<vmem>>) offsets(%arg12 : memref<112xi32, #tpu.memory_space<vmem>>) semaphore(%arg30 : memref<!tpu.dma_semaphore, #tpu.memory_space<semaphore_mem>>)
    %dma_wait3A_145 = arith.constant 0 : i32
    %dma_wait3A_146 = arith.constant 0 : i32
    %dma_wait3A_147 = tpu.memref_slice %arg2[%dma_wait3A_145, %dma_wait3A_146] : memref<10000x128xf32, #tpu.memory_space<hbm>> -> memref<10000x128xf32, #tpu.memory_space<hbm>>
    tpu.wait_indirect_dma semaphore(%arg29 : memref<!tpu.dma_semaphore, #tpu.memory_space<semaphore_mem>>) src(%dma_wait3A_147 : memref<10000x128xf32, #tpu.memory_space<hbm>>) dst(%arg20 : memref<112x128xf32, #tpu.memory_space<vmem>>)
    %dma_wait3A_148 = arith.constant 0 : i32
    %dma_wait3A_149 = arith.constant 0 : i32
    %dma_wait3A_150 = tpu.memref_slice %arg7[%dma_wait3A_148, %dma_wait3A_149] : memref<10112x128xf32, #tpu.memory_space<vmem_shared>> -> memref<10112x128xf32, #tpu.memory_space<vmem_shared>>
    tpu.wait_indirect_dma semaphore(%arg34 : memref<!tpu.dma_semaphore, #tpu.memory_space<semaphore_mem>>) src(%arg22 : memref<112x128xf32, #tpu.memory_space<vmem>>) dst(%dma_wait3A_150 : memref<10112x128xf32, #tpu.memory_space<vmem_shared>>)
    %dma_start3A_151 = arith.constant 0 : i32
    %dma_start3A_152 = arith.constant 0 : i32
    %dma_start3A_153 = tpu.memref_slice %arg7[%dma_start3A_151, %dma_start3A_152] : memref<10112x128xf32, #tpu.memory_space<vmem_shared>> -> memref<10112x128xf32, #tpu.memory_space<vmem_shared>>
    tpu.enqueue_indirect_dma source(%arg20 : memref<112x128xf32, #tpu.memory_space<vmem>>) target(%dma_start3A_153 : memref<10112x128xf32, #tpu.memory_space<vmem_shared>>) offsets(%arg17 : memref<112xi32, #tpu.memory_space<vmem>>) semaphore(%arg32 : memref<!tpu.dma_semaphore, #tpu.memory_space<semaphore_mem>>) {add = true}
    %add3A_154 = arith.constant 784 : i32
    %add3A_155 = arith.addi %mul3A_2, %add3A_154 : i32
    %dma_start3A_156 = tpu.memref_slice %arg3[%add3A_155] : memref<322560xi32, #tpu.memory_space<hbm>> -> memref<112xi32, #tpu.memory_space<hbm>>
    %dma_start3A_157 = tpu.memref_slice %arg3[%add3A_155] : memref<322560xi32, #tpu.memory_space<hbm>> -> memref<112xi32, #tpu.memory_space<hbm>>
    tpu.enqueue_dma source(%dma_start3A_157 : memref<112xi32, #tpu.memory_space<hbm>>) target(%arg9 : memref<112xi32, #tpu.memory_space<vmem>>) target_semaphore(%arg24 : memref<!tpu.dma_semaphore, #tpu.memory_space<semaphore_mem>>)
    %add3A_158 = arith.constant 784 : i32
    %add3A_159 = arith.addi %mul3A_2, %add3A_158 : i32
    %dma_start3A_160 = tpu.memref_slice %arg4[%add3A_159] : memref<322560xi32, #tpu.memory_space<hbm>> -> memref<112xi32, #tpu.memory_space<hbm>>
    %dma_start3A_161 = tpu.memref_slice %arg4[%add3A_159] : memref<322560xi32, #tpu.memory_space<hbm>> -> memref<112xi32, #tpu.memory_space<hbm>>
    tpu.enqueue_dma source(%dma_start3A_161 : memref<112xi32, #tpu.memory_space<hbm>>) target(%arg15 : memref<112xi32, #tpu.memory_space<vmem>>) target_semaphore(%arg24 : memref<!tpu.dma_semaphore, #tpu.memory_space<semaphore_mem>>)
    %add3A_162 = arith.constant 560 : i32
    %add3A_163 = arith.addi %mul3A_2, %add3A_162 : i32
    %dma_wait3A_164 = tpu.memref_slice %arg3[%add3A_163] : memref<322560xi32, #tpu.memory_space<hbm>> -> memref<112xi32, #tpu.memory_space<hbm>>
    %dma_wait3A_165 = tpu.memref_slice %arg3[%add3A_163] : memref<322560xi32, #tpu.memory_space<hbm>> -> memref<112xi32, #tpu.memory_space<hbm>>
    tpu.wait_dma2 semaphore(%arg28 : memref<!tpu.dma_semaphore, #tpu.memory_space<semaphore_mem>>) src(%dma_wait3A_165 : memref<112xi32, #tpu.memory_space<hbm>>) dst(%arg13 : memref<112xi32, #tpu.memory_space<vmem>>)
    %add3A_166 = arith.constant 560 : i32
    %add3A_167 = arith.addi %mul3A_2, %add3A_166 : i32
    %dma_wait3A_168 = tpu.memref_slice %arg4[%add3A_167] : memref<322560xi32, #tpu.memory_space<hbm>> -> memref<112xi32, #tpu.memory_space<hbm>>
    %dma_wait3A_169 = tpu.memref_slice %arg4[%add3A_167] : memref<322560xi32, #tpu.memory_space<hbm>> -> memref<112xi32, #tpu.memory_space<hbm>>
    tpu.wait_dma2 semaphore(%arg28 : memref<!tpu.dma_semaphore, #tpu.memory_space<semaphore_mem>>) src(%dma_wait3A_169 : memref<112xi32, #tpu.memory_space<hbm>>) dst(%arg19 : memref<112xi32, #tpu.memory_space<vmem>>)
    %dma_start3A_170 = arith.constant 0 : i32
    %dma_start3A_171 = arith.constant 0 : i32
    %dma_start3A_172 = tpu.memref_slice %arg2[%dma_start3A_170, %dma_start3A_171] : memref<10000x128xf32, #tpu.memory_space<hbm>> -> memref<10000x128xf32, #tpu.memory_space<hbm>>
    tpu.enqueue_indirect_dma source(%dma_start3A_172 : memref<10000x128xf32, #tpu.memory_space<hbm>>) target(%arg22 : memref<112x128xf32, #tpu.memory_space<vmem>>) offsets(%arg13 : memref<112xi32, #tpu.memory_space<vmem>>) semaphore(%arg31 : memref<!tpu.dma_semaphore, #tpu.memory_space<semaphore_mem>>)
    %dma_wait3A_173 = arith.constant 0 : i32
    %dma_wait3A_174 = arith.constant 0 : i32
    %dma_wait3A_175 = tpu.memref_slice %arg2[%dma_wait3A_173, %dma_wait3A_174] : memref<10000x128xf32, #tpu.memory_space<hbm>> -> memref<10000x128xf32, #tpu.memory_space<hbm>>
    tpu.wait_indirect_dma semaphore(%arg30 : memref<!tpu.dma_semaphore, #tpu.memory_space<semaphore_mem>>) src(%dma_wait3A_175 : memref<10000x128xf32, #tpu.memory_space<hbm>>) dst(%arg21 : memref<112x128xf32, #tpu.memory_space<vmem>>)
    %dma_wait3A_176 = arith.constant 0 : i32
    %dma_wait3A_177 = arith.constant 0 : i32
    %dma_wait3A_178 = tpu.memref_slice %arg7[%dma_wait3A_176, %dma_wait3A_177] : memref<10112x128xf32, #tpu.memory_space<vmem_shared>> -> memref<10112x128xf32, #tpu.memory_space<vmem_shared>>
    tpu.wait_indirect_dma semaphore(%arg32 : memref<!tpu.dma_semaphore, #tpu.memory_space<semaphore_mem>>) src(%arg20 : memref<112x128xf32, #tpu.memory_space<vmem>>) dst(%dma_wait3A_178 : memref<10112x128xf32, #tpu.memory_space<vmem_shared>>)
    %dma_start3A_179 = arith.constant 0 : i32
    %dma_start3A_180 = arith.constant 0 : i32
    %dma_start3A_181 = tpu.memref_slice %arg7[%dma_start3A_179, %dma_start3A_180] : memref<10112x128xf32, #tpu.memory_space<vmem_shared>> -> memref<10112x128xf32, #tpu.memory_space<vmem_shared>>
    tpu.enqueue_indirect_dma source(%arg21 : memref<112x128xf32, #tpu.memory_space<vmem>>) target(%dma_start3A_181 : memref<10112x128xf32, #tpu.memory_space<vmem_shared>>) offsets(%arg18 : memref<112xi32, #tpu.memory_space<vmem>>) semaphore(%arg33 : memref<!tpu.dma_semaphore, #tpu.memory_space<semaphore_mem>>) {add = true}
    %add3A_182 = arith.constant 896 : i32
    %add3A_183 = arith.addi %mul3A_2, %add3A_182 : i32
    %dma_start3A_184 = tpu.memref_slice %arg3[%add3A_183] : memref<322560xi32, #tpu.memory_space<hbm>> -> memref<112xi32, #tpu.memory_space<hbm>>
    %dma_start3A_185 = tpu.memref_slice %arg3[%add3A_183] : memref<322560xi32, #tpu.memory_space<hbm>> -> memref<112xi32, #tpu.memory_space<hbm>>
    tpu.enqueue_dma source(%dma_start3A_185 : memref<112xi32, #tpu.memory_space<hbm>>) target(%arg10 : memref<112xi32, #tpu.memory_space<vmem>>) target_semaphore(%arg25 : memref<!tpu.dma_semaphore, #tpu.memory_space<semaphore_mem>>)
    %add3A_186 = arith.constant 896 : i32
    %add3A_187 = arith.addi %mul3A_2, %add3A_186 : i32
    %dma_start3A_188 = tpu.memref_slice %arg4[%add3A_187] : memref<322560xi32, #tpu.memory_space<hbm>> -> memref<112xi32, #tpu.memory_space<hbm>>
    %dma_start3A_189 = tpu.memref_slice %arg4[%add3A_187] : memref<322560xi32, #tpu.memory_space<hbm>> -> memref<112xi32, #tpu.memory_space<hbm>>
    tpu.enqueue_dma source(%dma_start3A_189 : memref<112xi32, #tpu.memory_space<hbm>>) target(%arg16 : memref<112xi32, #tpu.memory_space<vmem>>) target_semaphore(%arg25 : memref<!tpu.dma_semaphore, #tpu.memory_space<semaphore_mem>>)
    %add3A_190 = arith.constant 672 : i32
    %add3A_191 = arith.addi %mul3A_2, %add3A_190 : i32
    %dma_wait3A_192 = tpu.memref_slice %arg3[%add3A_191] : memref<322560xi32, #tpu.memory_space<hbm>> -> memref<112xi32, #tpu.memory_space<hbm>>
    %dma_wait3A_193 = tpu.memref_slice %arg3[%add3A_191] : memref<322560xi32, #tpu.memory_space<hbm>> -> memref<112xi32, #tpu.memory_space<hbm>>
    tpu.wait_dma2 semaphore(%arg23 : memref<!tpu.dma_semaphore, #tpu.memory_space<semaphore_mem>>) src(%dma_wait3A_193 : memref<112xi32, #tpu.memory_space<hbm>>) dst(%arg8 : memref<112xi32, #tpu.memory_space<vmem>>)
    %add3A_194 = arith.constant 672 : i32
    %add3A_195 = arith.addi %mul3A_2, %add3A_194 : i32
    %dma_wait3A_196 = tpu.memref_slice %arg4[%add3A_195] : memref<322560xi32, #tpu.memory_space<hbm>> -> memref<112xi32, #tpu.memory_space<hbm>>
    %dma_wait3A_197 = tpu.memref_slice %arg4[%add3A_195] : memref<322560xi32, #tpu.memory_space<hbm>> -> memref<112xi32, #tpu.memory_space<hbm>>
    tpu.wait_dma2 semaphore(%arg23 : memref<!tpu.dma_semaphore, #tpu.memory_space<semaphore_mem>>) src(%dma_wait3A_197 : memref<112xi32, #tpu.memory_space<hbm>>) dst(%arg14 : memref<112xi32, #tpu.memory_space<vmem>>)
    %dma_start3A_198 = arith.constant 0 : i32
    %dma_start3A_199 = arith.constant 0 : i32
    %dma_start3A_200 = tpu.memref_slice %arg2[%dma_start3A_198, %dma_start3A_199] : memref<10000x128xf32, #tpu.memory_space<hbm>> -> memref<10000x128xf32, #tpu.memory_space<hbm>>
    tpu.enqueue_indirect_dma source(%dma_start3A_200 : memref<10000x128xf32, #tpu.memory_space<hbm>>) target(%arg20 : memref<112x128xf32, #tpu.memory_space<vmem>>) offsets(%arg8 : memref<112xi32, #tpu.memory_space<vmem>>) semaphore(%arg29 : memref<!tpu.dma_semaphore, #tpu.memory_space<semaphore_mem>>)
    %dma_wait3A_201 = arith.constant 0 : i32
    %dma_wait3A_202 = arith.constant 0 : i32
    %dma_wait3A_203 = tpu.memref_slice %arg2[%dma_wait3A_201, %dma_wait3A_202] : memref<10000x128xf32, #tpu.memory_space<hbm>> -> memref<10000x128xf32, #tpu.memory_space<hbm>>
    tpu.wait_indirect_dma semaphore(%arg31 : memref<!tpu.dma_semaphore, #tpu.memory_space<semaphore_mem>>) src(%dma_wait3A_203 : memref<10000x128xf32, #tpu.memory_space<hbm>>) dst(%arg22 : memref<112x128xf32, #tpu.memory_space<vmem>>)
    %dma_wait3A_204 = arith.constant 0 : i32
    %dma_wait3A_205 = arith.constant 0 : i32
    %dma_wait3A_206 = tpu.memref_slice %arg7[%dma_wait3A_204, %dma_wait3A_205] : memref<10112x128xf32, #tpu.memory_space<vmem_shared>> -> memref<10112x128xf32, #tpu.memory_space<vmem_shared>>
    tpu.wait_indirect_dma semaphore(%arg33 : memref<!tpu.dma_semaphore, #tpu.memory_space<semaphore_mem>>) src(%arg21 : memref<112x128xf32, #tpu.memory_space<vmem>>) dst(%dma_wait3A_206 : memref<10112x128xf32, #tpu.memory_space<vmem_shared>>)
    %dma_start3A_207 = arith.constant 0 : i32
    %dma_start3A_208 = arith.constant 0 : i32
    %dma_start3A_209 = tpu.memref_slice %arg7[%dma_start3A_207, %dma_start3A_208] : memref<10112x128xf32, #tpu.memory_space<vmem_shared>> -> memref<10112x128xf32, #tpu.memory_space<vmem_shared>>
    tpu.enqueue_indirect_dma source(%arg22 : memref<112x128xf32, #tpu.memory_space<vmem>>) target(%dma_start3A_209 : memref<10112x128xf32, #tpu.memory_space<vmem_shared>>) offsets(%arg19 : memref<112xi32, #tpu.memory_space<vmem>>) semaphore(%arg34 : memref<!tpu.dma_semaphore, #tpu.memory_space<semaphore_mem>>) {add = true}
    %add3A_210 = arith.constant 1008 : i32
    %add3A_211 = arith.addi %mul3A_2, %add3A_210 : i32
    %dma_start3A_212 = tpu.memref_slice %arg3[%add3A_211] : memref<322560xi32, #tpu.memory_space<hbm>> -> memref<112xi32, #tpu.memory_space<hbm>>
    %dma_start3A_213 = tpu.memref_slice %arg3[%add3A_211] : memref<322560xi32, #tpu.memory_space<hbm>> -> memref<112xi32, #tpu.memory_space<hbm>>
    tpu.enqueue_dma source(%dma_start3A_213 : memref<112xi32, #tpu.memory_space<hbm>>) target(%arg11 : memref<112xi32, #tpu.memory_space<vmem>>) target_semaphore(%arg26 : memref<!tpu.dma_semaphore, #tpu.memory_space<semaphore_mem>>)
    %add3A_214 = arith.constant 1008 : i32
    %add3A_215 = arith.addi %mul3A_2, %add3A_214 : i32
    %dma_start3A_216 = tpu.memref_slice %arg4[%add3A_215] : memref<322560xi32, #tpu.memory_space<hbm>> -> memref<112xi32, #tpu.memory_space<hbm>>
    %dma_start3A_217 = tpu.memref_slice %arg4[%add3A_215] : memref<322560xi32, #tpu.memory_space<hbm>> -> memref<112xi32, #tpu.memory_space<hbm>>
    tpu.enqueue_dma source(%dma_start3A_217 : memref<112xi32, #tpu.memory_space<hbm>>) target(%arg17 : memref<112xi32, #tpu.memory_space<vmem>>) target_semaphore(%arg26 : memref<!tpu.dma_semaphore, #tpu.memory_space<semaphore_mem>>)
    %add3A_218 = arith.constant 784 : i32
    %add3A_219 = arith.addi %mul3A_2, %add3A_218 : i32
    %dma_wait3A_220 = tpu.memref_slice %arg3[%add3A_219] : memref<322560xi32, #tpu.memory_space<hbm>> -> memref<112xi32, #tpu.memory_space<hbm>>
    %dma_wait3A_221 = tpu.memref_slice %arg3[%add3A_219] : memref<322560xi32, #tpu.memory_space<hbm>> -> memref<112xi32, #tpu.memory_space<hbm>>
    tpu.wait_dma2 semaphore(%arg24 : memref<!tpu.dma_semaphore, #tpu.memory_space<semaphore_mem>>) src(%dma_wait3A_221 : memref<112xi32, #tpu.memory_space<hbm>>) dst(%arg9 : memref<112xi32, #tpu.memory_space<vmem>>)
    %add3A_222 = arith.constant 784 : i32
    %add3A_223 = arith.addi %mul3A_2, %add3A_222 : i32
    %dma_wait3A_224 = tpu.memref_slice %arg4[%add3A_223] : memref<322560xi32, #tpu.memory_space<hbm>> -> memref<112xi32, #tpu.memory_space<hbm>>
    %dma_wait3A_225 = tpu.memref_slice %arg4[%add3A_223] : memref<322560xi32, #tpu.memory_space<hbm>> -> memref<112xi32, #tpu.memory_space<hbm>>
    tpu.wait_dma2 semaphore(%arg24 : memref<!tpu.dma_semaphore, #tpu.memory_space<semaphore_mem>>) src(%dma_wait3A_225 : memref<112xi32, #tpu.memory_space<hbm>>) dst(%arg15 : memref<112xi32, #tpu.memory_space<vmem>>)
    %dma_start3A_226 = arith.constant 0 : i32
    %dma_start3A_227 = arith.constant 0 : i32
    %dma_start3A_228 = tpu.memref_slice %arg2[%dma_start3A_226, %dma_start3A_227] : memref<10000x128xf32, #tpu.memory_space<hbm>> -> memref<10000x128xf32, #tpu.memory_space<hbm>>
    tpu.enqueue_indirect_dma source(%dma_start3A_228 : memref<10000x128xf32, #tpu.memory_space<hbm>>) target(%arg21 : memref<112x128xf32, #tpu.memory_space<vmem>>) offsets(%arg9 : memref<112xi32, #tpu.memory_space<vmem>>) semaphore(%arg30 : memref<!tpu.dma_semaphore, #tpu.memory_space<semaphore_mem>>)
    %scan3A = arith.constant 0 : i32
    %scan3A_229 = arith.constant 1 : i32
    %scan3A_230 = arith.constant 13 : i32
    %scan3A_231 = arith.addi %scan3A_229, %scan3A_230 : i32
    %scan3A_232 = arith.constant 1 : i32
    scf.for %scan3A_511 = %scan3A_229 to %scan3A_231 step %scan3A_232  : i32 {
      %mul3A_512 = arith.constant 6 : i32
      %mul3A_513 = arith.muli %mul3A_512, %scan3A_511 : i32
      %add3A_514 = arith.constant 0 : i32
      %add3A_515 = arith.addi %mul3A_513, %add3A_514 : i32
      %dma_wait3A_516 = arith.constant 0 : i32
      %dma_wait3A_517 = arith.constant 0 : i32
      %dma_wait3A_518 = tpu.memref_slice %arg2[%dma_wait3A_516, %dma_wait3A_517] : memref<10000x128xf32, #tpu.memory_space<hbm>> -> memref<10000x128xf32, #tpu.memory_space<hbm>>
      tpu.wait_indirect_dma semaphore(%arg29 : memref<!tpu.dma_semaphore, #tpu.memory_space<semaphore_mem>>) src(%dma_wait3A_518 : memref<10000x128xf32, #tpu.memory_space<hbm>>) dst(%arg20 : memref<112x128xf32, #tpu.memory_space<vmem>>)
      %dma_wait3A_519 = arith.constant 0 : i32
      %dma_wait3A_520 = arith.constant 0 : i32
      %dma_wait3A_521 = tpu.memref_slice %arg7[%dma_wait3A_519, %dma_wait3A_520] : memref<10112x128xf32, #tpu.memory_space<vmem_shared>> -> memref<10112x128xf32, #tpu.memory_space<vmem_shared>>
      tpu.wait_indirect_dma semaphore(%arg34 : memref<!tpu.dma_semaphore, #tpu.memory_space<semaphore_mem>>) src(%arg22 : memref<112x128xf32, #tpu.memory_space<vmem>>) dst(%dma_wait3A_521 : memref<10112x128xf32, #tpu.memory_space<vmem_shared>>)
      %dma_start3A_522 = arith.constant 0 : i32
      %dma_start3A_523 = arith.constant 0 : i32
      %dma_start3A_524 = tpu.memref_slice %arg7[%dma_start3A_522, %dma_start3A_523] : memref<10112x128xf32, #tpu.memory_space<vmem_shared>> -> memref<10112x128xf32, #tpu.memory_space<vmem_shared>>
      tpu.enqueue_indirect_dma source(%arg20 : memref<112x128xf32, #tpu.memory_space<vmem>>) target(%dma_start3A_524 : memref<10112x128xf32, #tpu.memory_space<vmem_shared>>) offsets(%arg14 : memref<112xi32, #tpu.memory_space<vmem>>) semaphore(%arg32 : memref<!tpu.dma_semaphore, #tpu.memory_space<semaphore_mem>>) {add = true}
      %add3A_525 = arith.constant 4 : i32
      %add3A_526 = arith.addi %add3A_515, %add3A_525 : i32
      %mul3A_527 = arith.constant 112 : i32
      %mul3A_528 = arith.muli %add3A_526, %mul3A_527 : i32
      %add3A_529 = arith.addi %mul3A_2, %mul3A_528 : i32
      %dma_start3A_530 = tpu.memref_slice %arg3[%add3A_529] : memref<322560xi32, #tpu.memory_space<hbm>> -> memref<112xi32, #tpu.memory_space<hbm>>
      %dma_start3A_531 = tpu.memref_slice %arg3[%add3A_529] : memref<322560xi32, #tpu.memory_space<hbm>> -> memref<112xi32, #tpu.memory_space<hbm>>
      tpu.enqueue_dma source(%dma_start3A_531 : memref<112xi32, #tpu.memory_space<hbm>>) target(%arg12 : memref<112xi32, #tpu.memory_space<vmem>>) target_semaphore(%arg27 : memref<!tpu.dma_semaphore, #tpu.memory_space<semaphore_mem>>)
      %mul3A_532 = arith.constant 112 : i32
      %mul3A_533 = arith.muli %add3A_526, %mul3A_532 : i32
      %add3A_534 = arith.addi %mul3A_2, %mul3A_533 : i32
      %dma_start3A_535 = tpu.memref_slice %arg4[%add3A_534] : memref<322560xi32, #tpu.memory_space<hbm>> -> memref<112xi32, #tpu.memory_space<hbm>>
      %dma_start3A_536 = tpu.memref_slice %arg4[%add3A_534] : memref<322560xi32, #tpu.memory_space<hbm>> -> memref<112xi32, #tpu.memory_space<hbm>>
      tpu.enqueue_dma source(%dma_start3A_536 : memref<112xi32, #tpu.memory_space<hbm>>) target(%arg18 : memref<112xi32, #tpu.memory_space<vmem>>) target_semaphore(%arg27 : memref<!tpu.dma_semaphore, #tpu.memory_space<semaphore_mem>>)
      %add3A_537 = arith.constant 2 : i32
      %add3A_538 = arith.addi %add3A_515, %add3A_537 : i32
      %mul3A_539 = arith.constant 112 : i32
      %mul3A_540 = arith.muli %add3A_538, %mul3A_539 : i32
      %add3A_541 = arith.addi %mul3A_2, %mul3A_540 : i32
      %dma_wait3A_542 = tpu.memref_slice %arg3[%add3A_541] : memref<322560xi32, #tpu.memory_space<hbm>> -> memref<112xi32, #tpu.memory_space<hbm>>
      %dma_wait3A_543 = tpu.memref_slice %arg3[%add3A_541] : memref<322560xi32, #tpu.memory_space<hbm>> -> memref<112xi32, #tpu.memory_space<hbm>>
      tpu.wait_dma2 semaphore(%arg25 : memref<!tpu.dma_semaphore, #tpu.memory_space<semaphore_mem>>) src(%dma_wait3A_543 : memref<112xi32, #tpu.memory_space<hbm>>) dst(%arg10 : memref<112xi32, #tpu.memory_space<vmem>>)
      %mul3A_544 = arith.constant 112 : i32
      %mul3A_545 = arith.muli %add3A_538, %mul3A_544 : i32
      %add3A_546 = arith.addi %mul3A_2, %mul3A_545 : i32
      %dma_wait3A_547 = tpu.memref_slice %arg4[%add3A_546] : memref<322560xi32, #tpu.memory_space<hbm>> -> memref<112xi32, #tpu.memory_space<hbm>>
      %dma_wait3A_548 = tpu.memref_slice %arg4[%add3A_546] : memref<322560xi32, #tpu.memory_space<hbm>> -> memref<112xi32, #tpu.memory_space<hbm>>
      tpu.wait_dma2 semaphore(%arg25 : memref<!tpu.dma_semaphore, #tpu.memory_space<semaphore_mem>>) src(%dma_wait3A_548 : memref<112xi32, #tpu.memory_space<hbm>>) dst(%arg16 : memref<112xi32, #tpu.memory_space<vmem>>)
      %dma_start3A_549 = arith.constant 0 : i32
      %dma_start3A_550 = arith.constant 0 : i32
      %dma_start3A_551 = tpu.memref_slice %arg2[%dma_start3A_549, %dma_start3A_550] : memref<10000x128xf32, #tpu.memory_space<hbm>> -> memref<10000x128xf32, #tpu.memory_space<hbm>>
      tpu.enqueue_indirect_dma source(%dma_start3A_551 : memref<10000x128xf32, #tpu.memory_space<hbm>>) target(%arg22 : memref<112x128xf32, #tpu.memory_space<vmem>>) offsets(%arg10 : memref<112xi32, #tpu.memory_space<vmem>>) semaphore(%arg31 : memref<!tpu.dma_semaphore, #tpu.memory_space<semaphore_mem>>)
      %add3A_552 = arith.constant 1 : i32
      %add3A_553 = arith.addi %mul3A_513, %add3A_552 : i32
      %dma_wait3A_554 = arith.constant 0 : i32
      %dma_wait3A_555 = arith.constant 0 : i32
      %dma_wait3A_556 = tpu.memref_slice %arg2[%dma_wait3A_554, %dma_wait3A_555] : memref<10000x128xf32, #tpu.memory_space<hbm>> -> memref<10000x128xf32, #tpu.memory_space<hbm>>
      tpu.wait_indirect_dma semaphore(%arg30 : memref<!tpu.dma_semaphore, #tpu.memory_space<semaphore_mem>>) src(%dma_wait3A_556 : memref<10000x128xf32, #tpu.memory_space<hbm>>) dst(%arg21 : memref<112x128xf32, #tpu.memory_space<vmem>>)
      %dma_wait3A_557 = arith.constant 0 : i32
      %dma_wait3A_558 = arith.constant 0 : i32
      %dma_wait3A_559 = tpu.memref_slice %arg7[%dma_wait3A_557, %dma_wait3A_558] : memref<10112x128xf32, #tpu.memory_space<vmem_shared>> -> memref<10112x128xf32, #tpu.memory_space<vmem_shared>>
      tpu.wait_indirect_dma semaphore(%arg32 : memref<!tpu.dma_semaphore, #tpu.memory_space<semaphore_mem>>) src(%arg20 : memref<112x128xf32, #tpu.memory_space<vmem>>) dst(%dma_wait3A_559 : memref<10112x128xf32, #tpu.memory_space<vmem_shared>>)
      %dma_start3A_560 = arith.constant 0 : i32
      %dma_start3A_561 = arith.constant 0 : i32
      %dma_start3A_562 = tpu.memref_slice %arg7[%dma_start3A_560, %dma_start3A_561] : memref<10112x128xf32, #tpu.memory_space<vmem_shared>> -> memref<10112x128xf32, #tpu.memory_space<vmem_shared>>
      tpu.enqueue_indirect_dma source(%arg21 : memref<112x128xf32, #tpu.memory_space<vmem>>) target(%dma_start3A_562 : memref<10112x128xf32, #tpu.memory_space<vmem_shared>>) offsets(%arg15 : memref<112xi32, #tpu.memory_space<vmem>>) semaphore(%arg33 : memref<!tpu.dma_semaphore, #tpu.memory_space<semaphore_mem>>) {add = true}
      %add3A_563 = arith.constant 4 : i32
      %add3A_564 = arith.addi %add3A_553, %add3A_563 : i32
      %mul3A_565 = arith.constant 112 : i32
      %mul3A_566 = arith.muli %add3A_564, %mul3A_565 : i32
      %add3A_567 = arith.addi %mul3A_2, %mul3A_566 : i32
      %dma_start3A_568 = tpu.memref_slice %arg3[%add3A_567] : memref<322560xi32, #tpu.memory_space<hbm>> -> memref<112xi32, #tpu.memory_space<hbm>>
      %dma_start3A_569 = tpu.memref_slice %arg3[%add3A_567] : memref<322560xi32, #tpu.memory_space<hbm>> -> memref<112xi32, #tpu.memory_space<hbm>>
      tpu.enqueue_dma source(%dma_start3A_569 : memref<112xi32, #tpu.memory_space<hbm>>) target(%arg13 : memref<112xi32, #tpu.memory_space<vmem>>) target_semaphore(%arg28 : memref<!tpu.dma_semaphore, #tpu.memory_space<semaphore_mem>>)
      %mul3A_570 = arith.constant 112 : i32
      %mul3A_571 = arith.muli %add3A_564, %mul3A_570 : i32
      %add3A_572 = arith.addi %mul3A_2, %mul3A_571 : i32
      %dma_start3A_573 = tpu.memref_slice %arg4[%add3A_572] : memref<322560xi32, #tpu.memory_space<hbm>> -> memref<112xi32, #tpu.memory_space<hbm>>
      %dma_start3A_574 = tpu.memref_slice %arg4[%add3A_572] : memref<322560xi32, #tpu.memory_space<hbm>> -> memref<112xi32, #tpu.memory_space<hbm>>
      tpu.enqueue_dma source(%dma_start3A_574 : memref<112xi32, #tpu.memory_space<hbm>>) target(%arg19 : memref<112xi32, #tpu.memory_space<vmem>>) target_semaphore(%arg28 : memref<!tpu.dma_semaphore, #tpu.memory_space<semaphore_mem>>)
      %add3A_575 = arith.constant 2 : i32
      %add3A_576 = arith.addi %add3A_553, %add3A_575 : i32
      %mul3A_577 = arith.constant 112 : i32
      %mul3A_578 = arith.muli %add3A_576, %mul3A_577 : i32
      %add3A_579 = arith.addi %mul3A_2, %mul3A_578 : i32
      %dma_wait3A_580 = tpu.memref_slice %arg3[%add3A_579] : memref<322560xi32, #tpu.memory_space<hbm>> -> memref<112xi32, #tpu.memory_space<hbm>>
      %dma_wait3A_581 = tpu.memref_slice %arg3[%add3A_579] : memref<322560xi32, #tpu.memory_space<hbm>> -> memref<112xi32, #tpu.memory_space<hbm>>
      tpu.wait_dma2 semaphore(%arg26 : memref<!tpu.dma_semaphore, #tpu.memory_space<semaphore_mem>>) src(%dma_wait3A_581 : memref<112xi32, #tpu.memory_space<hbm>>) dst(%arg11 : memref<112xi32, #tpu.memory_space<vmem>>)
      %mul3A_582 = arith.constant 112 : i32
      %mul3A_583 = arith.muli %add3A_576, %mul3A_582 : i32
      %add3A_584 = arith.addi %mul3A_2, %mul3A_583 : i32
      %dma_wait3A_585 = tpu.memref_slice %arg4[%add3A_584] : memref<322560xi32, #tpu.memory_space<hbm>> -> memref<112xi32, #tpu.memory_space<hbm>>
      %dma_wait3A_586 = tpu.memref_slice %arg4[%add3A_584] : memref<322560xi32, #tpu.memory_space<hbm>> -> memref<112xi32, #tpu.memory_space<hbm>>
      tpu.wait_dma2 semaphore(%arg26 : memref<!tpu.dma_semaphore, #tpu.memory_space<semaphore_mem>>) src(%dma_wait3A_586 : memref<112xi32, #tpu.memory_space<hbm>>) dst(%arg17 : memref<112xi32, #tpu.memory_space<vmem>>)
      %dma_start3A_587 = arith.constant 0 : i32
      %dma_start3A_588 = arith.constant 0 : i32
      %dma_start3A_589 = tpu.memref_slice %arg2[%dma_start3A_587, %dma_start3A_588] : memref<10000x128xf32, #tpu.memory_space<hbm>> -> memref<10000x128xf32, #tpu.memory_space<hbm>>
      tpu.enqueue_indirect_dma source(%dma_start3A_589 : memref<10000x128xf32, #tpu.memory_space<hbm>>) target(%arg20 : memref<112x128xf32, #tpu.memory_space<vmem>>) offsets(%arg11 : memref<112xi32, #tpu.memory_space<vmem>>) semaphore(%arg29 : memref<!tpu.dma_semaphore, #tpu.memory_space<semaphore_mem>>)
      %add3A_590 = arith.constant 2 : i32
      %add3A_591 = arith.addi %mul3A_513, %add3A_590 : i32
      %dma_wait3A_592 = arith.constant 0 : i32
      %dma_wait3A_593 = arith.constant 0 : i32
      %dma_wait3A_594 = tpu.memref_slice %arg2[%dma_wait3A_592, %dma_wait3A_593] : memref<10000x128xf32, #tpu.memory_space<hbm>> -> memref<10000x128xf32, #tpu.memory_space<hbm>>
      tpu.wait_indirect_dma semaphore(%arg31 : memref<!tpu.dma_semaphore, #tpu.memory_space<semaphore_mem>>) src(%dma_wait3A_594 : memref<10000x128xf32, #tpu.memory_space<hbm>>) dst(%arg22 : memref<112x128xf32, #tpu.memory_space<vmem>>)
      %dma_wait3A_595 = arith.constant 0 : i32
      %dma_wait3A_596 = arith.constant 0 : i32
      %dma_wait3A_597 = tpu.memref_slice %arg7[%dma_wait3A_595, %dma_wait3A_596] : memref<10112x128xf32, #tpu.memory_space<vmem_shared>> -> memref<10112x128xf32, #tpu.memory_space<vmem_shared>>
      tpu.wait_indirect_dma semaphore(%arg33 : memref<!tpu.dma_semaphore, #tpu.memory_space<semaphore_mem>>) src(%arg21 : memref<112x128xf32, #tpu.memory_space<vmem>>) dst(%dma_wait3A_597 : memref<10112x128xf32, #tpu.memory_space<vmem_shared>>)
      %dma_start3A_598 = arith.constant 0 : i32
      %dma_start3A_599 = arith.constant 0 : i32
      %dma_start3A_600 = tpu.memref_slice %arg7[%dma_start3A_598, %dma_start3A_599] : memref<10112x128xf32, #tpu.memory_space<vmem_shared>> -> memref<10112x128xf32, #tpu.memory_space<vmem_shared>>
      tpu.enqueue_indirect_dma source(%arg22 : memref<112x128xf32, #tpu.memory_space<vmem>>) target(%dma_start3A_600 : memref<10112x128xf32, #tpu.memory_space<vmem_shared>>) offsets(%arg16 : memref<112xi32, #tpu.memory_space<vmem>>) semaphore(%arg34 : memref<!tpu.dma_semaphore, #tpu.memory_space<semaphore_mem>>) {add = true}
      %add3A_601 = arith.constant 4 : i32
      %add3A_602 = arith.addi %add3A_591, %add3A_601 : i32
      %mul3A_603 = arith.constant 112 : i32
      %mul3A_604 = arith.muli %add3A_602, %mul3A_603 : i32
      %add3A_605 = arith.addi %mul3A_2, %mul3A_604 : i32
      %dma_start3A_606 = tpu.memref_slice %arg3[%add3A_605] : memref<322560xi32, #tpu.memory_space<hbm>> -> memref<112xi32, #tpu.memory_space<hbm>>
      %dma_start3A_607 = tpu.memref_slice %arg3[%add3A_605] : memref<322560xi32, #tpu.memory_space<hbm>> -> memref<112xi32, #tpu.memory_space<hbm>>
      tpu.enqueue_dma source(%dma_start3A_607 : memref<112xi32, #tpu.memory_space<hbm>>) target(%arg8 : memref<112xi32, #tpu.memory_space<vmem>>) target_semaphore(%arg23 : memref<!tpu.dma_semaphore, #tpu.memory_space<semaphore_mem>>)
      %mul3A_608 = arith.constant 112 : i32
      %mul3A_609 = arith.muli %add3A_602, %mul3A_608 : i32
      %add3A_610 = arith.addi %mul3A_2, %mul3A_609 : i32
      %dma_start3A_611 = tpu.memref_slice %arg4[%add3A_610] : memref<322560xi32, #tpu.memory_space<hbm>> -> memref<112xi32, #tpu.memory_space<hbm>>
      %dma_start3A_612 = tpu.memref_slice %arg4[%add3A_610] : memref<322560xi32, #tpu.memory_space<hbm>> -> memref<112xi32, #tpu.memory_space<hbm>>
      tpu.enqueue_dma source(%dma_start3A_612 : memref<112xi32, #tpu.memory_space<hbm>>) target(%arg14 : memref<112xi32, #tpu.memory_space<vmem>>) target_semaphore(%arg23 : memref<!tpu.dma_semaphore, #tpu.memory_space<semaphore_mem>>)
      %add3A_613 = arith.constant 2 : i32
      %add3A_614 = arith.addi %add3A_591, %add3A_613 : i32
      %mul3A_615 = arith.constant 112 : i32
      %mul3A_616 = arith.muli %add3A_614, %mul3A_615 : i32
      %add3A_617 = arith.addi %mul3A_2, %mul3A_616 : i32
      %dma_wait3A_618 = tpu.memref_slice %arg3[%add3A_617] : memref<322560xi32, #tpu.memory_space<hbm>> -> memref<112xi32, #tpu.memory_space<hbm>>
      %dma_wait3A_619 = tpu.memref_slice %arg3[%add3A_617] : memref<322560xi32, #tpu.memory_space<hbm>> -> memref<112xi32, #tpu.memory_space<hbm>>
      tpu.wait_dma2 semaphore(%arg27 : memref<!tpu.dma_semaphore, #tpu.memory_space<semaphore_mem>>) src(%dma_wait3A_619 : memref<112xi32, #tpu.memory_space<hbm>>) dst(%arg12 : memref<112xi32, #tpu.memory_space<vmem>>)
      %mul3A_620 = arith.constant 112 : i32
      %mul3A_621 = arith.muli %add3A_614, %mul3A_620 : i32
      %add3A_622 = arith.addi %mul3A_2, %mul3A_621 : i32
      %dma_wait3A_623 = tpu.memref_slice %arg4[%add3A_622] : memref<322560xi32, #tpu.memory_space<hbm>> -> memref<112xi32, #tpu.memory_space<hbm>>
      %dma_wait3A_624 = tpu.memref_slice %arg4[%add3A_622] : memref<322560xi32, #tpu.memory_space<hbm>> -> memref<112xi32, #tpu.memory_space<hbm>>
      tpu.wait_dma2 semaphore(%arg27 : memref<!tpu.dma_semaphore, #tpu.memory_space<semaphore_mem>>) src(%dma_wait3A_624 : memref<112xi32, #tpu.memory_space<hbm>>) dst(%arg18 : memref<112xi32, #tpu.memory_space<vmem>>)
      %dma_start3A_625 = arith.constant 0 : i32
      %dma_start3A_626 = arith.constant 0 : i32
      %dma_start3A_627 = tpu.memref_slice %arg2[%dma_start3A_625, %dma_start3A_626] : memref<10000x128xf32, #tpu.memory_space<hbm>> -> memref<10000x128xf32, #tpu.memory_space<hbm>>
      tpu.enqueue_indirect_dma source(%dma_start3A_627 : memref<10000x128xf32, #tpu.memory_space<hbm>>) target(%arg21 : memref<112x128xf32, #tpu.memory_space<vmem>>) offsets(%arg12 : memref<112xi32, #tpu.memory_space<vmem>>) semaphore(%arg30 : memref<!tpu.dma_semaphore, #tpu.memory_space<semaphore_mem>>)
      %add3A_628 = arith.constant 3 : i32
      %add3A_629 = arith.addi %mul3A_513, %add3A_628 : i32
      %dma_wait3A_630 = arith.constant 0 : i32
      %dma_wait3A_631 = arith.constant 0 : i32
      %dma_wait3A_632 = tpu.memref_slice %arg2[%dma_wait3A_630, %dma_wait3A_631] : memref<10000x128xf32, #tpu.memory_space<hbm>> -> memref<10000x128xf32, #tpu.memory_space<hbm>>
      tpu.wait_indirect_dma semaphore(%arg29 : memref<!tpu.dma_semaphore, #tpu.memory_space<semaphore_mem>>) src(%dma_wait3A_632 : memref<10000x128xf32, #tpu.memory_space<hbm>>) dst(%arg20 : memref<112x128xf32, #tpu.memory_space<vmem>>)
      %dma_wait3A_633 = arith.constant 0 : i32
      %dma_wait3A_634 = arith.constant 0 : i32
      %dma_wait3A_635 = tpu.memref_slice %arg7[%dma_wait3A_633, %dma_wait3A_634] : memref<10112x128xf32, #tpu.memory_space<vmem_shared>> -> memref<10112x128xf32, #tpu.memory_space<vmem_shared>>
      tpu.wait_indirect_dma semaphore(%arg34 : memref<!tpu.dma_semaphore, #tpu.memory_space<semaphore_mem>>) src(%arg22 : memref<112x128xf32, #tpu.memory_space<vmem>>) dst(%dma_wait3A_635 : memref<10112x128xf32, #tpu.memory_space<vmem_shared>>)
      %dma_start3A_636 = arith.constant 0 : i32
      %dma_start3A_637 = arith.constant 0 : i32
      %dma_start3A_638 = tpu.memref_slice %arg7[%dma_start3A_636, %dma_start3A_637] : memref<10112x128xf32, #tpu.memory_space<vmem_shared>> -> memref<10112x128xf32, #tpu.memory_space<vmem_shared>>
      tpu.enqueue_indirect_dma source(%arg20 : memref<112x128xf32, #tpu.memory_space<vmem>>) target(%dma_start3A_638 : memref<10112x128xf32, #tpu.memory_space<vmem_shared>>) offsets(%arg17 : memref<112xi32, #tpu.memory_space<vmem>>) semaphore(%arg32 : memref<!tpu.dma_semaphore, #tpu.memory_space<semaphore_mem>>) {add = true}
      %add3A_639 = arith.constant 4 : i32
      %add3A_640 = arith.addi %add3A_629, %add3A_639 : i32
      %mul3A_641 = arith.constant 112 : i32
      %mul3A_642 = arith.muli %add3A_640, %mul3A_641 : i32
      %add3A_643 = arith.addi %mul3A_2, %mul3A_642 : i32
      %dma_start3A_644 = tpu.memref_slice %arg3[%add3A_643] : memref<322560xi32, #tpu.memory_space<hbm>> -> memref<112xi32, #tpu.memory_space<hbm>>
      %dma_start3A_645 = tpu.memref_slice %arg3[%add3A_643] : memref<322560xi32, #tpu.memory_space<hbm>> -> memref<112xi32, #tpu.memory_space<hbm>>
      tpu.enqueue_dma source(%dma_start3A_645 : memref<112xi32, #tpu.memory_space<hbm>>) target(%arg9 : memref<112xi32, #tpu.memory_space<vmem>>) target_semaphore(%arg24 : memref<!tpu.dma_semaphore, #tpu.memory_space<semaphore_mem>>)
      %mul3A_646 = arith.constant 112 : i32
      %mul3A_647 = arith.muli %add3A_640, %mul3A_646 : i32
      %add3A_648 = arith.addi %mul3A_2, %mul3A_647 : i32
      %dma_start3A_649 = tpu.memref_slice %arg4[%add3A_648] : memref<322560xi32, #tpu.memory_space<hbm>> -> memref<112xi32, #tpu.memory_space<hbm>>
      %dma_start3A_650 = tpu.memref_slice %arg4[%add3A_648] : memref<322560xi32, #tpu.memory_space<hbm>> -> memref<112xi32, #tpu.memory_space<hbm>>
      tpu.enqueue_dma source(%dma_start3A_650 : memref<112xi32, #tpu.memory_space<hbm>>) target(%arg15 : memref<112xi32, #tpu.memory_space<vmem>>) target_semaphore(%arg24 : memref<!tpu.dma_semaphore, #tpu.memory_space<semaphore_mem>>)
      %add3A_651 = arith.constant 2 : i32
      %add3A_652 = arith.addi %add3A_629, %add3A_651 : i32
      %mul3A_653 = arith.constant 112 : i32
      %mul3A_654 = arith.muli %add3A_652, %mul3A_653 : i32
      %add3A_655 = arith.addi %mul3A_2, %mul3A_654 : i32
      %dma_wait3A_656 = tpu.memref_slice %arg3[%add3A_655] : memref<322560xi32, #tpu.memory_space<hbm>> -> memref<112xi32, #tpu.memory_space<hbm>>
      %dma_wait3A_657 = tpu.memref_slice %arg3[%add3A_655] : memref<322560xi32, #tpu.memory_space<hbm>> -> memref<112xi32, #tpu.memory_space<hbm>>
      tpu.wait_dma2 semaphore(%arg28 : memref<!tpu.dma_semaphore, #tpu.memory_space<semaphore_mem>>) src(%dma_wait3A_657 : memref<112xi32, #tpu.memory_space<hbm>>) dst(%arg13 : memref<112xi32, #tpu.memory_space<vmem>>)
      %mul3A_658 = arith.constant 112 : i32
      %mul3A_659 = arith.muli %add3A_652, %mul3A_658 : i32
      %add3A_660 = arith.addi %mul3A_2, %mul3A_659 : i32
      %dma_wait3A_661 = tpu.memref_slice %arg4[%add3A_660] : memref<322560xi32, #tpu.memory_space<hbm>> -> memref<112xi32, #tpu.memory_space<hbm>>
      %dma_wait3A_662 = tpu.memref_slice %arg4[%add3A_660] : memref<322560xi32, #tpu.memory_space<hbm>> -> memref<112xi32, #tpu.memory_space<hbm>>
      tpu.wait_dma2 semaphore(%arg28 : memref<!tpu.dma_semaphore, #tpu.memory_space<semaphore_mem>>) src(%dma_wait3A_662 : memref<112xi32, #tpu.memory_space<hbm>>) dst(%arg19 : memref<112xi32, #tpu.memory_space<vmem>>)
      %dma_start3A_663 = arith.constant 0 : i32
      %dma_start3A_664 = arith.constant 0 : i32
      %dma_start3A_665 = tpu.memref_slice %arg2[%dma_start3A_663, %dma_start3A_664] : memref<10000x128xf32, #tpu.memory_space<hbm>> -> memref<10000x128xf32, #tpu.memory_space<hbm>>
      tpu.enqueue_indirect_dma source(%dma_start3A_665 : memref<10000x128xf32, #tpu.memory_space<hbm>>) target(%arg22 : memref<112x128xf32, #tpu.memory_space<vmem>>) offsets(%arg13 : memref<112xi32, #tpu.memory_space<vmem>>) semaphore(%arg31 : memref<!tpu.dma_semaphore, #tpu.memory_space<semaphore_mem>>)
      %add3A_666 = arith.constant 4 : i32
      %add3A_667 = arith.addi %mul3A_513, %add3A_666 : i32
      %dma_wait3A_668 = arith.constant 0 : i32
      %dma_wait3A_669 = arith.constant 0 : i32
      %dma_wait3A_670 = tpu.memref_slice %arg2[%dma_wait3A_668, %dma_wait3A_669] : memref<10000x128xf32, #tpu.memory_space<hbm>> -> memref<10000x128xf32, #tpu.memory_space<hbm>>
      tpu.wait_indirect_dma semaphore(%arg30 : memref<!tpu.dma_semaphore, #tpu.memory_space<semaphore_mem>>) src(%dma_wait3A_670 : memref<10000x128xf32, #tpu.memory_space<hbm>>) dst(%arg21 : memref<112x128xf32, #tpu.memory_space<vmem>>)
      %dma_wait3A_671 = arith.constant 0 : i32
      %dma_wait3A_672 = arith.constant 0 : i32
      %dma_wait3A_673 = tpu.memref_slice %arg7[%dma_wait3A_671, %dma_wait3A_672] : memref<10112x128xf32, #tpu.memory_space<vmem_shared>> -> memref<10112x128xf32, #tpu.memory_space<vmem_shared>>
      tpu.wait_indirect_dma semaphore(%arg32 : memref<!tpu.dma_semaphore, #tpu.memory_space<semaphore_mem>>) src(%arg20 : memref<112x128xf32, #tpu.memory_space<vmem>>) dst(%dma_wait3A_673 : memref<10112x128xf32, #tpu.memory_space<vmem_shared>>)
      %dma_start3A_674 = arith.constant 0 : i32
      %dma_start3A_675 = arith.constant 0 : i32
      %dma_start3A_676 = tpu.memref_slice %arg7[%dma_start3A_674, %dma_start3A_675] : memref<10112x128xf32, #tpu.memory_space<vmem_shared>> -> memref<10112x128xf32, #tpu.memory_space<vmem_shared>>
      tpu.enqueue_indirect_dma source(%arg21 : memref<112x128xf32, #tpu.memory_space<vmem>>) target(%dma_start3A_676 : memref<10112x128xf32, #tpu.memory_space<vmem_shared>>) offsets(%arg18 : memref<112xi32, #tpu.memory_space<vmem>>) semaphore(%arg33 : memref<!tpu.dma_semaphore, #tpu.memory_space<semaphore_mem>>) {add = true}
      %add3A_677 = arith.constant 4 : i32
      %add3A_678 = arith.addi %add3A_667, %add3A_677 : i32
      %mul3A_679 = arith.constant 112 : i32
      %mul3A_680 = arith.muli %add3A_678, %mul3A_679 : i32
      %add3A_681 = arith.addi %mul3A_2, %mul3A_680 : i32
      %dma_start3A_682 = tpu.memref_slice %arg3[%add3A_681] : memref<322560xi32, #tpu.memory_space<hbm>> -> memref<112xi32, #tpu.memory_space<hbm>>
      %dma_start3A_683 = tpu.memref_slice %arg3[%add3A_681] : memref<322560xi32, #tpu.memory_space<hbm>> -> memref<112xi32, #tpu.memory_space<hbm>>
      tpu.enqueue_dma source(%dma_start3A_683 : memref<112xi32, #tpu.memory_space<hbm>>) target(%arg10 : memref<112xi32, #tpu.memory_space<vmem>>) target_semaphore(%arg25 : memref<!tpu.dma_semaphore, #tpu.memory_space<semaphore_mem>>)
      %mul3A_684 = arith.constant 112 : i32
      %mul3A_685 = arith.muli %add3A_678, %mul3A_684 : i32
      %add3A_686 = arith.addi %mul3A_2, %mul3A_685 : i32
      %dma_start3A_687 = tpu.memref_slice %arg4[%add3A_686] : memref<322560xi32, #tpu.memory_space<hbm>> -> memref<112xi32, #tpu.memory_space<hbm>>
      %dma_start3A_688 = tpu.memref_slice %arg4[%add3A_686] : memref<322560xi32, #tpu.memory_space<hbm>> -> memref<112xi32, #tpu.memory_space<hbm>>
      tpu.enqueue_dma source(%dma_start3A_688 : memref<112xi32, #tpu.memory_space<hbm>>) target(%arg16 : memref<112xi32, #tpu.memory_space<vmem>>) target_semaphore(%arg25 : memref<!tpu.dma_semaphore, #tpu.memory_space<semaphore_mem>>)
      %add3A_689 = arith.constant 2 : i32
      %add3A_690 = arith.addi %add3A_667, %add3A_689 : i32
      %mul3A_691 = arith.constant 112 : i32
      %mul3A_692 = arith.muli %add3A_690, %mul3A_691 : i32
      %add3A_693 = arith.addi %mul3A_2, %mul3A_692 : i32
      %dma_wait3A_694 = tpu.memref_slice %arg3[%add3A_693] : memref<322560xi32, #tpu.memory_space<hbm>> -> memref<112xi32, #tpu.memory_space<hbm>>
      %dma_wait3A_695 = tpu.memref_slice %arg3[%add3A_693] : memref<322560xi32, #tpu.memory_space<hbm>> -> memref<112xi32, #tpu.memory_space<hbm>>
      tpu.wait_dma2 semaphore(%arg23 : memref<!tpu.dma_semaphore, #tpu.memory_space<semaphore_mem>>) src(%dma_wait3A_695 : memref<112xi32, #tpu.memory_space<hbm>>) dst(%arg8 : memref<112xi32, #tpu.memory_space<vmem>>)
      %mul3A_696 = arith.constant 112 : i32
      %mul3A_697 = arith.muli %add3A_690, %mul3A_696 : i32
      %add3A_698 = arith.addi %mul3A_2, %mul3A_697 : i32
      %dma_wait3A_699 = tpu.memref_slice %arg4[%add3A_698] : memref<322560xi32, #tpu.memory_space<hbm>> -> memref<112xi32, #tpu.memory_space<hbm>>
      %dma_wait3A_700 = tpu.memref_slice %arg4[%add3A_698] : memref<322560xi32, #tpu.memory_space<hbm>> -> memref<112xi32, #tpu.memory_space<hbm>>
      tpu.wait_dma2 semaphore(%arg23 : memref<!tpu.dma_semaphore, #tpu.memory_space<semaphore_mem>>) src(%dma_wait3A_700 : memref<112xi32, #tpu.memory_space<hbm>>) dst(%arg14 : memref<112xi32, #tpu.memory_space<vmem>>)
      %dma_start3A_701 = arith.constant 0 : i32
      %dma_start3A_702 = arith.constant 0 : i32
      %dma_start3A_703 = tpu.memref_slice %arg2[%dma_start3A_701, %dma_start3A_702] : memref<10000x128xf32, #tpu.memory_space<hbm>> -> memref<10000x128xf32, #tpu.memory_space<hbm>>
      tpu.enqueue_indirect_dma source(%dma_start3A_703 : memref<10000x128xf32, #tpu.memory_space<hbm>>) target(%arg20 : memref<112x128xf32, #tpu.memory_space<vmem>>) offsets(%arg8 : memref<112xi32, #tpu.memory_space<vmem>>) semaphore(%arg29 : memref<!tpu.dma_semaphore, #tpu.memory_space<semaphore_mem>>)
      %add3A_704 = arith.constant 5 : i32
      %add3A_705 = arith.addi %mul3A_513, %add3A_704 : i32
      %dma_wait3A_706 = arith.constant 0 : i32
      %dma_wait3A_707 = arith.constant 0 : i32
      %dma_wait3A_708 = tpu.memref_slice %arg2[%dma_wait3A_706, %dma_wait3A_707] : memref<10000x128xf32, #tpu.memory_space<hbm>> -> memref<10000x128xf32, #tpu.memory_space<hbm>>
      tpu.wait_indirect_dma semaphore(%arg31 : memref<!tpu.dma_semaphore, #tpu.memory_space<semaphore_mem>>) src(%dma_wait3A_708 : memref<10000x128xf32, #tpu.memory_space<hbm>>) dst(%arg22 : memref<112x128xf32, #tpu.memory_space<vmem>>)
      %dma_wait3A_709 = arith.constant 0 : i32
      %dma_wait3A_710 = arith.constant 0 : i32
      %dma_wait3A_711 = tpu.memref_slice %arg7[%dma_wait3A_709, %dma_wait3A_710] : memref<10112x128xf32, #tpu.memory_space<vmem_shared>> -> memref<10112x128xf32, #tpu.memory_space<vmem_shared>>
      tpu.wait_indirect_dma semaphore(%arg33 : memref<!tpu.dma_semaphore, #tpu.memory_space<semaphore_mem>>) src(%arg21 : memref<112x128xf32, #tpu.memory_space<vmem>>) dst(%dma_wait3A_711 : memref<10112x128xf32, #tpu.memory_space<vmem_shared>>)
      %dma_start3A_712 = arith.constant 0 : i32
      %dma_start3A_713 = arith.constant 0 : i32
      %dma_start3A_714 = tpu.memref_slice %arg7[%dma_start3A_712, %dma_start3A_713] : memref<10112x128xf32, #tpu.memory_space<vmem_shared>> -> memref<10112x128xf32, #tpu.memory_space<vmem_shared>>
      tpu.enqueue_indirect_dma source(%arg22 : memref<112x128xf32, #tpu.memory_space<vmem>>) target(%dma_start3A_714 : memref<10112x128xf32, #tpu.memory_space<vmem_shared>>) offsets(%arg19 : memref<112xi32, #tpu.memory_space<vmem>>) semaphore(%arg34 : memref<!tpu.dma_semaphore, #tpu.memory_space<semaphore_mem>>) {add = true}
      %add3A_715 = arith.constant 4 : i32
      %add3A_716 = arith.addi %add3A_705, %add3A_715 : i32
      %mul3A_717 = arith.constant 112 : i32
      %mul3A_718 = arith.muli %add3A_716, %mul3A_717 : i32
      %add3A_719 = arith.addi %mul3A_2, %mul3A_718 : i32
      %dma_start3A_720 = tpu.memref_slice %arg3[%add3A_719] : memref<322560xi32, #tpu.memory_space<hbm>> -> memref<112xi32, #tpu.memory_space<hbm>>
      %dma_start3A_721 = tpu.memref_slice %arg3[%add3A_719] : memref<322560xi32, #tpu.memory_space<hbm>> -> memref<112xi32, #tpu.memory_space<hbm>>
      tpu.enqueue_dma source(%dma_start3A_721 : memref<112xi32, #tpu.memory_space<hbm>>) target(%arg11 : memref<112xi32, #tpu.memory_space<vmem>>) target_semaphore(%arg26 : memref<!tpu.dma_semaphore, #tpu.memory_space<semaphore_mem>>)
      %mul3A_722 = arith.constant 112 : i32
      %mul3A_723 = arith.muli %add3A_716, %mul3A_722 : i32
      %add3A_724 = arith.addi %mul3A_2, %mul3A_723 : i32
      %dma_start3A_725 = tpu.memref_slice %arg4[%add3A_724] : memref<322560xi32, #tpu.memory_space<hbm>> -> memref<112xi32, #tpu.memory_space<hbm>>
      %dma_start3A_726 = tpu.memref_slice %arg4[%add3A_724] : memref<322560xi32, #tpu.memory_space<hbm>> -> memref<112xi32, #tpu.memory_space<hbm>>
      tpu.enqueue_dma source(%dma_start3A_726 : memref<112xi32, #tpu.memory_space<hbm>>) target(%arg17 : memref<112xi32, #tpu.memory_space<vmem>>) target_semaphore(%arg26 : memref<!tpu.dma_semaphore, #tpu.memory_space<semaphore_mem>>)
      %add3A_727 = arith.constant 2 : i32
      %add3A_728 = arith.addi %add3A_705, %add3A_727 : i32
      %mul3A_729 = arith.constant 112 : i32
      %mul3A_730 = arith.muli %add3A_728, %mul3A_729 : i32
      %add3A_731 = arith.addi %mul3A_2, %mul3A_730 : i32
      %dma_wait3A_732 = tpu.memref_slice %arg3[%add3A_731] : memref<322560xi32, #tpu.memory_space<hbm>> -> memref<112xi32, #tpu.memory_space<hbm>>
      %dma_wait3A_733 = tpu.memref_slice %arg3[%add3A_731] : memref<322560xi32, #tpu.memory_space<hbm>> -> memref<112xi32, #tpu.memory_space<hbm>>
      tpu.wait_dma2 semaphore(%arg24 : memref<!tpu.dma_semaphore, #tpu.memory_space<semaphore_mem>>) src(%dma_wait3A_733 : memref<112xi32, #tpu.memory_space<hbm>>) dst(%arg9 : memref<112xi32, #tpu.memory_space<vmem>>)
      %mul3A_734 = arith.constant 112 : i32
      %mul3A_735 = arith.muli %add3A_728, %mul3A_734 : i32
      %add3A_736 = arith.addi %mul3A_2, %mul3A_735 : i32
      %dma_wait3A_737 = tpu.memref_slice %arg4[%add3A_736] : memref<322560xi32, #tpu.memory_space<hbm>> -> memref<112xi32, #tpu.memory_space<hbm>>
      %dma_wait3A_738 = tpu.memref_slice %arg4[%add3A_736] : memref<322560xi32, #tpu.memory_space<hbm>> -> memref<112xi32, #tpu.memory_space<hbm>>
      tpu.wait_dma2 semaphore(%arg24 : memref<!tpu.dma_semaphore, #tpu.memory_space<semaphore_mem>>) src(%dma_wait3A_738 : memref<112xi32, #tpu.memory_space<hbm>>) dst(%arg15 : memref<112xi32, #tpu.memory_space<vmem>>)
      %dma_start3A_739 = arith.constant 0 : i32
      %dma_start3A_740 = arith.constant 0 : i32
      %dma_start3A_741 = tpu.memref_slice %arg2[%dma_start3A_739, %dma_start3A_740] : memref<10000x128xf32, #tpu.memory_space<hbm>> -> memref<10000x128xf32, #tpu.memory_space<hbm>>
      tpu.enqueue_indirect_dma source(%dma_start3A_741 : memref<10000x128xf32, #tpu.memory_space<hbm>>) target(%arg21 : memref<112x128xf32, #tpu.memory_space<vmem>>) offsets(%arg9 : memref<112xi32, #tpu.memory_space<vmem>>) semaphore(%arg30 : memref<!tpu.dma_semaphore, #tpu.memory_space<semaphore_mem>>)
    }
    %scan3A_233 = arith.constant 13 : i32
    %dma_wait3A_234 = arith.constant 0 : i32
    %dma_wait3A_235 = arith.constant 0 : i32
    %dma_wait3A_236 = tpu.memref_slice %arg2[%dma_wait3A_234, %dma_wait3A_235] : memref<10000x128xf32, #tpu.memory_space<hbm>> -> memref<10000x128xf32, #tpu.memory_space<hbm>>
    tpu.wait_indirect_dma semaphore(%arg29 : memref<!tpu.dma_semaphore, #tpu.memory_space<semaphore_mem>>) src(%dma_wait3A_236 : memref<10000x128xf32, #tpu.memory_space<hbm>>) dst(%arg20 : memref<112x128xf32, #tpu.memory_space<vmem>>)
    %dma_wait3A_237 = arith.constant 0 : i32
    %dma_wait3A_238 = arith.constant 0 : i32
    %dma_wait3A_239 = tpu.memref_slice %arg7[%dma_wait3A_237, %dma_wait3A_238] : memref<10112x128xf32, #tpu.memory_space<vmem_shared>> -> memref<10112x128xf32, #tpu.memory_space<vmem_shared>>
    tpu.wait_indirect_dma semaphore(%arg34 : memref<!tpu.dma_semaphore, #tpu.memory_space<semaphore_mem>>) src(%arg22 : memref<112x128xf32, #tpu.memory_space<vmem>>) dst(%dma_wait3A_239 : memref<10112x128xf32, #tpu.memory_space<vmem_shared>>)
    %dma_start3A_240 = arith.constant 0 : i32
    %dma_start3A_241 = arith.constant 0 : i32
    %dma_start3A_242 = tpu.memref_slice %arg7[%dma_start3A_240, %dma_start3A_241] : memref<10112x128xf32, #tpu.memory_space<vmem_shared>> -> memref<10112x128xf32, #tpu.memory_space<vmem_shared>>
    tpu.enqueue_indirect_dma source(%arg20 : memref<112x128xf32, #tpu.memory_space<vmem>>) target(%dma_start3A_242 : memref<10112x128xf32, #tpu.memory_space<vmem_shared>>) offsets(%arg14 : memref<112xi32, #tpu.memory_space<vmem>>) semaphore(%arg32 : memref<!tpu.dma_semaphore, #tpu.memory_space<semaphore_mem>>) {add = true}
    %add3A_243 = arith.constant 9856 : i32
    %add3A_244 = arith.addi %mul3A_2, %add3A_243 : i32
    %dma_start3A_245 = tpu.memref_slice %arg3[%add3A_244] : memref<322560xi32, #tpu.memory_space<hbm>> -> memref<112xi32, #tpu.memory_space<hbm>>
    %dma_start3A_246 = tpu.memref_slice %arg3[%add3A_244] : memref<322560xi32, #tpu.memory_space<hbm>> -> memref<112xi32, #tpu.memory_space<hbm>>
    tpu.enqueue_dma source(%dma_start3A_246 : memref<112xi32, #tpu.memory_space<hbm>>) target(%arg12 : memref<112xi32, #tpu.memory_space<vmem>>) target_semaphore(%arg27 : memref<!tpu.dma_semaphore, #tpu.memory_space<semaphore_mem>>)
    %add3A_247 = arith.constant 9856 : i32
    %add3A_248 = arith.addi %mul3A_2, %add3A_247 : i32
    %dma_start3A_249 = tpu.memref_slice %arg4[%add3A_248] : memref<322560xi32, #tpu.memory_space<hbm>> -> memref<112xi32, #tpu.memory_space<hbm>>
    %dma_start3A_250 = tpu.memref_slice %arg4[%add3A_248] : memref<322560xi32, #tpu.memory_space<hbm>> -> memref<112xi32, #tpu.memory_space<hbm>>
    tpu.enqueue_dma source(%dma_start3A_250 : memref<112xi32, #tpu.memory_space<hbm>>) target(%arg18 : memref<112xi32, #tpu.memory_space<vmem>>) target_semaphore(%arg27 : memref<!tpu.dma_semaphore, #tpu.memory_space<semaphore_mem>>)
    %add3A_251 = arith.constant 9632 : i32
    %add3A_252 = arith.addi %mul3A_2, %add3A_251 : i32
    %dma_wait3A_253 = tpu.memref_slice %arg3[%add3A_252] : memref<322560xi32, #tpu.memory_space<hbm>> -> memref<112xi32, #tpu.memory_space<hbm>>
    %dma_wait3A_254 = tpu.memref_slice %arg3[%add3A_252] : memref<322560xi32, #tpu.memory_space<hbm>> -> memref<112xi32, #tpu.memory_space<hbm>>
    tpu.wait_dma2 semaphore(%arg25 : memref<!tpu.dma_semaphore, #tpu.memory_space<semaphore_mem>>) src(%dma_wait3A_254 : memref<112xi32, #tpu.memory_space<hbm>>) dst(%arg10 : memref<112xi32, #tpu.memory_space<vmem>>)
    %add3A_255 = arith.constant 9632 : i32
    %add3A_256 = arith.addi %mul3A_2, %add3A_255 : i32
    %dma_wait3A_257 = tpu.memref_slice %arg4[%add3A_256] : memref<322560xi32, #tpu.memory_space<hbm>> -> memref<112xi32, #tpu.memory_space<hbm>>
    %dma_wait3A_258 = tpu.memref_slice %arg4[%add3A_256] : memref<322560xi32, #tpu.memory_space<hbm>> -> memref<112xi32, #tpu.memory_space<hbm>>
    tpu.wait_dma2 semaphore(%arg25 : memref<!tpu.dma_semaphore, #tpu.memory_space<semaphore_mem>>) src(%dma_wait3A_258 : memref<112xi32, #tpu.memory_space<hbm>>) dst(%arg16 : memref<112xi32, #tpu.memory_space<vmem>>)
    %dma_start3A_259 = arith.constant 0 : i32
    %dma_start3A_260 = arith.constant 0 : i32
    %dma_start3A_261 = tpu.memref_slice %arg2[%dma_start3A_259, %dma_start3A_260] : memref<10000x128xf32, #tpu.memory_space<hbm>> -> memref<10000x128xf32, #tpu.memory_space<hbm>>
    tpu.enqueue_indirect_dma source(%dma_start3A_261 : memref<10000x128xf32, #tpu.memory_space<hbm>>) target(%arg22 : memref<112x128xf32, #tpu.memory_space<vmem>>) offsets(%arg10 : memref<112xi32, #tpu.memory_space<vmem>>) semaphore(%arg31 : memref<!tpu.dma_semaphore, #tpu.memory_space<semaphore_mem>>)
    %dma_wait3A_262 = arith.constant 0 : i32
    %dma_wait3A_263 = arith.constant 0 : i32
    %dma_wait3A_264 = tpu.memref_slice %arg2[%dma_wait3A_262, %dma_wait3A_263] : memref<10000x128xf32, #tpu.memory_space<hbm>> -> memref<10000x128xf32, #tpu.memory_space<hbm>>
    tpu.wait_indirect_dma semaphore(%arg30 : memref<!tpu.dma_semaphore, #tpu.memory_space<semaphore_mem>>) src(%dma_wait3A_264 : memref<10000x128xf32, #tpu.memory_space<hbm>>) dst(%arg21 : memref<112x128xf32, #tpu.memory_space<vmem>>)
    %dma_wait3A_265 = arith.constant 0 : i32
    %dma_wait3A_266 = arith.constant 0 : i32
    %dma_wait3A_267 = tpu.memref_slice %arg7[%dma_wait3A_265, %dma_wait3A_266] : memref<10112x128xf32, #tpu.memory_space<vmem_shared>> -> memref<10112x128xf32, #tpu.memory_space<vmem_shared>>
    tpu.wait_indirect_dma semaphore(%arg32 : memref<!tpu.dma_semaphore, #tpu.memory_space<semaphore_mem>>) src(%arg20 : memref<112x128xf32, #tpu.memory_space<vmem>>) dst(%dma_wait3A_267 : memref<10112x128xf32, #tpu.memory_space<vmem_shared>>)
    %dma_start3A_268 = arith.constant 0 : i32
    %dma_start3A_269 = arith.constant 0 : i32
    %dma_start3A_270 = tpu.memref_slice %arg7[%dma_start3A_268, %dma_start3A_269] : memref<10112x128xf32, #tpu.memory_space<vmem_shared>> -> memref<10112x128xf32, #tpu.memory_space<vmem_shared>>
    tpu.enqueue_indirect_dma source(%arg21 : memref<112x128xf32, #tpu.memory_space<vmem>>) target(%dma_start3A_270 : memref<10112x128xf32, #tpu.memory_space<vmem_shared>>) offsets(%arg15 : memref<112xi32, #tpu.memory_space<vmem>>) semaphore(%arg33 : memref<!tpu.dma_semaphore, #tpu.memory_space<semaphore_mem>>) {add = true}
    %add3A_271 = arith.constant 9968 : i32
    %add3A_272 = arith.addi %mul3A_2, %add3A_271 : i32
    %dma_start3A_273 = tpu.memref_slice %arg3[%add3A_272] : memref<322560xi32, #tpu.memory_space<hbm>> -> memref<112xi32, #tpu.memory_space<hbm>>
    %dma_start3A_274 = tpu.memref_slice %arg3[%add3A_272] : memref<322560xi32, #tpu.memory_space<hbm>> -> memref<112xi32, #tpu.memory_space<hbm>>
    tpu.enqueue_dma source(%dma_start3A_274 : memref<112xi32, #tpu.memory_space<hbm>>) target(%arg13 : memref<112xi32, #tpu.memory_space<vmem>>) target_semaphore(%arg28 : memref<!tpu.dma_semaphore, #tpu.memory_space<semaphore_mem>>)
    %add3A_275 = arith.constant 9968 : i32
    %add3A_276 = arith.addi %mul3A_2, %add3A_275 : i32
    %dma_start3A_277 = tpu.memref_slice %arg4[%add3A_276] : memref<322560xi32, #tpu.memory_space<hbm>> -> memref<112xi32, #tpu.memory_space<hbm>>
    %dma_start3A_278 = tpu.memref_slice %arg4[%add3A_276] : memref<322560xi32, #tpu.memory_space<hbm>> -> memref<112xi32, #tpu.memory_space<hbm>>
    tpu.enqueue_dma source(%dma_start3A_278 : memref<112xi32, #tpu.memory_space<hbm>>) target(%arg19 : memref<112xi32, #tpu.memory_space<vmem>>) target_semaphore(%arg28 : memref<!tpu.dma_semaphore, #tpu.memory_space<semaphore_mem>>)
    %add3A_279 = arith.constant 9744 : i32
    %add3A_280 = arith.addi %mul3A_2, %add3A_279 : i32
    %dma_wait3A_281 = tpu.memref_slice %arg3[%add3A_280] : memref<322560xi32, #tpu.memory_space<hbm>> -> memref<112xi32, #tpu.memory_space<hbm>>
    %dma_wait3A_282 = tpu.memref_slice %arg3[%add3A_280] : memref<322560xi32, #tpu.memory_space<hbm>> -> memref<112xi32, #tpu.memory_space<hbm>>
    tpu.wait_dma2 semaphore(%arg26 : memref<!tpu.dma_semaphore, #tpu.memory_space<semaphore_mem>>) src(%dma_wait3A_282 : memref<112xi32, #tpu.memory_space<hbm>>) dst(%arg11 : memref<112xi32, #tpu.memory_space<vmem>>)
    %add3A_283 = arith.constant 9744 : i32
    %add3A_284 = arith.addi %mul3A_2, %add3A_283 : i32
    %dma_wait3A_285 = tpu.memref_slice %arg4[%add3A_284] : memref<322560xi32, #tpu.memory_space<hbm>> -> memref<112xi32, #tpu.memory_space<hbm>>
    %dma_wait3A_286 = tpu.memref_slice %arg4[%add3A_284] : memref<322560xi32, #tpu.memory_space<hbm>> -> memref<112xi32, #tpu.memory_space<hbm>>
    tpu.wait_dma2 semaphore(%arg26 : memref<!tpu.dma_semaphore, #tpu.memory_space<semaphore_mem>>) src(%dma_wait3A_286 : memref<112xi32, #tpu.memory_space<hbm>>) dst(%arg17 : memref<112xi32, #tpu.memory_space<vmem>>)
    %dma_start3A_287 = arith.constant 0 : i32
    %dma_start3A_288 = arith.constant 0 : i32
    %dma_start3A_289 = tpu.memref_slice %arg2[%dma_start3A_287, %dma_start3A_288] : memref<10000x128xf32, #tpu.memory_space<hbm>> -> memref<10000x128xf32, #tpu.memory_space<hbm>>
    tpu.enqueue_indirect_dma source(%dma_start3A_289 : memref<10000x128xf32, #tpu.memory_space<hbm>>) target(%arg20 : memref<112x128xf32, #tpu.memory_space<vmem>>) offsets(%arg11 : memref<112xi32, #tpu.memory_space<vmem>>) semaphore(%arg29 : memref<!tpu.dma_semaphore, #tpu.memory_space<semaphore_mem>>)
    %dma_wait3A_290 = arith.constant 0 : i32
    %dma_wait3A_291 = arith.constant 0 : i32
    %dma_wait3A_292 = tpu.memref_slice %arg2[%dma_wait3A_290, %dma_wait3A_291] : memref<10000x128xf32, #tpu.memory_space<hbm>> -> memref<10000x128xf32, #tpu.memory_space<hbm>>
    tpu.wait_indirect_dma semaphore(%arg31 : memref<!tpu.dma_semaphore, #tpu.memory_space<semaphore_mem>>) src(%dma_wait3A_292 : memref<10000x128xf32, #tpu.memory_space<hbm>>) dst(%arg22 : memref<112x128xf32, #tpu.memory_space<vmem>>)
    %dma_wait3A_293 = arith.constant 0 : i32
    %dma_wait3A_294 = arith.constant 0 : i32
    %dma_wait3A_295 = tpu.memref_slice %arg7[%dma_wait3A_293, %dma_wait3A_294] : memref<10112x128xf32, #tpu.memory_space<vmem_shared>> -> memref<10112x128xf32, #tpu.memory_space<vmem_shared>>
    tpu.wait_indirect_dma semaphore(%arg33 : memref<!tpu.dma_semaphore, #tpu.memory_space<semaphore_mem>>) src(%arg21 : memref<112x128xf32, #tpu.memory_space<vmem>>) dst(%dma_wait3A_295 : memref<10112x128xf32, #tpu.memory_space<vmem_shared>>)
    %dma_start3A_296 = arith.constant 0 : i32
    %dma_start3A_297 = arith.constant 0 : i32
    %dma_start3A_298 = tpu.memref_slice %arg7[%dma_start3A_296, %dma_start3A_297] : memref<10112x128xf32, #tpu.memory_space<vmem_shared>> -> memref<10112x128xf32, #tpu.memory_space<vmem_shared>>
    tpu.enqueue_indirect_dma source(%arg22 : memref<112x128xf32, #tpu.memory_space<vmem>>) target(%dma_start3A_298 : memref<10112x128xf32, #tpu.memory_space<vmem_shared>>) offsets(%arg16 : memref<112xi32, #tpu.memory_space<vmem>>) semaphore(%arg34 : memref<!tpu.dma_semaphore, #tpu.memory_space<semaphore_mem>>) {add = true}
    %add3A_299 = arith.constant 9856 : i32
    %add3A_300 = arith.addi %mul3A_2, %add3A_299 : i32
    %dma_wait3A_301 = tpu.memref_slice %arg3[%add3A_300] : memref<322560xi32, #tpu.memory_space<hbm>> -> memref<112xi32, #tpu.memory_space<hbm>>
    %dma_wait3A_302 = tpu.memref_slice %arg3[%add3A_300] : memref<322560xi32, #tpu.memory_space<hbm>> -> memref<112xi32, #tpu.memory_space<hbm>>
    tpu.wait_dma2 semaphore(%arg27 : memref<!tpu.dma_semaphore, #tpu.memory_space<semaphore_mem>>) src(%dma_wait3A_302 : memref<112xi32, #tpu.memory_space<hbm>>) dst(%arg12 : memref<112xi32, #tpu.memory_space<vmem>>)
    %add3A_303 = arith.constant 9856 : i32
    %add3A_304 = arith.addi %mul3A_2, %add3A_303 : i32
    %dma_wait3A_305 = tpu.memref_slice %arg4[%add3A_304] : memref<322560xi32, #tpu.memory_space<hbm>> -> memref<112xi32, #tpu.memory_space<hbm>>
    %dma_wait3A_306 = tpu.memref_slice %arg4[%add3A_304] : memref<322560xi32, #tpu.memory_space<hbm>> -> memref<112xi32, #tpu.memory_space<hbm>>
    tpu.wait_dma2 semaphore(%arg27 : memref<!tpu.dma_semaphore, #tpu.memory_space<semaphore_mem>>) src(%dma_wait3A_306 : memref<112xi32, #tpu.memory_space<hbm>>) dst(%arg18 : memref<112xi32, #tpu.memory_space<vmem>>)
    %dma_start3A_307 = arith.constant 0 : i32
    %dma_start3A_308 = arith.constant 0 : i32
    %dma_start3A_309 = tpu.memref_slice %arg2[%dma_start3A_307, %dma_start3A_308] : memref<10000x128xf32, #tpu.memory_space<hbm>> -> memref<10000x128xf32, #tpu.memory_space<hbm>>
    tpu.enqueue_indirect_dma source(%dma_start3A_309 : memref<10000x128xf32, #tpu.memory_space<hbm>>) target(%arg21 : memref<112x128xf32, #tpu.memory_space<vmem>>) offsets(%arg12 : memref<112xi32, #tpu.memory_space<vmem>>) semaphore(%arg30 : memref<!tpu.dma_semaphore, #tpu.memory_space<semaphore_mem>>)
    %dma_wait3A_310 = arith.constant 0 : i32
    %dma_wait3A_311 = arith.constant 0 : i32
    %dma_wait3A_312 = tpu.memref_slice %arg2[%dma_wait3A_310, %dma_wait3A_311] : memref<10000x128xf32, #tpu.memory_space<hbm>> -> memref<10000x128xf32, #tpu.memory_space<hbm>>
    tpu.wait_indirect_dma semaphore(%arg29 : memref<!tpu.dma_semaphore, #tpu.memory_space<semaphore_mem>>) src(%dma_wait3A_312 : memref<10000x128xf32, #tpu.memory_space<hbm>>) dst(%arg20 : memref<112x128xf32, #tpu.memory_space<vmem>>)
    %dma_wait3A_313 = arith.constant 0 : i32
    %dma_wait3A_314 = arith.constant 0 : i32
    %dma_wait3A_315 = tpu.memref_slice %arg7[%dma_wait3A_313, %dma_wait3A_314] : memref<10112x128xf32, #tpu.memory_space<vmem_shared>> -> memref<10112x128xf32, #tpu.memory_space<vmem_shared>>
    tpu.wait_indirect_dma semaphore(%arg34 : memref<!tpu.dma_semaphore, #tpu.memory_space<semaphore_mem>>) src(%arg22 : memref<112x128xf32, #tpu.memory_space<vmem>>) dst(%dma_wait3A_315 : memref<10112x128xf32, #tpu.memory_space<vmem_shared>>)
    %dma_start3A_316 = arith.constant 0 : i32
    %dma_start3A_317 = arith.constant 0 : i32
    %dma_start3A_318 = tpu.memref_slice %arg7[%dma_start3A_316, %dma_start3A_317] : memref<10112x128xf32, #tpu.memory_space<vmem_shared>> -> memref<10112x128xf32, #tpu.memory_space<vmem_shared>>
    tpu.enqueue_indirect_dma source(%arg20 : memref<112x128xf32, #tpu.memory_space<vmem>>) target(%dma_start3A_318 : memref<10112x128xf32, #tpu.memory_space<vmem_shared>>) offsets(%arg17 : memref<112xi32, #tpu.memory_space<vmem>>) semaphore(%arg32 : memref<!tpu.dma_semaphore, #tpu.memory_space<semaphore_mem>>) {add = true}
    %add3A_319 = arith.constant 9968 : i32
    %add3A_320 = arith.addi %mul3A_2, %add3A_319 : i32
    %dma_wait3A_321 = tpu.memref_slice %arg3[%add3A_320] : memref<322560xi32, #tpu.memory_space<hbm>> -> memref<112xi32, #tpu.memory_space<hbm>>
    %dma_wait3A_322 = tpu.memref_slice %arg3[%add3A_320] : memref<322560xi32, #tpu.memory_space<hbm>> -> memref<112xi32, #tpu.memory_space<hbm>>
    tpu.wait_dma2 semaphore(%arg28 : memref<!tpu.dma_semaphore, #tpu.memory_space<semaphore_mem>>) src(%dma_wait3A_322 : memref<112xi32, #tpu.memory_space<hbm>>) dst(%arg13 : memref<112xi32, #tpu.memory_space<vmem>>)
    %add3A_323 = arith.constant 9968 : i32
    %add3A_324 = arith.addi %mul3A_2, %add3A_323 : i32
    %dma_wait3A_325 = tpu.memref_slice %arg4[%add3A_324] : memref<322560xi32, #tpu.memory_space<hbm>> -> memref<112xi32, #tpu.memory_space<hbm>>
    %dma_wait3A_326 = tpu.memref_slice %arg4[%add3A_324] : memref<322560xi32, #tpu.memory_space<hbm>> -> memref<112xi32, #tpu.memory_space<hbm>>
    tpu.wait_dma2 semaphore(%arg28 : memref<!tpu.dma_semaphore, #tpu.memory_space<semaphore_mem>>) src(%dma_wait3A_326 : memref<112xi32, #tpu.memory_space<hbm>>) dst(%arg19 : memref<112xi32, #tpu.memory_space<vmem>>)
    %dma_start3A_327 = arith.constant 0 : i32
    %dma_start3A_328 = arith.constant 0 : i32
    %dma_start3A_329 = tpu.memref_slice %arg2[%dma_start3A_327, %dma_start3A_328] : memref<10000x128xf32, #tpu.memory_space<hbm>> -> memref<10000x128xf32, #tpu.memory_space<hbm>>
    tpu.enqueue_indirect_dma source(%dma_start3A_329 : memref<10000x128xf32, #tpu.memory_space<hbm>>) target(%arg22 : memref<112x128xf32, #tpu.memory_space<vmem>>) offsets(%arg13 : memref<112xi32, #tpu.memory_space<vmem>>) semaphore(%arg31 : memref<!tpu.dma_semaphore, #tpu.memory_space<semaphore_mem>>)
    %dma_wait3A_330 = arith.constant 0 : i32
    %dma_wait3A_331 = arith.constant 0 : i32
    %dma_wait3A_332 = tpu.memref_slice %arg2[%dma_wait3A_330, %dma_wait3A_331] : memref<10000x128xf32, #tpu.memory_space<hbm>> -> memref<10000x128xf32, #tpu.memory_space<hbm>>
    tpu.wait_indirect_dma semaphore(%arg30 : memref<!tpu.dma_semaphore, #tpu.memory_space<semaphore_mem>>) src(%dma_wait3A_332 : memref<10000x128xf32, #tpu.memory_space<hbm>>) dst(%arg21 : memref<112x128xf32, #tpu.memory_space<vmem>>)
    %dma_wait3A_333 = arith.constant 0 : i32
    %dma_wait3A_334 = arith.constant 0 : i32
    %dma_wait3A_335 = tpu.memref_slice %arg7[%dma_wait3A_333, %dma_wait3A_334] : memref<10112x128xf32, #tpu.memory_space<vmem_shared>> -> memref<10112x128xf32, #tpu.memory_space<vmem_shared>>
    tpu.wait_indirect_dma semaphore(%arg32 : memref<!tpu.dma_semaphore, #tpu.memory_space<semaphore_mem>>) src(%arg20 : memref<112x128xf32, #tpu.memory_space<vmem>>) dst(%dma_wait3A_335 : memref<10112x128xf32, #tpu.memory_space<vmem_shared>>)
    %dma_start3A_336 = arith.constant 0 : i32
    %dma_start3A_337 = arith.constant 0 : i32
    %dma_start3A_338 = tpu.memref_slice %arg7[%dma_start3A_336, %dma_start3A_337] : memref<10112x128xf32, #tpu.memory_space<vmem_shared>> -> memref<10112x128xf32, #tpu.memory_space<vmem_shared>>
    tpu.enqueue_indirect_dma source(%arg21 : memref<112x128xf32, #tpu.memory_space<vmem>>) target(%dma_start3A_338 : memref<10112x128xf32, #tpu.memory_space<vmem_shared>>) offsets(%arg18 : memref<112xi32, #tpu.memory_space<vmem>>) semaphore(%arg33 : memref<!tpu.dma_semaphore, #tpu.memory_space<semaphore_mem>>) {add = true}
    %dma_wait3A_339 = arith.constant 0 : i32
    %dma_wait3A_340 = arith.constant 0 : i32
    %dma_wait3A_341 = tpu.memref_slice %arg2[%dma_wait3A_339, %dma_wait3A_340] : memref<10000x128xf32, #tpu.memory_space<hbm>> -> memref<10000x128xf32, #tpu.memory_space<hbm>>
    tpu.wait_indirect_dma semaphore(%arg31 : memref<!tpu.dma_semaphore, #tpu.memory_space<semaphore_mem>>) src(%dma_wait3A_341 : memref<10000x128xf32, #tpu.memory_space<hbm>>) dst(%arg22 : memref<112x128xf32, #tpu.memory_space<vmem>>)
    %dma_wait3A_342 = arith.constant 0 : i32
    %dma_wait3A_343 = arith.constant 0 : i32
    %dma_wait3A_344 = tpu.memref_slice %arg7[%dma_wait3A_342, %dma_wait3A_343] : memref<10112x128xf32, #tpu.memory_space<vmem_shared>> -> memref<10112x128xf32, #tpu.memory_space<vmem_shared>>
    tpu.wait_indirect_dma semaphore(%arg33 : memref<!tpu.dma_semaphore, #tpu.memory_space<semaphore_mem>>) src(%arg21 : memref<112x128xf32, #tpu.memory_space<vmem>>) dst(%dma_wait3A_344 : memref<10112x128xf32, #tpu.memory_space<vmem_shared>>)
    %dma_start3A_345 = arith.constant 0 : i32
    %dma_start3A_346 = arith.constant 0 : i32
    %dma_start3A_347 = tpu.memref_slice %arg7[%dma_start3A_345, %dma_start3A_346] : memref<10112x128xf32, #tpu.memory_space<vmem_shared>> -> memref<10112x128xf32, #tpu.memory_space<vmem_shared>>
    tpu.enqueue_indirect_dma source(%arg22 : memref<112x128xf32, #tpu.memory_space<vmem>>) target(%dma_start3A_347 : memref<10112x128xf32, #tpu.memory_space<vmem_shared>>) offsets(%arg19 : memref<112xi32, #tpu.memory_space<vmem>>) semaphore(%arg34 : memref<!tpu.dma_semaphore, #tpu.memory_space<semaphore_mem>>) {add = true}
    %dma_wait3A_348 = arith.constant 0 : i32
    %dma_wait3A_349 = arith.constant 0 : i32
    %dma_wait3A_350 = tpu.memref_slice %arg7[%dma_wait3A_348, %dma_wait3A_349] : memref<10112x128xf32, #tpu.memory_space<vmem_shared>> -> memref<10112x128xf32, #tpu.memory_space<vmem_shared>>
    tpu.wait_indirect_dma semaphore(%arg34 : memref<!tpu.dma_semaphore, #tpu.memory_space<semaphore_mem>>) src(%arg22 : memref<112x128xf32, #tpu.memory_space<vmem>>) dst(%dma_wait3A_350 : memref<10112x128xf32, #tpu.memory_space<vmem_shared>>)
    %barrier3A_351 = arith.constant 0 : index
    tpu.barrier barrier_id(%barrier3A_351)
    %mul3A_352 = arith.constant 10112 : i32
    %mul3A_353 = arith.muli %arg0, %mul3A_352 : i32
    %add3A_354 = arith.addi %mul3A_353, %mul3A_4 : i32
    %add3A_355 = arith.constant 0 : i32
    %add3A_356 = arith.addi %mul3A_4, %add3A_355 : i32
    "tpu.region"() ({
      %run_scoped3A = tpu.sem_alloc : memref<!tpu.dma_semaphore, #tpu.memory_space<semaphore_mem>>
      %dma_start3A_511 = arith.constant 0 : i32
      %dma_start3A_512 = tpu.memref_slice %arg7[%add3A_356, %dma_start3A_511] : memref<10112x128xf32, #tpu.memory_space<vmem_shared>> -> memref<112x128xf32, #tpu.memory_space<vmem_shared>>
      %dma_start3A_513 = arith.constant 0 : i32
      %dma_start3A_514 = tpu.memref_slice %arg7[%add3A_356, %dma_start3A_513] : memref<10112x128xf32, #tpu.memory_space<vmem_shared>> -> memref<112x128xf32, #tpu.memory_space<vmem_shared>>
      tpu.enqueue_dma source(%dma_start3A_514 : memref<112x128xf32, #tpu.memory_space<vmem_shared>>) target(%arg20 : memref<112x128xf32, #tpu.memory_space<vmem>>) target_semaphore(%run_scoped3A : memref<!tpu.dma_semaphore, #tpu.memory_space<semaphore_mem>>)
      %dma_wait3A_515 = arith.constant 0 : i32
      %dma_wait3A_516 = tpu.memref_slice %arg7[%add3A_356, %dma_wait3A_515] : memref<10112x128xf32, #tpu.memory_space<vmem_shared>> -> memref<112x128xf32, #tpu.memory_space<vmem_shared>>
      %dma_wait3A_517 = arith.constant 0 : i32
      %dma_wait3A_518 = tpu.memref_slice %arg7[%add3A_356, %dma_wait3A_517] : memref<10112x128xf32, #tpu.memory_space<vmem_shared>> -> memref<112x128xf32, #tpu.memory_space<vmem_shared>>
      tpu.wait_dma2 semaphore(%run_scoped3A : memref<!tpu.dma_semaphore, #tpu.memory_space<semaphore_mem>>) src(%dma_wait3A_518 : memref<112x128xf32, #tpu.memory_space<vmem_shared>>) dst(%arg20 : memref<112x128xf32, #tpu.memory_space<vmem>>)
      tpu.yield
    }) : () -> ()
    %add3A_357 = arith.constant 0 : i32
    %add3A_358 = arith.addi %add3A_354, %add3A_357 : i32
    %dma_start3A_359 = arith.constant 0 : i32
    %dma_start3A_360 = arith.constant 0 : i32
    %dma_start3A_361 = tpu.memref_slice %arg20[%dma_start3A_359, %dma_start3A_360] : memref<112x128xf32, #tpu.memory_space<vmem>> -> memref<112x128xf32, #tpu.memory_space<vmem>>
    %dma_start3A_362 = arith.constant 0 : i32
    %dma_start3A_363 = tpu.memref_slice %arg6[%add3A_358, %dma_start3A_362] : memref<20224x128xf32, #tpu.memory_space<hbm>> -> memref<112x128xf32, #tpu.memory_space<hbm>>
    %dma_start3A_364 = arith.constant 0 : i32
    %dma_start3A_365 = tpu.memref_slice %arg6[%add3A_358, %dma_start3A_364] : memref<20224x128xf32, #tpu.memory_space<hbm>> -> memref<112x128xf32, #tpu.memory_space<hbm>>
    %dma_start3A_366 = arith.constant 0 : i32
    %dma_start3A_367 = arith.constant 0 : i32
    %dma_start3A_368 = tpu.memref_slice %arg20[%dma_start3A_366, %dma_start3A_367] : memref<112x128xf32, #tpu.memory_space<vmem>> -> memref<112x128xf32, #tpu.memory_space<vmem>>
    tpu.enqueue_dma source(%dma_start3A_368 : memref<112x128xf32, #tpu.memory_space<vmem>>) target(%dma_start3A_365 : memref<112x128xf32, #tpu.memory_space<hbm>>) target_semaphore(%arg32 : memref<!tpu.dma_semaphore, #tpu.memory_space<semaphore_mem>>)
    %add3A_369 = arith.constant 112 : i32
    %add3A_370 = arith.addi %mul3A_4, %add3A_369 : i32
    "tpu.region"() ({
      %run_scoped3A = tpu.sem_alloc : memref<!tpu.dma_semaphore, #tpu.memory_space<semaphore_mem>>
      %dma_start3A_511 = arith.constant 0 : i32
      %dma_start3A_512 = tpu.memref_slice %arg7[%add3A_370, %dma_start3A_511] : memref<10112x128xf32, #tpu.memory_space<vmem_shared>> -> memref<112x128xf32, #tpu.memory_space<vmem_shared>>
      %dma_start3A_513 = arith.constant 0 : i32
      %dma_start3A_514 = tpu.memref_slice %arg7[%add3A_370, %dma_start3A_513] : memref<10112x128xf32, #tpu.memory_space<vmem_shared>> -> memref<112x128xf32, #tpu.memory_space<vmem_shared>>
      tpu.enqueue_dma source(%dma_start3A_514 : memref<112x128xf32, #tpu.memory_space<vmem_shared>>) target(%arg21 : memref<112x128xf32, #tpu.memory_space<vmem>>) target_semaphore(%run_scoped3A : memref<!tpu.dma_semaphore, #tpu.memory_space<semaphore_mem>>)
      %dma_wait3A_515 = arith.constant 0 : i32
      %dma_wait3A_516 = tpu.memref_slice %arg7[%add3A_370, %dma_wait3A_515] : memref<10112x128xf32, #tpu.memory_space<vmem_shared>> -> memref<112x128xf32, #tpu.memory_space<vmem_shared>>
      %dma_wait3A_517 = arith.constant 0 : i32
      %dma_wait3A_518 = tpu.memref_slice %arg7[%add3A_370, %dma_wait3A_517] : memref<10112x128xf32, #tpu.memory_space<vmem_shared>> -> memref<112x128xf32, #tpu.memory_space<vmem_shared>>
      tpu.wait_dma2 semaphore(%run_scoped3A : memref<!tpu.dma_semaphore, #tpu.memory_space<semaphore_mem>>) src(%dma_wait3A_518 : memref<112x128xf32, #tpu.memory_space<vmem_shared>>) dst(%arg21 : memref<112x128xf32, #tpu.memory_space<vmem>>)
      tpu.yield
    }) : () -> ()
    %add3A_371 = arith.constant 112 : i32
    %add3A_372 = arith.addi %add3A_354, %add3A_371 : i32
    %dma_start3A_373 = arith.constant 0 : i32
    %dma_start3A_374 = arith.constant 0 : i32
    %dma_start3A_375 = tpu.memref_slice %arg21[%dma_start3A_373, %dma_start3A_374] : memref<112x128xf32, #tpu.memory_space<vmem>> -> memref<112x128xf32, #tpu.memory_space<vmem>>
    %dma_start3A_376 = arith.constant 0 : i32
    %dma_start3A_377 = tpu.memref_slice %arg6[%add3A_372, %dma_start3A_376] : memref<20224x128xf32, #tpu.memory_space<hbm>> -> memref<112x128xf32, #tpu.memory_space<hbm>>
    %dma_start3A_378 = arith.constant 0 : i32
    %dma_start3A_379 = tpu.memref_slice %arg6[%add3A_372, %dma_start3A_378] : memref<20224x128xf32, #tpu.memory_space<hbm>> -> memref<112x128xf32, #tpu.memory_space<hbm>>
    %dma_start3A_380 = arith.constant 0 : i32
    %dma_start3A_381 = arith.constant 0 : i32
    %dma_start3A_382 = tpu.memref_slice %arg21[%dma_start3A_380, %dma_start3A_381] : memref<112x128xf32, #tpu.memory_space<vmem>> -> memref<112x128xf32, #tpu.memory_space<vmem>>
    tpu.enqueue_dma source(%dma_start3A_382 : memref<112x128xf32, #tpu.memory_space<vmem>>) target(%dma_start3A_379 : memref<112x128xf32, #tpu.memory_space<hbm>>) target_semaphore(%arg33 : memref<!tpu.dma_semaphore, #tpu.memory_space<semaphore_mem>>)
    %add3A_383 = arith.constant 0 : i32
    %add3A_384 = arith.addi %add3A_354, %add3A_383 : i32
    %dma_wait3A_385 = arith.constant 0 : i32
    %dma_wait3A_386 = arith.constant 0 : i32
    %dma_wait3A_387 = tpu.memref_slice %arg20[%dma_wait3A_385, %dma_wait3A_386] : memref<112x128xf32, #tpu.memory_space<vmem>> -> memref<112x128xf32, #tpu.memory_space<vmem>>
    %dma_wait3A_388 = arith.constant 0 : i32
    %dma_wait3A_389 = tpu.memref_slice %arg6[%add3A_384, %dma_wait3A_388] : memref<20224x128xf32, #tpu.memory_space<hbm>> -> memref<112x128xf32, #tpu.memory_space<hbm>>
    %dma_wait3A_390 = arith.constant 0 : i32
    %dma_wait3A_391 = tpu.memref_slice %arg6[%add3A_384, %dma_wait3A_390] : memref<20224x128xf32, #tpu.memory_space<hbm>> -> memref<112x128xf32, #tpu.memory_space<hbm>>
    %dma_wait3A_392 = arith.constant 0 : i32
    %dma_wait3A_393 = arith.constant 0 : i32
    %dma_wait3A_394 = tpu.memref_slice %arg20[%dma_wait3A_392, %dma_wait3A_393] : memref<112x128xf32, #tpu.memory_space<vmem>> -> memref<112x128xf32, #tpu.memory_space<vmem>>
    tpu.wait_dma2 semaphore(%arg32 : memref<!tpu.dma_semaphore, #tpu.memory_space<semaphore_mem>>) src(%dma_wait3A_394 : memref<112x128xf32, #tpu.memory_space<vmem>>) dst(%dma_wait3A_391 : memref<112x128xf32, #tpu.memory_space<hbm>>)
    %add3A_395 = arith.constant 224 : i32
    %add3A_396 = arith.addi %mul3A_4, %add3A_395 : i32
    "tpu.region"() ({
      %run_scoped3A = tpu.sem_alloc : memref<!tpu.dma_semaphore, #tpu.memory_space<semaphore_mem>>
      %dma_start3A_511 = arith.constant 0 : i32
      %dma_start3A_512 = tpu.memref_slice %arg7[%add3A_396, %dma_start3A_511] : memref<10112x128xf32, #tpu.memory_space<vmem_shared>> -> memref<112x128xf32, #tpu.memory_space<vmem_shared>>
      %dma_start3A_513 = arith.constant 0 : i32
      %dma_start3A_514 = tpu.memref_slice %arg7[%add3A_396, %dma_start3A_513] : memref<10112x128xf32, #tpu.memory_space<vmem_shared>> -> memref<112x128xf32, #tpu.memory_space<vmem_shared>>
      tpu.enqueue_dma source(%dma_start3A_514 : memref<112x128xf32, #tpu.memory_space<vmem_shared>>) target(%arg20 : memref<112x128xf32, #tpu.memory_space<vmem>>) target_semaphore(%run_scoped3A : memref<!tpu.dma_semaphore, #tpu.memory_space<semaphore_mem>>)
      %dma_wait3A_515 = arith.constant 0 : i32
      %dma_wait3A_516 = tpu.memref_slice %arg7[%add3A_396, %dma_wait3A_515] : memref<10112x128xf32, #tpu.memory_space<vmem_shared>> -> memref<112x128xf32, #tpu.memory_space<vmem_shared>>
      %dma_wait3A_517 = arith.constant 0 : i32
      %dma_wait3A_518 = tpu.memref_slice %arg7[%add3A_396, %dma_wait3A_517] : memref<10112x128xf32, #tpu.memory_space<vmem_shared>> -> memref<112x128xf32, #tpu.memory_space<vmem_shared>>
      tpu.wait_dma2 semaphore(%run_scoped3A : memref<!tpu.dma_semaphore, #tpu.memory_space<semaphore_mem>>) src(%dma_wait3A_518 : memref<112x128xf32, #tpu.memory_space<vmem_shared>>) dst(%arg20 : memref<112x128xf32, #tpu.memory_space<vmem>>)
      tpu.yield
    }) : () -> ()
    %add3A_397 = arith.constant 224 : i32
    %add3A_398 = arith.addi %add3A_354, %add3A_397 : i32
    %dma_start3A_399 = arith.constant 0 : i32
    %dma_start3A_400 = arith.constant 0 : i32
    %dma_start3A_401 = tpu.memref_slice %arg20[%dma_start3A_399, %dma_start3A_400] : memref<112x128xf32, #tpu.memory_space<vmem>> -> memref<112x128xf32, #tpu.memory_space<vmem>>
    %dma_start3A_402 = arith.constant 0 : i32
    %dma_start3A_403 = tpu.memref_slice %arg6[%add3A_398, %dma_start3A_402] : memref<20224x128xf32, #tpu.memory_space<hbm>> -> memref<112x128xf32, #tpu.memory_space<hbm>>
    %dma_start3A_404 = arith.constant 0 : i32
    %dma_start3A_405 = tpu.memref_slice %arg6[%add3A_398, %dma_start3A_404] : memref<20224x128xf32, #tpu.memory_space<hbm>> -> memref<112x128xf32, #tpu.memory_space<hbm>>
    %dma_start3A_406 = arith.constant 0 : i32
    %dma_start3A_407 = arith.constant 0 : i32
    %dma_start3A_408 = tpu.memref_slice %arg20[%dma_start3A_406, %dma_start3A_407] : memref<112x128xf32, #tpu.memory_space<vmem>> -> memref<112x128xf32, #tpu.memory_space<vmem>>
    tpu.enqueue_dma source(%dma_start3A_408 : memref<112x128xf32, #tpu.memory_space<vmem>>) target(%dma_start3A_405 : memref<112x128xf32, #tpu.memory_space<hbm>>) target_semaphore(%arg32 : memref<!tpu.dma_semaphore, #tpu.memory_space<semaphore_mem>>)
    %add3A_409 = arith.constant 112 : i32
    %add3A_410 = arith.addi %add3A_354, %add3A_409 : i32
    %dma_wait3A_411 = arith.constant 0 : i32
    %dma_wait3A_412 = arith.constant 0 : i32
    %dma_wait3A_413 = tpu.memref_slice %arg21[%dma_wait3A_411, %dma_wait3A_412] : memref<112x128xf32, #tpu.memory_space<vmem>> -> memref<112x128xf32, #tpu.memory_space<vmem>>
    %dma_wait3A_414 = arith.constant 0 : i32
    %dma_wait3A_415 = tpu.memref_slice %arg6[%add3A_410, %dma_wait3A_414] : memref<20224x128xf32, #tpu.memory_space<hbm>> -> memref<112x128xf32, #tpu.memory_space<hbm>>
    %dma_wait3A_416 = arith.constant 0 : i32
    %dma_wait3A_417 = tpu.memref_slice %arg6[%add3A_410, %dma_wait3A_416] : memref<20224x128xf32, #tpu.memory_space<hbm>> -> memref<112x128xf32, #tpu.memory_space<hbm>>
    %dma_wait3A_418 = arith.constant 0 : i32
    %dma_wait3A_419 = arith.constant 0 : i32
    %dma_wait3A_420 = tpu.memref_slice %arg21[%dma_wait3A_418, %dma_wait3A_419] : memref<112x128xf32, #tpu.memory_space<vmem>> -> memref<112x128xf32, #tpu.memory_space<vmem>>
    tpu.wait_dma2 semaphore(%arg33 : memref<!tpu.dma_semaphore, #tpu.memory_space<semaphore_mem>>) src(%dma_wait3A_420 : memref<112x128xf32, #tpu.memory_space<vmem>>) dst(%dma_wait3A_417 : memref<112x128xf32, #tpu.memory_space<hbm>>)
    %add3A_421 = arith.constant 336 : i32
    %add3A_422 = arith.addi %mul3A_4, %add3A_421 : i32
    "tpu.region"() ({
      %run_scoped3A = tpu.sem_alloc : memref<!tpu.dma_semaphore, #tpu.memory_space<semaphore_mem>>
      %dma_start3A_511 = arith.constant 0 : i32
      %dma_start3A_512 = tpu.memref_slice %arg7[%add3A_422, %dma_start3A_511] : memref<10112x128xf32, #tpu.memory_space<vmem_shared>> -> memref<112x128xf32, #tpu.memory_space<vmem_shared>>
      %dma_start3A_513 = arith.constant 0 : i32
      %dma_start3A_514 = tpu.memref_slice %arg7[%add3A_422, %dma_start3A_513] : memref<10112x128xf32, #tpu.memory_space<vmem_shared>> -> memref<112x128xf32, #tpu.memory_space<vmem_shared>>
      tpu.enqueue_dma source(%dma_start3A_514 : memref<112x128xf32, #tpu.memory_space<vmem_shared>>) target(%arg21 : memref<112x128xf32, #tpu.memory_space<vmem>>) target_semaphore(%run_scoped3A : memref<!tpu.dma_semaphore, #tpu.memory_space<semaphore_mem>>)
      %dma_wait3A_515 = arith.constant 0 : i32
      %dma_wait3A_516 = tpu.memref_slice %arg7[%add3A_422, %dma_wait3A_515] : memref<10112x128xf32, #tpu.memory_space<vmem_shared>> -> memref<112x128xf32, #tpu.memory_space<vmem_shared>>
      %dma_wait3A_517 = arith.constant 0 : i32
      %dma_wait3A_518 = tpu.memref_slice %arg7[%add3A_422, %dma_wait3A_517] : memref<10112x128xf32, #tpu.memory_space<vmem_shared>> -> memref<112x128xf32, #tpu.memory_space<vmem_shared>>
      tpu.wait_dma2 semaphore(%run_scoped3A : memref<!tpu.dma_semaphore, #tpu.memory_space<semaphore_mem>>) src(%dma_wait3A_518 : memref<112x128xf32, #tpu.memory_space<vmem_shared>>) dst(%arg21 : memref<112x128xf32, #tpu.memory_space<vmem>>)
      tpu.yield
    }) : () -> ()
    %add3A_423 = arith.constant 336 : i32
    %add3A_424 = arith.addi %add3A_354, %add3A_423 : i32
    %dma_start3A_425 = arith.constant 0 : i32
    %dma_start3A_426 = arith.constant 0 : i32
    %dma_start3A_427 = tpu.memref_slice %arg21[%dma_start3A_425, %dma_start3A_426] : memref<112x128xf32, #tpu.memory_space<vmem>> -> memref<112x128xf32, #tpu.memory_space<vmem>>
    %dma_start3A_428 = arith.constant 0 : i32
    %dma_start3A_429 = tpu.memref_slice %arg6[%add3A_424, %dma_start3A_428] : memref<20224x128xf32, #tpu.memory_space<hbm>> -> memref<112x128xf32, #tpu.memory_space<hbm>>
    %dma_start3A_430 = arith.constant 0 : i32
    %dma_start3A_431 = tpu.memref_slice %arg6[%add3A_424, %dma_start3A_430] : memref<20224x128xf32, #tpu.memory_space<hbm>> -> memref<112x128xf32, #tpu.memory_space<hbm>>
    %dma_start3A_432 = arith.constant 0 : i32
    %dma_start3A_433 = arith.constant 0 : i32
    %dma_start3A_434 = tpu.memref_slice %arg21[%dma_start3A_432, %dma_start3A_433] : memref<112x128xf32, #tpu.memory_space<vmem>> -> memref<112x128xf32, #tpu.memory_space<vmem>>
    tpu.enqueue_dma source(%dma_start3A_434 : memref<112x128xf32, #tpu.memory_space<vmem>>) target(%dma_start3A_431 : memref<112x128xf32, #tpu.memory_space<hbm>>) target_semaphore(%arg33 : memref<!tpu.dma_semaphore, #tpu.memory_space<semaphore_mem>>)
    %add3A_435 = arith.constant 224 : i32
    %add3A_436 = arith.addi %add3A_354, %add3A_435 : i32
    %dma_wait3A_437 = arith.constant 0 : i32
    %dma_wait3A_438 = arith.constant 0 : i32
    %dma_wait3A_439 = tpu.memref_slice %arg20[%dma_wait3A_437, %dma_wait3A_438] : memref<112x128xf32, #tpu.memory_space<vmem>> -> memref<112x128xf32, #tpu.memory_space<vmem>>
    %dma_wait3A_440 = arith.constant 0 : i32
    %dma_wait3A_441 = tpu.memref_slice %arg6[%add3A_436, %dma_wait3A_440] : memref<20224x128xf32, #tpu.memory_space<hbm>> -> memref<112x128xf32, #tpu.memory_space<hbm>>
    %dma_wait3A_442 = arith.constant 0 : i32
    %dma_wait3A_443 = tpu.memref_slice %arg6[%add3A_436, %dma_wait3A_442] : memref<20224x128xf32, #tpu.memory_space<hbm>> -> memref<112x128xf32, #tpu.memory_space<hbm>>
    %dma_wait3A_444 = arith.constant 0 : i32
    %dma_wait3A_445 = arith.constant 0 : i32
    %dma_wait3A_446 = tpu.memref_slice %arg20[%dma_wait3A_444, %dma_wait3A_445] : memref<112x128xf32, #tpu.memory_space<vmem>> -> memref<112x128xf32, #tpu.memory_space<vmem>>
    tpu.wait_dma2 semaphore(%arg32 : memref<!tpu.dma_semaphore, #tpu.memory_space<semaphore_mem>>) src(%dma_wait3A_446 : memref<112x128xf32, #tpu.memory_space<vmem>>) dst(%dma_wait3A_443 : memref<112x128xf32, #tpu.memory_space<hbm>>)
    %add3A_447 = arith.constant 448 : i32
    %add3A_448 = arith.addi %mul3A_4, %add3A_447 : i32
    "tpu.region"() ({
      %run_scoped3A = tpu.sem_alloc : memref<!tpu.dma_semaphore, #tpu.memory_space<semaphore_mem>>
      %dma_start3A_511 = arith.constant 0 : i32
      %dma_start3A_512 = tpu.memref_slice %arg7[%add3A_448, %dma_start3A_511] : memref<10112x128xf32, #tpu.memory_space<vmem_shared>> -> memref<112x128xf32, #tpu.memory_space<vmem_shared>>
      %dma_start3A_513 = arith.constant 0 : i32
      %dma_start3A_514 = tpu.memref_slice %arg7[%add3A_448, %dma_start3A_513] : memref<10112x128xf32, #tpu.memory_space<vmem_shared>> -> memref<112x128xf32, #tpu.memory_space<vmem_shared>>
      tpu.enqueue_dma source(%dma_start3A_514 : memref<112x128xf32, #tpu.memory_space<vmem_shared>>) target(%arg20 : memref<112x128xf32, #tpu.memory_space<vmem>>) target_semaphore(%run_scoped3A : memref<!tpu.dma_semaphore, #tpu.memory_space<semaphore_mem>>)
      %dma_wait3A_515 = arith.constant 0 : i32
      %dma_wait3A_516 = tpu.memref_slice %arg7[%add3A_448, %dma_wait3A_515] : memref<10112x128xf32, #tpu.memory_space<vmem_shared>> -> memref<112x128xf32, #tpu.memory_space<vmem_shared>>
      %dma_wait3A_517 = arith.constant 0 : i32
      %dma_wait3A_518 = tpu.memref_slice %arg7[%add3A_448, %dma_wait3A_517] : memref<10112x128xf32, #tpu.memory_space<vmem_shared>> -> memref<112x128xf32, #tpu.memory_space<vmem_shared>>
      tpu.wait_dma2 semaphore(%run_scoped3A : memref<!tpu.dma_semaphore, #tpu.memory_space<semaphore_mem>>) src(%dma_wait3A_518 : memref<112x128xf32, #tpu.memory_space<vmem_shared>>) dst(%arg20 : memref<112x128xf32, #tpu.memory_space<vmem>>)
      tpu.yield
    }) : () -> ()
    %add3A_449 = arith.constant 448 : i32
    %add3A_450 = arith.addi %add3A_354, %add3A_449 : i32
    %dma_start3A_451 = arith.constant 0 : i32
    %dma_start3A_452 = arith.constant 0 : i32
    %dma_start3A_453 = tpu.memref_slice %arg20[%dma_start3A_451, %dma_start3A_452] : memref<112x128xf32, #tpu.memory_space<vmem>> -> memref<112x128xf32, #tpu.memory_space<vmem>>
    %dma_start3A_454 = arith.constant 0 : i32
    %dma_start3A_455 = tpu.memref_slice %arg6[%add3A_450, %dma_start3A_454] : memref<20224x128xf32, #tpu.memory_space<hbm>> -> memref<112x128xf32, #tpu.memory_space<hbm>>
    %dma_start3A_456 = arith.constant 0 : i32
    %dma_start3A_457 = tpu.memref_slice %arg6[%add3A_450, %dma_start3A_456] : memref<20224x128xf32, #tpu.memory_space<hbm>> -> memref<112x128xf32, #tpu.memory_space<hbm>>
    %dma_start3A_458 = arith.constant 0 : i32
    %dma_start3A_459 = arith.constant 0 : i32
    %dma_start3A_460 = tpu.memref_slice %arg20[%dma_start3A_458, %dma_start3A_459] : memref<112x128xf32, #tpu.memory_space<vmem>> -> memref<112x128xf32, #tpu.memory_space<vmem>>
    tpu.enqueue_dma source(%dma_start3A_460 : memref<112x128xf32, #tpu.memory_space<vmem>>) target(%dma_start3A_457 : memref<112x128xf32, #tpu.memory_space<hbm>>) target_semaphore(%arg32 : memref<!tpu.dma_semaphore, #tpu.memory_space<semaphore_mem>>)
    %add3A_461 = arith.constant 336 : i32
    %add3A_462 = arith.addi %add3A_354, %add3A_461 : i32
    %dma_wait3A_463 = arith.constant 0 : i32
    %dma_wait3A_464 = arith.constant 0 : i32
    %dma_wait3A_465 = tpu.memref_slice %arg21[%dma_wait3A_463, %dma_wait3A_464] : memref<112x128xf32, #tpu.memory_space<vmem>> -> memref<112x128xf32, #tpu.memory_space<vmem>>
    %dma_wait3A_466 = arith.constant 0 : i32
    %dma_wait3A_467 = tpu.memref_slice %arg6[%add3A_462, %dma_wait3A_466] : memref<20224x128xf32, #tpu.memory_space<hbm>> -> memref<112x128xf32, #tpu.memory_space<hbm>>
    %dma_wait3A_468 = arith.constant 0 : i32
    %dma_wait3A_469 = tpu.memref_slice %arg6[%add3A_462, %dma_wait3A_468] : memref<20224x128xf32, #tpu.memory_space<hbm>> -> memref<112x128xf32, #tpu.memory_space<hbm>>
    %dma_wait3A_470 = arith.constant 0 : i32
    %dma_wait3A_471 = arith.constant 0 : i32
    %dma_wait3A_472 = tpu.memref_slice %arg21[%dma_wait3A_470, %dma_wait3A_471] : memref<112x128xf32, #tpu.memory_space<vmem>> -> memref<112x128xf32, #tpu.memory_space<vmem>>
    tpu.wait_dma2 semaphore(%arg33 : memref<!tpu.dma_semaphore, #tpu.memory_space<semaphore_mem>>) src(%dma_wait3A_472 : memref<112x128xf32, #tpu.memory_space<vmem>>) dst(%dma_wait3A_469 : memref<112x128xf32, #tpu.memory_space<hbm>>)
    %add3A_473 = arith.constant 560 : i32
    %add3A_474 = arith.addi %mul3A_4, %add3A_473 : i32
    "tpu.region"() ({
      %run_scoped3A = tpu.sem_alloc : memref<!tpu.dma_semaphore, #tpu.memory_space<semaphore_mem>>
      %dma_start3A_511 = arith.constant 0 : i32
      %dma_start3A_512 = arith.constant 0 : i32
      %dma_start3A_513 = tpu.memref_slice %arg21[%dma_start3A_511, %dma_start3A_512] : memref<112x128xf32, #tpu.memory_space<vmem>> -> memref<72x128xf32, #tpu.memory_space<vmem>>
      %dma_start3A_514 = arith.constant 0 : i32
      %dma_start3A_515 = tpu.memref_slice %arg7[%add3A_474, %dma_start3A_514] : memref<10112x128xf32, #tpu.memory_space<vmem_shared>> -> memref<72x128xf32, #tpu.memory_space<vmem_shared>>
      %dma_start3A_516 = arith.constant 0 : i32
      %dma_start3A_517 = arith.constant 0 : i32
      %dma_start3A_518 = tpu.memref_slice %arg21[%dma_start3A_516, %dma_start3A_517] : memref<112x128xf32, #tpu.memory_space<vmem>> -> memref<72x128xf32, #tpu.memory_space<vmem>>
      %dma_start3A_519 = arith.constant 0 : i32
      %dma_start3A_520 = tpu.memref_slice %arg7[%add3A_474, %dma_start3A_519] : memref<10112x128xf32, #tpu.memory_space<vmem_shared>> -> memref<72x128xf32, #tpu.memory_space<vmem_shared>>
      tpu.enqueue_dma source(%dma_start3A_520 : memref<72x128xf32, #tpu.memory_space<vmem_shared>>) target(%dma_start3A_518 : memref<72x128xf32, #tpu.memory_space<vmem>>) target_semaphore(%run_scoped3A : memref<!tpu.dma_semaphore, #tpu.memory_space<semaphore_mem>>)
      %dma_wait3A_521 = arith.constant 0 : i32
      %dma_wait3A_522 = arith.constant 0 : i32
      %dma_wait3A_523 = tpu.memref_slice %arg21[%dma_wait3A_521, %dma_wait3A_522] : memref<112x128xf32, #tpu.memory_space<vmem>> -> memref<72x128xf32, #tpu.memory_space<vmem>>
      %dma_wait3A_524 = arith.constant 0 : i32
      %dma_wait3A_525 = tpu.memref_slice %arg7[%add3A_474, %dma_wait3A_524] : memref<10112x128xf32, #tpu.memory_space<vmem_shared>> -> memref<72x128xf32, #tpu.memory_space<vmem_shared>>
      %dma_wait3A_526 = arith.constant 0 : i32
      %dma_wait3A_527 = arith.constant 0 : i32
      %dma_wait3A_528 = tpu.memref_slice %arg21[%dma_wait3A_526, %dma_wait3A_527] : memref<112x128xf32, #tpu.memory_space<vmem>> -> memref<72x128xf32, #tpu.memory_space<vmem>>
      %dma_wait3A_529 = arith.constant 0 : i32
      %dma_wait3A_530 = tpu.memref_slice %arg7[%add3A_474, %dma_wait3A_529] : memref<10112x128xf32, #tpu.memory_space<vmem_shared>> -> memref<72x128xf32, #tpu.memory_space<vmem_shared>>
      tpu.wait_dma2 semaphore(%run_scoped3A : memref<!tpu.dma_semaphore, #tpu.memory_space<semaphore_mem>>) src(%dma_wait3A_530 : memref<72x128xf32, #tpu.memory_space<vmem_shared>>) dst(%dma_wait3A_528 : memref<72x128xf32, #tpu.memory_space<vmem>>)
      tpu.yield
    }) : () -> ()
    %add3A_475 = arith.constant 560 : i32
    %add3A_476 = arith.addi %add3A_354, %add3A_475 : i32
    %dma_start3A_477 = arith.constant 0 : i32
    %dma_start3A_478 = arith.constant 0 : i32
    %dma_start3A_479 = tpu.memref_slice %arg21[%dma_start3A_477, %dma_start3A_478] : memref<112x128xf32, #tpu.memory_space<vmem>> -> memref<72x128xf32, #tpu.memory_space<vmem>>
    %dma_start3A_480 = arith.constant 0 : i32
    %dma_start3A_481 = tpu.memref_slice %arg6[%add3A_476, %dma_start3A_480] : memref<20224x128xf32, #tpu.memory_space<hbm>> -> memref<72x128xf32, #tpu.memory_space<hbm>>
    %dma_start3A_482 = arith.constant 0 : i32
    %dma_start3A_483 = tpu.memref_slice %arg6[%add3A_476, %dma_start3A_482] : memref<20224x128xf32, #tpu.memory_space<hbm>> -> memref<72x128xf32, #tpu.memory_space<hbm>>
    %dma_start3A_484 = arith.constant 0 : i32
    %dma_start3A_485 = arith.constant 0 : i32
    %dma_start3A_486 = tpu.memref_slice %arg21[%dma_start3A_484, %dma_start3A_485] : memref<112x128xf32, #tpu.memory_space<vmem>> -> memref<72x128xf32, #tpu.memory_space<vmem>>
    tpu.enqueue_dma source(%dma_start3A_486 : memref<72x128xf32, #tpu.memory_space<vmem>>) target(%dma_start3A_483 : memref<72x128xf32, #tpu.memory_space<hbm>>) target_semaphore(%arg33 : memref<!tpu.dma_semaphore, #tpu.memory_space<semaphore_mem>>)
    %add3A_487 = arith.constant 448 : i32
    %add3A_488 = arith.addi %add3A_354, %add3A_487 : i32
    %dma_wait3A_489 = arith.constant 0 : i32
    %dma_wait3A_490 = arith.constant 0 : i32
    %dma_wait3A_491 = tpu.memref_slice %arg20[%dma_wait3A_489, %dma_wait3A_490] : memref<112x128xf32, #tpu.memory_space<vmem>> -> memref<112x128xf32, #tpu.memory_space<vmem>>
    %dma_wait3A_492 = arith.constant 0 : i32
    %dma_wait3A_493 = tpu.memref_slice %arg6[%add3A_488, %dma_wait3A_492] : memref<20224x128xf32, #tpu.memory_space<hbm>> -> memref<112x128xf32, #tpu.memory_space<hbm>>
    %dma_wait3A_494 = arith.constant 0 : i32
    %dma_wait3A_495 = tpu.memref_slice %arg6[%add3A_488, %dma_wait3A_494] : memref<20224x128xf32, #tpu.memory_space<hbm>> -> memref<112x128xf32, #tpu.memory_space<hbm>>
    %dma_wait3A_496 = arith.constant 0 : i32
    %dma_wait3A_497 = arith.constant 0 : i32
    %dma_wait3A_498 = tpu.memref_slice %arg20[%dma_wait3A_496, %dma_wait3A_497] : memref<112x128xf32, #tpu.memory_space<vmem>> -> memref<112x128xf32, #tpu.memory_space<vmem>>
    tpu.wait_dma2 semaphore(%arg32 : memref<!tpu.dma_semaphore, #tpu.memory_space<semaphore_mem>>) src(%dma_wait3A_498 : memref<112x128xf32, #tpu.memory_space<vmem>>) dst(%dma_wait3A_495 : memref<112x128xf32, #tpu.memory_space<hbm>>)
    %add3A_499 = arith.constant 560 : i32
    %add3A_500 = arith.addi %add3A_354, %add3A_499 : i32
    %dma_wait3A_501 = arith.constant 0 : i32
    %dma_wait3A_502 = arith.constant 0 : i32
    %dma_wait3A_503 = tpu.memref_slice %arg21[%dma_wait3A_501, %dma_wait3A_502] : memref<112x128xf32, #tpu.memory_space<vmem>> -> memref<72x128xf32, #tpu.memory_space<vmem>>
    %dma_wait3A_504 = arith.constant 0 : i32
    %dma_wait3A_505 = tpu.memref_slice %arg6[%add3A_500, %dma_wait3A_504] : memref<20224x128xf32, #tpu.memory_space<hbm>> -> memref<72x128xf32, #tpu.memory_space<hbm>>
    %dma_wait3A_506 = arith.constant 0 : i32
    %dma_wait3A_507 = tpu.memref_slice %arg6[%add3A_500, %dma_wait3A_506] : memref<20224x128xf32, #tpu.memory_space<hbm>> -> memref<72x128xf32, #tpu.memory_space<hbm>>
    %dma_wait3A_508 = arith.constant 0 : i32
    %dma_wait3A_509 = arith.constant 0 : i32
    %dma_wait3A_510 = tpu.memref_slice %arg21[%dma_wait3A_508, %dma_wait3A_509] : memref<112x128xf32, #tpu.memory_space<vmem>> -> memref<72x128xf32, #tpu.memory_space<vmem>>
    tpu.wait_dma2 semaphore(%arg33 : memref<!tpu.dma_semaphore, #tpu.memory_space<semaphore_mem>>) src(%dma_wait3A_510 : memref<72x128xf32, #tpu.memory_space<vmem>>) dst(%dma_wait3A_507 : memref<72x128xf32, #tpu.memory_space<hbm>>)
    return
  }
}

module attributes {stable_mosaic.version = 14 : i64} {
  func.func @_tc_body(%arg0: i32, %arg1: memref<2x1000x128xf32, #tpu.memory_space<vmem>>, %arg2: memref<128x128xf32, #tpu.memory_space<vmem>>, %arg3: memref<1x128xf32, #tpu.memory_space<vmem>>, %arg4: memref<1000x1xf32, #tpu.memory_space<vmem>>, %arg5: memref<1000x128xf32, #tpu.memory_space<vmem>>) attributes {dimension_semantics = [#tpu.dimension_semantics<arbitrary>], iteration_bounds = array<i64: 10>, scalar_prefetch = 0 : i64, scratch_operands = 0 : i64, tpu.core_type = #tpu.core_type<tc>, window_params = [{transform_indices = @transform_0, window_bounds = array<i64: 2, 1000, 128>}, {pipeline_mode = #tpu.pipeline_mode<synchronous>, transform_indices = @transform_1, window_bounds = array<i64: 128, 128>}, {pipeline_mode = #tpu.pipeline_mode<synchronous>, transform_indices = @transform_2, window_bounds = array<i64: 1, 128>}, {transform_indices = @transform_3, window_bounds = array<i64: 1000, 1>}, {transform_indices = @transform_4, window_bounds = array<i64: 1000, 128>}]} {
    %get3A = arith.constant 0 : index
    %get3A_0 = arith.constant 0 : index
    %get3A_1 = arith.constant 0 : index
    %get3A_2 = vector.load %arg1[%get3A, %get3A_0, %get3A_1] : memref<2x1000x128xf32, #tpu.memory_space<vmem>>, vector<1x1000x128xf32>
    %get3A_3 = vector.shape_cast %get3A_2 : vector<1x1000x128xf32> to vector<1000x128xf32>
    %get3A_4 = arith.constant 1 : index
    %get3A_5 = arith.constant 0 : index
    %get3A_6 = arith.constant 0 : index
    %get3A_7 = vector.load %arg1[%get3A_4, %get3A_5, %get3A_6] : memref<2x1000x128xf32, #tpu.memory_space<vmem>>, vector<1x1000x128xf32>
    %get3A_8 = vector.shape_cast %get3A_7 : vector<1x1000x128xf32> to vector<1000x128xf32>
    %add3A = arith.addf %get3A_3, %get3A_8 : vector<1000x128xf32>
    %get3A_9 = arith.constant 0 : index
    %get3A_10 = arith.constant 0 : index
    %get3A_11 = vector.load %arg2[%get3A_9, %get3A_10] : memref<128x128xf32, #tpu.memory_space<vmem>>, vector<128x128xf32>
    %dot_general3A = arith.constant dense<0.000000e+00> : vector<1000x128xf32>
    %dot_general3A_12 = tpu.matmul %add3A, %get3A_11, %dot_general3A {dimension_numbers = #tpu.dot_dimension_numbers<[1], [0], [0], [1], [0, 0, 1, 1], [], []>, transpose_lhs_hint = false} : vector<1000x128xf32>, vector<128x128xf32>, vector<1000x128xf32> -> vector<1000x128xf32>
    %get3A_13 = arith.constant 0 : index
    %get3A_14 = arith.constant 0 : index
    %get3A_15 = vector.load %arg3[%get3A_13, %get3A_14] : memref<1x128xf32, #tpu.memory_space<vmem>>, vector<1x128xf32>
    %add3A_16 = vector.broadcast %get3A_15 : vector<1x128xf32> to vector<1000x128xf32>
    %add3A_17 = arith.addf %dot_general3A_12, %add3A_16 : vector<1000x128xf32>
    %get3A_18 = arith.constant 0 : index
    %get3A_19 = arith.constant 0 : index
    %get3A_20 = vector.load %arg4[%get3A_18, %get3A_19] : memref<1000x1xf32, #tpu.memory_space<vmem>>, vector<1000x1xf32>
    %div3A = vector.broadcast %get3A_20 : vector<1000x1xf32> to vector<1000x128xf32>
    %div3A_21 = arith.divf %add3A_17, %div3A : vector<1000x128xf32>
    %max3A = arith.constant 0.000000e+00 : f32
    %max3A_22 = vector.broadcast %max3A : f32 to vector<1000x128xf32>
    %max3A_23 = arith.maximumf %div3A_21, %max3A_22 : vector<1000x128xf32>
    %swap3A = arith.constant 0 : index
    %swap3A_24 = arith.constant 0 : index
    %swap3A_25 = vector.load %arg5[%swap3A, %swap3A_24] : memref<1000x128xf32, #tpu.memory_space<vmem>>, vector<1000x128xf32>
    tpu.vector_store %arg5[%swap3A, %swap3A_24], %max3A_23 {strides = array<i32>} : memref<1000x128xf32, #tpu.memory_space<vmem>>, vector<1000x128xf32>,
    return
  }
  func.func @transform_0(%arg0: i32) -> (i32, i32, i32) {
    %c0_i32 = arith.constant 0 : i32
    %c0_i32_0 = arith.constant 0 : i32
    %c0_i32_1 = arith.constant 0 : i32
    return %c0_i32, %arg0, %c0_i32_0 : i32, i32, i32
  }
  func.func @transform_1(%arg0: i32) -> (i32, i32) {
    %c0_i32 = arith.constant 0 : i32
    %c0_i32_0 = arith.constant 0 : i32
    %c0_i32_1 = arith.constant 0 : i32
    return %c0_i32, %c0_i32_0 : i32, i32
  }
  func.func @transform_2(%arg0: i32) -> (i32, i32) {
    %c0_i32 = arith.constant 0 : i32
    %c0_i32_0 = arith.constant 0 : i32
    %c0_i32_1 = arith.constant 0 : i32
    return %c0_i32, %c0_i32_0 : i32, i32
  }
  func.func @transform_3(%arg0: i32) -> (i32, i32) {
    %c0_i32 = arith.constant 0 : i32
    %c0_i32_0 = arith.constant 0 : i32
    return %arg0, %c0_i32 : i32, i32
  }
  func.func @transform_4(%arg0: i32) -> (i32, i32) {
    %c0_i32 = arith.constant 0 : i32
    %c0_i32_0 = arith.constant 0 : i32
    return %arg0, %c0_i32 : i32, i32
  }
}

</mosaic_0001>

<sc_bundles>
// kernel: kernel.4.cloned.1.call-start
scs
__scs_entry_jumppad:
0x0: {  	(pc) =	sbr.rel $0x88, $3  }
0x1: {  	(tag) =	ssettag $0x0;
	lr =	simm.s32 $0x1  }
0x2: {  	[smem:$0x3F9C] =	sst lr;
	_ =	strace $0xD0000000  }
0x3: {  	_ = 	snop  }
0x4: {  	_ = 	snop  }
0x5: {  	_ = 	snop  }
0x6: {  	_ = 	snop  }
0x7: {  	_ = 	snop  }
__scs_overlays_trampoline_lowered:
0x8: {  	[smem:$0x3FAB] =	sst s0  }
0x9: {  	[smem:$0x3FAC] =	sst s1  }
0xa: {  	[smem:$0x3FAD] =	sst s2  }
0xb: {  	[smem:$0x3FAE] =	sst s3  }
0xc: {  	[smem:$0x3FAF] =	sst s4  }
0xd: {  	[smem:$0x3FB0] =	sst s5  }
0xe: {  	[smem:$0x3FB1] =	sst s6  }
0xf: {  	[smem:$0x3FB2] =	sst s7  }
0x10: {  	[smem:$0x3FB3] =	sst s8  }
0x11: {  	[smem:$0x3FB4] =	sst s9;
	s0 =	simm.s32 @!p0 $0x0  }
0x12: {  	s1 =	sld [smem:$0x3F9A];
	s0 =	simm.s32 @p0 $0x1  }
0x13: {  	[smem:$0x3FB5] =	sst s0;
	s0 =	simm.s32 @!p1 $0x0  }
0x14: {  	s2 =	sld [smem:$0x3F99];
	s0 =	simm.s32 @p1 $0x1  }
0x15: {  	[smem:$0x3FB6] =	sst s0;
	s0 =	simm.s32 @!p2 $0x0  }
0x16: {  	s3 =	sld [smem:$0x3FDB];
	s0 =	simm.s32 @p2 $0x1  }
0x17: {  	s4 =	simm.s32 $0x1BF5;
	[smem:$0x3FB8] =	sst s0  }
0x18: {  	s0 =	sld [smem:$0x3F9B];
	_ =	swait.ge [sflag:s4], $0x0  }
0x19: {  	s7 =	sld [smem:$0x3F9C]  }
0x1a: {  	s8 =	sadd.s32 $0xFFFFE003, lr  }
0x1b: {  	s9 =	sadd.s32 $0xFFFFFEF7, lr;
	s5 =	simm.s32 $0xFFFFFFFF;
	p2 =	slt.u32 s8, $0xFFFFF086  }
0x1c: {  	p1 =	slt.u32 s9, $0xF7A;
	s5 =	simm.s32 @!p2 $0x0  }
0x1d: {  	s5 =	simm.s32 @p1 $0x1;
	p0 =	seq.s32 s7, s2  }
0x1e: {  	s7 =	smul.u32 @!p0 $0xF7A, s2;
	p2 =	seq.s32 @!p0 s5, $0x0  }
0x1f: {  	s9 =	smul.u32 $0xF7A, s1;
	s8 =	simm.s32 @!p0 $0x1BF5;
	p2 =	por !p2, p0  }
0x20: {  	[sflag:s8] =	ssyncset.s32 @!p0 $0xFFFFF086;
	s6 =	sadd.s32 @!p0 s3, s7;
	s7 =	simm.s32 @!p0 $0x108  }
0x21: {  	s3 =	sadd.s32 s3, s9;
	s6 =	sadd.s32 @!p0 $0x88, s6;
	s7 =	simm.s32 @p2 $0x1082  }
0x22: {  	[simem:s7], [sflag:s8] =	dma.local @!p0 [hbm:s6], $0xF7A  }
0x23: {  	s9 =	sor.u32 $0xD0000000, s2;
	s6 =	simm.s32 $0x108;
	_ =	swait.ge @!p0 [sflag:s8], $0x0  }
0x24: {  	s3 =	sadd.s32 $0x88, s3;
	s6 =	simm.s32 @!p1 $0x1082;
	[sflag:s4] =	ssyncset.s32 $0xFFFFF086  }
0x25: {  	[simem:s6], [sflag:s4] =	dma.local [hbm:s3], $0xF7A  }
0x26: {  	[smem:$0x3F9C] =	sst s1;
	(tag) =	ssettag s2;
	_ =	strace s9  }
0x27: {  	s1 =	sld [smem:$0x3FAC]  }
0x28: {  	s2 =	sld [smem:$0x3FAD]  }
0x29: {  	s4 =	sld [smem:$0x3FAF]  }
0x2a: {  	p0 =	seq.s32 s5, $0x0;
	s5 =	sld [smem:$0x3FB0]  }
0x2b: {  	s6 =	sld [smem:$0x3FB1]  }
0x2c: {  	s7 =	sld [smem:$0x3FB2]  }
0x2d: {  	s3 =	simm.s32 $0x108;
	s8 =	sld [smem:$0x3FB3]  }
0x2e: {  	s3 =	simm.s32 @!p0 $0x1082;
	s9 =	sld [smem:$0x3FB4]  }
0x2f: {  	lr =	sadd.s32 s0, s3;
	s0 =	sld [smem:$0x3FAB]  }
0x30: {  	s3 =	sld [smem:$0x3FAE]  }
0x31: {  	[smem:$0x3FB7] =	sst s10  }
0x32: {  	s10 =	sld [smem:$0x3FB5];
	_ =	sdelay $0x3  }
0x33: {  	p0 =	seq.s32 s10, $0x1;
	s10 =	sld [smem:$0x3FB7];
	_ =	sdelay $0x3  }
0x34: {  	[smem:$0x3FB7] =	sst s10  }
0x35: {  	s10 =	sld [smem:$0x3FB6];
	_ =	sdelay $0x3  }
0x36: {  	p1 =	seq.s32 s10, $0x1;
	s10 =	sld [smem:$0x3FB7];
	_ =	sdelay $0x3  }
0x37: {  	[smem:$0x3FB7] =	sst s10  }
0x38: {  	s10 =	sld [smem:$0x3FB8]  }
0x39: {  	_ = 	snop;
	(pc) =	sbr.ind lr, $3  }
0x3a: {  	_ = 	snop  }
0x3b: {  	_ = 	snop  }
0x3c: {  	p2 =	seq.s32 s10, $0x1;
	s10 =	sld [smem:$0x3FB7]  }
0x3d: {  	_ =	shalt  }
0x3e: {  	_ =	shalt  }
0x3f: {  	_ =	shalt  }
0x40: {  	_ =	shalt  }
0x41: {  	_ =	shalt  }
0x42: {  	_ =	shalt  }
0x43: {  	_ =	shalt  }
0x44: {  	_ =	shalt  }
0x45: {  	_ =	shalt  }
0x46: {  	_ =	shalt  }
0x47: {  	_ =	shalt  }
0x48: {  	_ =	shalt  }
0x49: {  	_ =	shalt  }
0x4a: {  	_ =	shalt  }
0x4b: {  	_ =	shalt  }
0x4c: {  	_ =	shalt  }
0x4d: {  	_ =	shalt  }
0x4e: {  	_ =	shalt  }
0x4f: {  	_ =	shalt  }
0x50: {  	_ =	shalt  }
0x51: {  	_ =	shalt  }
0x52: {  	_ =	shalt  }
0x53: {  	_ =	shalt  }
0x54: {  	_ =	shalt  }
0x55: {  	_ =	shalt  }
0x56: {  	_ =	shalt  }
0x57: {  	_ =	shalt  }
0x58: {  	_ =	shalt  }
0x59: {  	_ =	shalt  }
0x5a: {  	_ =	shalt  }
0x5b: {  	_ =	shalt  }
0x5c: {  	_ =	shalt  }
0x5d: {  	_ =	shalt  }
0x5e: {  	_ =	shalt  }
0x5f: {  	_ =	shalt  }
0x60: {  	_ =	shalt  }
0x61: {  	_ =	shalt  }
0x62: {  	_ =	shalt  }
0x63: {  	_ =	shalt  }
0x64: {  	_ =	shalt  }
0x65: {  	_ =	shalt  }
0x66: {  	_ =	shalt  }
0x67: {  	_ =	shalt  }
0x68: {  	_ =	shalt  }
0x69: {  	_ =	shalt  }
0x6a: {  	_ =	shalt  }
0x6b: {  	_ =	shalt  }
0x6c: {  	_ =	shalt  }
0x6d: {  	_ =	shalt  }
0x6e: {  	_ =	shalt  }
0x6f: {  	_ =	shalt  }
0x70: {  	_ =	shalt  }
0x71: {  	_ =	shalt  }
0x72: {  	_ =	shalt  }
0x73: {  	_ =	shalt  }
0x74: {  	_ =	shalt  }
0x75: {  	_ =	shalt  }
0x76: {  	_ =	shalt  }
0x77: {  	_ =	shalt  }
0x78: {  	_ =	shalt  }
0x79: {  	_ =	shalt  }
0x7a: {  	_ =	shalt  }
0x7b: {  	_ =	shalt  }
0x7c: {  	_ =	shalt  }
0x7d: {  	_ =	shalt  }
0x7e: {  	_ =	shalt  }
0x7f: {  	_ =	shalt  }
0x80: {  	_ =	shalt  }
0x81: {  	_ =	shalt  }
0x82: {  	_ =	shalt  }
0x83: {  	_ =	shalt  }
0x84: {  	_ =	shalt  }
0x85: {  	_ =	shalt  }
0x86: {  	_ =	shalt  }
0x87: {  	_ =	shalt  }
.Lfunc_end0:
.L_simem_size_0:
called_computation_lowered:
.L_overlay_start_0:
0x88: {  	s2 =	sld [smem:$0x3FD9]  }
0x89: {  	s3 =	sld [smem:$0x3FFE];
	_ =	sdelay $0x1  }
0x8a: {  	s1 =	srdreg.scid  }
0x8b: {  	s0 =	sand.u32 $0x1, s1  }
0x8c: {  	s17 =	sshll.u32 s0, $0xA;
	s2 =	sadd.s32 s3, s2  }
0x8d: {  	s2 =	sadd.s32 s2, s17  }
0x8e: {  	[smem:$0x3FC3] =	sst s2  }
0x8f: {  	_ = 	snop  }
0x90: {  	s2 =	sld [smem:$0x3FC9]  }
0x91: {  	s18 =	sld [smem:$0x3FD0];
	(tm) =	ssettm $0x1  }
0x92: {  	s4 =	sld [smem:$0x3FFB];
	_ =	sdelay $0x3  }
0x93: {  	_ =	strace s4  }
0x94: {  	s4 =	sld [smem:$0x3FFC];
	_ =	sdelay $0x3  }
0x95: {  	_ =	strace s4  }
0x96: {  	s4 =	sld [smem:$0x3FFD];
	_ =	sdelay $0x3  }
0x97: {  	_ =	strace s4  }
0x98: {  	_ =	strace $0x8FFFFFFF  }
0x99: {  	s19 =	sld [smem:$0x3FDB];
	_ =	sdelay $0x1  }
0x9a: {  	s5 =	simm.s32 $_scs_section_size  }
0x9b: {  	s6 =	simm.s32 $_size__tile_overlayer_lowered;
	s7 =	simm.s32 $_tile_overlayer_lowered  }
0x9c: {  	s22 =	simm.s32 $0x1BFF;
	s21 =	sshll.u32 s7, $0x1;
	s4 =	sadd.s32 s5, s19  }
0x9d: {  	s8 =	simm.s32 $0x0;
	s20 =	sshll.u32 s6, $0x1;
	s6 =	sadd.s32 s21, s4  }
0x9e: {  	[timem:s8], [sflag:s22] =	dma.local [hbm:s6], s20  }
0x9f: {  	_ =	swait.ge [sflag:s22], s20  }
0xa0: {  	s5 =	ssub.s32 $0x0, s20;
	[sflag:s22] =	ssyncset.done $0x0  }
0xa1: {  	[sflag:s22] =	ssyncadd.s32 s5;
	_ =	sdelay $0x1  }
0xa2: {  	s23 =	simm.s32 $0x1B8B  }
0xa3: {  	_ =	swait.ge [sflag:s23], $0x1  }
0xa4: {  	[sflag:s23] =	ssyncset.done $0x0  }
0xa5: {  	s25 =	simm.s32 $0x1B8E;
	s24 =	sld [smem:$0x3FFE];
	[sflag:s23] =	ssyncadd.s32 $0xFFFFFFFF  }
0xa6: {  	s26 =	simm.s32 $execute0_lowered;
	[smem:$0x3FD2] =	sst s25  }
0xa7: {  	s6 =	sshll.u32 s26, $0x1;
	_ =	strace $0x80000046;
	[dreg:$0x1] =	wrdreg $0xFFFFFFFF  }
0xa8: {  	s28 =	simm.s32 $_size_execute0_lowered;
	s4 =	sadd.s32 s4, s6;
	[dreg:$0x0] =	wrdreg $0x0  }
0xa9: {  	s6 =	sshll.u32 s28, $0x1;
	[dreg:$0x2] =	wrdreg s4  }
0xaa: {  	[dreg:$0x3] =	wrdreg s6  }
0xab: {  	[dreg:$0x4] =	wrdreg $0xC0  }
0xac: {  	_ =	task [dreg:s8], $0x5FFFF  }
0xad: {  	[dreg:$0x1] =	wrdreg $0xFFFFFFFF  }
0xae: {  	[dreg:$0x0] =	wrdreg $0x60  }
0xaf: {  	[dreg:$0x2] =	wrdreg s2  }
0xb0: {  	[dreg:$0x3] =	wrdreg s18  }
0xb1: {  	[dreg:$0x4] =	wrdreg s24  }
0xb2: {  	[dreg:$0x5] =	wrdreg $0x0  }
0xb3: {  	[dreg:$0x6] =	wrdreg $0x9  }
0xb4: {  	_ =	task.clear_ibuf [dreg:s8], $0x7FFFF;
	_ =	strace $0x90000046  }
0xb5: {  	s29 =	simm.s32 $0x9;
	_ =	strace $0x80000048  }
0xb6: {  	_ =	swait.ge [sflag:s29], $0x1  }
0xb7: {  	[sflag:s29] =	ssyncadd.s32 $0xFFFFFFFF  }
0xb8: {  	_ =	strace $0x90000048  }
0xb9: {  	_ =	sfence  }
0xba: {  	s30 =	sld [smem:$0x0];
	_ =	sdelay $0x2  }
0xbb: {  	s31 =	sshll.u32 s1, $0xD;
	s1 =	sshrl.u32 s1, $0x2  }
0xbc: {  	s3 =	sand.u32 $0x4000, s31;
	s1 =	sadd.s32 s1, s30  }
0xbd: {  	s0 =	sor.u32 s3, s0;
	s1 =	sshll.u32 s1, $0x11  }
0xbe: {  	s0 =	sor.u32 s1, s0  }
0xbf: {  	s0 =	sadd.s32 $0x8F2B, s0  }
0xc0: {  	[sflag:s0] =	ssyncadd.remote.s32 $0x1  }
0xc1: {  	_ =	sfence.sel $0xFFFF  }
0xc2: {  	[dreg:$0x0] =	wrdreg $0xFFFFFFFF;
	(pc) =	sbr.abs _section_cstart, $3  }
0xc3: {  	[dreg:$0x1] =	wrdreg $0xFFFFFFFF  }
0xc4: {  	_ =	task.clear_ibuf [dreg:s8], $0x2FFFF;
	_ =	strace $0x9FFFFFFF  }
0xc5: {  	(tm) =	ssettm $0x7FFFFFFF  }
tec
execute0_lowered:
.L_overlay_start_1:
0x0: {  	(tag) =	ssettag $0x1  }
0x1: {  	s0 =	rddreg [dreg:$0x0]  }
0x2: {  	s1 =	srdreg.scid;
	s14 =	stileid.u32  }
0x3: {  	s5 =	rddreg [dreg:$0x1];
	s9 =	sand.u32 $0x1, s1;
	s13 =	smul.u32 $0x2760, s14  }
0x4: {  	s2 =	rddreg [dreg:$0x2];
	s1 =	sshll.u32 s9, $0x4;
	s7 =	smul.u32 $0x2780, s9  }
0x5: {  	s10 =	ssub.s32 $0x2, s9;
	p0 =	seq.s32 s9, $0x1;
	s9 =	smul.u32 $0x27600, s9  }
0x6: {  	s3 =	rddreg [dreg:$0x3]  }
0x7: {  	s4 =	simm.s32 $0x0;
	s1 =	sor.u32 s14, s1;
	s9 =	sadd.s32 s13, s9  }
0x8: {  	[smem:$0x7FF] =	sst s4;
	s1 =	smul.u32 $0x2760, s1;
	s13 =	sadd.s32 $0x620, s9  }
0x9: {  	s6 =	sadd.s32 $0x600, s2;
	_ =	strace $0x80000047;
	s24 =	sshrl.u32 s13, $0x3  }
0xa: {  	s11 =	sshrl.u32 s10, $0x1;
	s8 =	sshrl.u32 s1, $0x3;
	s25 =	sadd.s32 s24, s6  }
0xb: {  	s1 =	ssub.s32 s10, s11;
	s28 =	sadd.s32 s24, s5;
	[dreg:$0x7] =	wrdreg s25  }
0xc: {  	s30 =	sadd.s32 $0xE, s8;
	s1 =	smax.u32 s1, $0x1;
	[dreg:$0x8] =	wrdreg s28  }
0xd: {  	s31 =	sadd.s32 s5, s30;
	[smem:$0x7F5] =	sst s1  }
0xe: {  	s11 =	sadd.s32 $0x1C, s8;
	s10 =	sadd.s32 s6, s30;
	[dreg:$0x11] =	wrdreg s31  }
0xf: {  	s15 =	sadd.s32 $0x2A, s8;
	s12 =	sadd.s32 s5, s11;
	[dreg:$0x12] =	wrdreg s10  }
0x10: {  	s17 =	sadd.s32 $0x38, s8;
	s16 =	sadd.s32 s5, s15;
	[dreg:$0x13] =	wrdreg s12  }
0x11: {  	s26 =	sadd.s32 $0x5B0, s9;
	s18 =	sadd.s32 s5, s17;
	[dreg:$0x15] =	wrdreg s16  }
0x12: {  	s21 =	sadd.s32 $0x46, s8;
	s20 =	sadd.s32 s6, s17;
	[dreg:$0x17] =	wrdreg s18  }
0x13: {  	s29 =	sshrl.u32 s26, $0x3;
	s22 =	sadd.s32 s5, s21;
	[dreg:$0x18] =	wrdreg s20  }
0x14: {  	s30 =	sadd.s32 s29, s6;
	[dreg:$0x19] =	wrdreg s22  }
0x15: {  	s10 =	sadd.s32 s6, s11;
	[dreg:$0x9] =	wrdreg s30  }
0x16: {  	s28 =	sadd.s32 $0x7E, s8;
	s11 =	sadd.s32 s6, s21;
	[dreg:$0x14] =	wrdreg s10  }
0x17: {  	s30 =	sadd.s32 s5, s28;
	[dreg:$0x1a] =	wrdreg s11  }
0x18: {  	s10 =	sadd.s32 s6, s15;
	[smem:$0x7DB] =	sst s30  }
0x19: {  	s18 =	sadd.s32 $0x54, s8;
	s15 =	sadd.s32 s29, s5;
	[dreg:$0x16] =	wrdreg s10  }
0x1a: {  	s20 =	sadd.s32 s5, s18;
	[dreg:$0xa] =	wrdreg s15  }
0x1b: {  	s22 =	sadd.s32 $0x62, s8;
	s11 =	sadd.s32 s6, s18;
	[dreg:$0x1b] =	wrdreg s20  }
0x1c: {  	s24 =	sadd.s32 s5, s22;
	[dreg:$0x1c] =	wrdreg s11  }
0x1d: {  	s26 =	sadd.s32 $0x70, s8;
	s25 =	sadd.s32 s6, s22;
	[dreg:$0x1d] =	wrdreg s24  }
0x1e: {  	s31 =	sadd.s32 $0x540, s9;
	s29 =	sadd.s32 s5, s26;
	[dreg:$0x1e] =	wrdreg s25  }
0x1f: {  	s16 =	sshrl.u32 s31, $0x3;
	s31 =	sadd.s32 s6, s28;
	[dreg:$0x1f] =	wrdreg s29  }
0x20: {  	s19 =	sadd.s32 $0x690, s9;
	s17 =	sadd.s32 s16, s6;
	[smem:$0x7DC] =	sst s31  }
0x21: {  	s13 =	sadd.s32 $0x4D0, s8;
	s12 =	sadd.s32 s16, s5;
	[dreg:$0xb] =	wrdreg s17  }
0x22: {  	s22 =	smul.u32 $0x4F000, s14;
	s11 =	sadd.s32 s5, s8;
	[dreg:$0xc] =	wrdreg s12  }
0x23: {  	s10 =	sshrl.u32 s19, $0x3;
	s16 =	sadd.s32 s5, s13;
	[smem:$0x7DD] =	sst s11  }
0x24: {  	s19 =	sadd.s32 $0x4D0, s9;
	s23 =	sadd.s32 s10, s6;
	[smem:$0x7DF] =	sst s16  }
0x25: {  	s9 =	sadd.s32 $0x460, s9;
	s10 =	sadd.s32 s10, s5;
	[dreg:$0x5] =	wrdreg s23  }
0x26: {  	s9 =	sshrl.u32 s9, $0x3;
	s12 =	sadd.s32 s6, s8;
	[dreg:$0x6] =	wrdreg s10  }
0x27: {  	s8 =	sadd.s32 $0x4DE, s8;
	s23 =	sadd.s32 s9, s6;
	[smem:$0x7DE] =	sst s12  }
0x28: {  	s10 =	sshrl.u32 s19, $0x3;
	s17 =	sadd.s32 s5, s8;
	[dreg:$0xf] =	wrdreg s23  }
0x29: {  	s15 =	smul.u32 $0x278, s14;
	s21 =	sadd.s32 s10, s6;
	[smem:$0x7E2] =	sst s17  }
0x2a: {  	s20 =	smul.u32 $0x2780, s14;
	s10 =	sadd.s32 s10, s5;
	[dreg:$0xd] =	wrdreg s21  }
0x2b: {  	s25 =	sshrl.u32 s22, $0x2;
	s5 =	sadd.s32 s9, s5;
	[dreg:$0xe] =	wrdreg s10  }
0x2c: {  	s18 =	sadd.s32 s15, s7;
	s23 =	sadd.s32 s0, s20;
	[dreg:$0x10] =	wrdreg s5  }
0x2d: {  	s9 =	sadd.s32 s25, s3;
	s25 =	sadd.s32 $0x26C80, s0;
	[smem:$0x7E4] =	sst s23  }
0x2e: {  	s29 =	sadd.s32 $0x150, s15;
	s19 =	sshll.u32 s18, $0x4;
	[smem:$0x7F6] =	sst s25  }
0x2f: {  	s31 =	sshll.u32 s29, $0x4;
	s10 =	sadd.s32 s6, s26;
	[smem:$0x7FC] =	sst s9  }
0x30: {  	s5 =	sadd.s32 s19, s2;
	s2 =	sadd.s32 $0xA400, s2;
	[smem:$0x7DA] =	sst s10  }
0x31: {  	s7 =	sadd.s32 s0, s31;
	[smem:$0x7E3] =	sst s2  }
0x32: {  	s12 =	sshll.u32 s29, $0x7;
	s29 =	sadd.s32 $0x7000, s9;
	[smem:$0x7E8] =	sst s7  }
0x33: {  	s31 =	sadd.s32 $0xE000, s9;
	[smem:$0x7F9] =	sst s29  }
0x34: {  	s10 =	sadd.s32 s6, s13;
	[smem:$0x7FB] =	sst s31  }
0x35: {  	s6 =	sadd.s32 s6, s8;
	[smem:$0x7E0] =	sst s10  }
0x36: {  	s21 =	sadd.s32 $0x70, s15;
	s19 =	sadd.s32 $0xAC00, s5;
	[smem:$0x7E1] =	sst s6  }
0x37: {  	s24 =	sshll.u32 s21, $0x4;
	s20 =	sadd.s32 $0xB300, s5;
	[smem:$0x7EF] =	sst s19  }
0x38: {  	s30 =	sshll.u32 s21, $0x7;
	s21 =	sadd.s32 $0xBA00, s5;
	[smem:$0x7F0] =	sst s20  }
0x39: {  	s22 =	sadd.s32 $0xC100, s5;
	[smem:$0x7F1] =	sst s21  }
0x3a: {  	s26 =	sadd.s32 $0xE0, s15;
	s23 =	sadd.s32 $0xC800, s5;
	[smem:$0x7F2] =	sst s22  }
0x3b: {  	s28 =	sshll.u32 s26, $0x4;
	s2 =	sadd.s32 s0, s24;
	[smem:$0x7F3] =	sst s23  }
0x3c: {  	s13 =	sadd.s32 $0x1C0, s15;
	s24 =	sadd.s32 $0xCF00, s5;
	[smem:$0x7E5] =	sst s2  }
0x3d: {  	s10 =	sshll.u32 s26, $0x7;
	s26 =	sadd.s32 $0x136400, s3;
	[smem:$0x7F4] =	sst s24  }
0x3e: {  	s15 =	sadd.s32 $0x230, s15;
	s5 =	sadd.s32 $0x11800, s9;
	[smem:$0x7F7] =	sst s26  }
0x3f: {  	s16 =	sshll.u32 s13, $0x4;
	s2 =	sadd.s32 s0, s28;
	[smem:$0x7FD] =	sst s5  }
0x40: {  	s6 =	sshll.u32 s13, $0x7;
	s7 =	sadd.s32 s0, s16;
	[smem:$0x7E6] =	sst s2  }
0x41: {  	s17 =	sshll.u32 s15, $0x4;
	s6 =	sadd.s32 s6, s3;
	[smem:$0x7EB] =	sst s7  }
0x42: {  	s18 =	sadd.s32 s0, s17;
	[smem:$0x7EC] =	sst s6  }
0x43: {  	p2 =	seq.s32 @!p0 s14, $0xF;
	s28 =	sadd.s32 $0x3800, s9;
	[smem:$0x7ED] =	sst s18  }
0x44: {  	p1 =	por !p2, p0;
	s2 =	sadd.s32 s30, s3;
	[smem:$0x7F8] =	sst s28  }
0x45: {  	p2 =	por p2, p0;
	[smem:$0x7E7] =	sst s2;
	s2 =	sadd.s32 s10, s3  }
0x46: {  	s14 =	simm.s32 $0x1;
	[smem:$0x7E9] =	sst s2;
	s2 =	sadd.s32 s12, s3  }
0x47: {  	s30 =	sadd.s32 $0xA800, s9;
	[smem:$0x7EA] =	sst s2;
	s2 =	sshll.u32 s15, $0x7  }
0x48: {  	s17 =	simm.s32 $0x2;
	[smem:$0x7FA] =	sst s30;
	s2 =	sadd.s32 s2, s3  }
0x49: {  	s0 =	simm.s32 $0x0;
	s15 =	simm.s32 $0x70;
	[smem:$0x7EE] =	sst s2  }
.LBB2_1:
0x4a: {  	s1 =	sld [smem:$0x7E3];
	_ =	sdelay $0x1  }
0x4b: {  	s30 =	simm.s32 @p0 $0x0;
	s31 =	simm.s32 @p0 $0x14200  }
0x4c: {  	[tilespmem:s31], [sflag:$0xD] =	stream.linear.gather @p0 [hbm4b:s1+s30], $0x3800, $0x38;
	[tilespmem:$0x1EA00] =	vst v63  }
0x4d: {  	[smem:$0x7D9] =	sst s0;
	s30 =	simm.s32 @p0 $0xD  }
0x4e: {  	_ =	swait.ge @p0 [sflag:s30], $0x3800  }
0x4f: {  	[sflag:s30] =	ssyncset.done @p0 $0x0  }
0x50: {  	[sflag:s30] =	ssyncadd.s32 @p0 $0xFFFFC800  }
0x51: {  	[spmem:s9] =	stream.linear.scatter @p0 [tilespmem:s31], [sflag:$0xD], $0x3800, $0x38;
	[tilespmem:$0x1EA00] =	vst v63  }
0x52: {  	_ =	swait.ge @p0 [sflag:s30], $0x3800  }
0x53: {  	s1 =	smov.u32 s5;
	s5 =	sld [smem:$0x7E7]  }
0x54: {  	[sflag:s30] =	ssyncset.done @p0 $0x0  }
0x55: {  	[sflag:s30] =	ssyncadd.s32 @p0 $0xFFFFC800  }
0x56: {  	[spmem:s5] =	stream.linear.scatter @p0 [tilespmem:s31], [sflag:$0xD], $0x3800, $0x38;
	[tilespmem:$0x1EA00] =	vst v63  }
0x57: {  	_ =	swait.ge @p0 [sflag:s30], $0x3800  }
0x58: {  	s6 =	sld [smem:$0x7E9]  }
0x59: {  	[sflag:s30] =	ssyncset.done @p0 $0x0  }
0x5a: {  	[sflag:s30] =	ssyncadd.s32 @p0 $0xFFFFC800  }
0x5b: {  	[spmem:s6] =	stream.linear.scatter @p0 [tilespmem:s31], [sflag:$0xD], $0x3800, $0x38;
	[tilespmem:$0x1EA00] =	vst v63  }
0x5c: {  	_ =	swait.ge @p0 [sflag:s30], $0x3800  }
0x5d: {  	s3 =	sld [smem:$0x7EA]  }
0x5e: {  	[sflag:s30] =	ssyncset.done @p0 $0x0  }
0x5f: {  	[sflag:s30] =	ssyncadd.s32 @p0 $0xFFFFC800  }
0x60: {  	[spmem:s3] =	stream.linear.scatter @p0 [tilespmem:s31], [sflag:$0xD], $0x3800, $0x38;
	[tilespmem:$0x1EA00] =	vst v63  }
0x61: {  	_ =	swait.ge @p0 [sflag:s30], $0x3800  }
0x62: {  	s2 =	sld [smem:$0x7EC]  }
0x63: {  	[sflag:s30] =	ssyncset.done @p0 $0x0  }
0x64: {  	[sflag:s30] =	ssyncadd.s32 @p0 $0xFFFFC800  }
0x65: {  	[spmem:s2] =	stream.linear.scatter @p0 [tilespmem:s31], [sflag:$0xD], $0x3800, $0x38;
	[tilespmem:$0x1EA00] =	vst v63  }
0x66: {  	_ =	swait.ge @p0 [sflag:s30], $0x3800  }
0x67: {  	[sflag:s30] =	ssyncset.done @p0 $0x0  }
0x68: {  	[sflag:s30] =	ssyncadd.s32 @p0 $0xFFFFC800  }
0x69: {  	[spmem:s1] =	stream.linear.scatter @p0 [tilespmem:s31], [sflag:$0xD], $0x2400, $0x38;
	[tilespmem:$0x1EA00] =	vst v63  }
0x6a: {  	s1 =	sld [smem:$0x7E4];
	_ =	sdelay $0x1  }
0x6b: {  	s10 =	simm.s32 @!p0 $0x0;
	s8 =	simm.s32 @!p0 $0x14200  }
0x6c: {  	[tilespmem:s8], [sflag:$0x7] =	stream.linear.gather @!p0 [hbm4b:s1+s10], $0x3800, $0x38;
	[tilespmem:$0x1EA00] =	vst v63  }
0x6d: {  	s1 =	sld [smem:$0x7E5];
	_ =	sdelay $0x1  }
0x6e: {  	s7 =	simm.s32 @!p0 $0x17A00;
	s11 =	simm.s32 @!p0 $0x7  }
0x6f: {  	[tilespmem:s7], [sflag:$0x8] =	stream.linear.gather @!p0 [hbm4b:s1+s10], $0x3800, $0x38;
	[tilespmem:$0x1EA00] =	vst v63  }
0x70: {  	_ =	swait.ge @!p0 [sflag:s11], $0x3800  }
0x71: {  	[sflag:s11] =	ssyncset.done @!p0 $0x0  }
0x72: {  	s30 =	simm.s32 @!p0 $0xD;
	[sflag:s11] =	ssyncadd.s32 @!p0 $0xFFFFC800  }
0x73: {  	[spmem:s9] =	stream.linear.scatter @!p0 [tilespmem:s8], [sflag:$0xD], $0x3800, $0x38;
	[tilespmem:$0x1EA00] =	vst v63  }
0x74: {  	_ =	swait.ge @!p0 [sflag:s30], $0x3800  }
0x75: {  	s1 =	sld [smem:$0x7E6]  }
0x76: {  	[sflag:s30] =	ssyncset.done @!p0 $0x0  }
0x77: {  	s31 =	simm.s32 @!p0 $0x8;
	[sflag:s30] =	ssyncadd.s32 @!p0 $0xFFFFC800  }
0x78: {  	[tilespmem:s8], [sflag:$0x7] =	stream.linear.gather @!p0 [hbm4b:s1+s10], $0x3800, $0x38;
	[tilespmem:$0x1EA00] =	vst v63  }
0x79: {  	_ =	swait.ge @!p0 [sflag:s31], $0x3800  }
0x7a: {  	[sflag:s31] =	ssyncset.done @!p0 $0x0  }
0x7b: {  	[sflag:s31] =	ssyncadd.s32 @!p0 $0xFFFFC800  }
0x7c: {  	[spmem:s5] =	stream.linear.scatter @!p0 [tilespmem:s7], [sflag:$0xD], $0x3800, $0x38;
	[tilespmem:$0x1EA00] =	vst v63  }
0x7d: {  	_ =	swait.ge @!p0 [sflag:s30], $0x3800  }
0x7e: {  	s1 =	sld [smem:$0x7E8]  }
0x7f: {  	[sflag:s30] =	ssyncset.done @!p0 $0x0  }
0x80: {  	[sflag:s30] =	ssyncadd.s32 @!p0 $0xFFFFC800  }
0x81: {  	[tilespmem:s7], [sflag:$0x8] =	stream.linear.gather @!p0 [hbm4b:s1+s10], $0x3800, $0x38;
	[tilespmem:$0x1EA00] =	vst v63  }
0x82: {  	_ =	swait.ge @!p0 [sflag:s11], $0x3800  }
0x83: {  	[sflag:s11] =	ssyncset.done @!p0 $0x0  }
0x84: {  	[sflag:s11] =	ssyncadd.s32 @!p0 $0xFFFFC800  }
0x85: {  	[spmem:s6] =	stream.linear.scatter @!p0 [tilespmem:s8], [sflag:$0xD], $0x3800, $0x38;
	[tilespmem:$0x1EA00] =	vst v63  }
0x86: {  	_ =	swait.ge @!p0 [sflag:s30], $0x3800  }
0x87: {  	[sflag:s30] =	ssyncset.done @!p0 $0x0  }
0x88: {  	[sflag:s30] =	ssyncadd.s32 @!p0 $0xFFFFC800  }
0x89: {  	_ =	swait.ge @!p0 [sflag:s31], $0x3800  }
0x8a: {  	[sflag:s31] =	ssyncset.done @!p0 $0x0  }
0x8b: {  	[sflag:s31] =	ssyncadd.s32 @!p0 $0xFFFFC800  }
0x8c: {  	[spmem:s3] =	stream.linear.scatter @!p0 [tilespmem:s7], [sflag:$0xD], $0x3800, $0x38;
	[tilespmem:$0x1EA00] =	vst v63  }
0x8d: {  	_ =	swait.ge @!p0 [sflag:s30], $0x3800  }
0x8e: {  	s1 =	sld [smem:$0x7F6]  }
0x8f: {  	[sflag:s30] =	ssyncset.done @!p0 $0x0  }
0x90: {  	s31 =	simm.s32 @!p1 $0x14200;
	[sflag:s30] =	ssyncadd.s32 @!p0 $0xFFFFC800;
	s30 =	simm.s32 @!p1 $0x0  }
0x91: {  	[tilespmem:s31], [sflag:$0xD] =	stream.linear.gather @!p1 [hbm4b:s1+s30], $0x2400, $0x38;
	[tilespmem:$0x1EA00] =	vst v63  }
0x92: {  	s30 =	simm.s32 @!p1 $0xD  }
0x93: {  	_ =	swait.ge @!p1 [sflag:s30], $0x2400  }
0x94: {  	s1 =	sld [smem:$0x7F7]  }
0x95: {  	[sflag:s30] =	ssyncset.done @!p1 $0x0  }
0x96: {  	[sflag:s30] =	ssyncadd.s32 @!p1 $0xFFFFDC00  }
0x97: {  	[spmem:s1] =	stream.linear.scatter @!p1 [tilespmem:s31], [sflag:$0xD], $0x2400, $0x38;
	[tilespmem:$0x1EA00] =	vst v63  }
0x98: {  	s1 =	sld [smem:$0x7EB];
	_ =	sdelay $0x1  }
0x99: {  	s3 =	simm.s32 @!p2 $0x0;
	s30 =	simm.s32 @!p2 $0xD;
	s31 =	simm.s32 @!p2 $0x14200  }
0x9a: {  	[tilespmem:s31], [sflag:$0xD] =	stream.linear.gather @!p2 [hbm4b:s1+s3], $0x3800, $0x38;
	[tilespmem:$0x1EA00] =	vst v63  }
0x9b: {  	_ =	swait.ge @!p2 [sflag:s30], $0x3800  }
0x9c: {  	[sflag:s30] =	ssyncset.done @!p2 $0x0  }
0x9d: {  	[sflag:s30] =	ssyncadd.s32 @!p2 $0xFFFFC800  }
0x9e: {  	[spmem:s2] =	stream.linear.scatter @!p2 [tilespmem:s31], [sflag:$0xD], $0x3800, $0x38;
	[tilespmem:$0x1EA00] =	vst v63  }
0x9f: {  	_ =	swait.ge @!p2 [sflag:s30], $0x3800  }
0xa0: {  	s1 =	sld [smem:$0x7ED]  }
0xa1: {  	[sflag:s30] =	ssyncset.done @!p2 $0x0  }
0xa2: {  	s31 =	simm.s32 @!p2 $0x17A00;
	[sflag:s30] =	ssyncadd.s32 @!p2 $0xFFFFC800  }
0xa3: {  	[tilespmem:s31], [sflag:$0xD] =	stream.linear.gather @!p2 [hbm4b:s1+s3], $0x2400, $0x38;
	[tilespmem:$0x1EA00] =	vst v63  }
0xa4: {  	_ =	swait.ge @!p2 [sflag:s30], $0x2400  }
0xa5: {  	s1 =	sld [smem:$0x7EE]  }
0xa6: {  	[sflag:s30] =	ssyncset.done @!p2 $0x0  }
0xa7: {  	s16 =	simm.s32 $0xD;
	[sflag:s30] =	ssyncadd.s32 @!p2 $0xFFFFDC00  }
0xa8: {  	[spmem:s1] =	stream.linear.scatter @!p2 [tilespmem:s31], [sflag:$0xD], $0x2400, $0x38;
	[tilespmem:$0x1EA00] =	vst v63  }
0xa9: {  	_ =	swait.ge [sflag:s16], $0x2400  }
0xaa: {  	s18 =	sld [smem:$0x7DD]  }
0xab: {  	[sflag:s16] =	ssyncset.done $0x0  }
0xac: {  	s10 =	simm.s32 $0x13C00;
	s19 =	sld [smem:$0x7DE];
	[sflag:s16] =	ssyncadd.s32 $0xFFFFDC00  }
0xad: {  	[tilespmem:s10], [sflag:$0x1] =	stream.linear.gather [hbm4b:s18+s4], $0x70, $0x38;
	[tilespmem:$0x1EA00] =	vst v63  }
0xae: {  	s7 =	simm.s32 $0x13F00  }
0xaf: {  	[tilespmem:s7], [sflag:$0x1] =	stream.linear.gather [hbm4b:s19+s4], $0x70, $0x38;
	[tilespmem:$0x1EA00] =	vst v63  }
0xb0: {  	s13 =	simm.s32 $0x13C80;
	s20 =	rddreg [dreg:$0x11]  }
0xb1: {  	[tilespmem:s13], [sflag:$0x2] =	stream.linear.gather [hbm4b:s20+s4], $0x70, $0x38;
	[tilespmem:$0x1EA00] =	vst v63  }
0xb2: {  	s21 =	rddreg [dreg:$0x12];
	s20 =	simm.s32 $0x13F80  }
0xb3: {  	[tilespmem:s20], [sflag:$0x2] =	stream.linear.gather [hbm4b:s21+s4], $0x70, $0x38;
	[tilespmem:$0x1EA00] =	vst v63  }
0xb4: {  	s28 =	simm.s32 $0x13D00;
	s22 =	rddreg [dreg:$0x13]  }
0xb5: {  	[tilespmem:s28], [sflag:$0x3] =	stream.linear.gather [hbm4b:s22+s4], $0x70, $0x38;
	[tilespmem:$0x1EA00] =	vst v63  }
0xb6: {  	s24 =	simm.s32 $0x14000;
	s23 =	rddreg [dreg:$0x14]  }
0xb7: {  	[tilespmem:s24], [sflag:$0x3] =	stream.linear.gather [hbm4b:s23+s4], $0x70, $0x38;
	[tilespmem:$0x1EA00] =	vst v63  }
0xb8: {  	s26 =	simm.s32 $0x13D80;
	s25 =	rddreg [dreg:$0x15]  }
0xb9: {  	[tilespmem:s26], [sflag:$0x4] =	stream.linear.gather [hbm4b:s25+s4], $0x70, $0x38;
	[tilespmem:$0x1EA00] =	vst v63  }
0xba: {  	s31 =	simm.s32 $0x14080;
	s29 =	rddreg [dreg:$0x16]  }
0xbb: {  	[tilespmem:s31], [sflag:$0x4] =	stream.linear.gather [hbm4b:s29+s4], $0x70, $0x38;
	[tilespmem:$0x1EA00] =	vst v63  }
0xbc: {  	_ =	swait.ge [sflag:s14], $0x70  }
0xbd: {  	[sflag:s14] =	ssyncset.done $0x0  }
0xbe: {  	[sflag:s14] =	ssyncadd.s32 $0xFFFFFF90  }
0xbf: {  	_ =	swait.ge [sflag:s14], $0x70  }
0xc0: {  	[sflag:s14] =	ssyncset.done $0x0  }
0xc1: {  	[sflag:s14] =	ssyncadd.s32 $0xFFFFFF90  }
0xc2: {  	s16 =	simm.s32 $0x14200;
	s5 =	rddreg [dreg:$0x0]  }
0xc3: {  	[tilespmem:s16], [sflag:$0x7] =	stream.indirect.gather [hbm4b:s5+s15], $0x80, s10, s15, $0xb8;
	[tilespmem:$0x1EA00] =	vst v63  }
0xc4: {  	_ =	swait.ge [sflag:s17], $0x70  }
0xc5: {  	[sflag:s17] =	ssyncset.done $0x0  }
0xc6: {  	[sflag:s17] =	ssyncadd.s32 $0xFFFFFF90  }
0xc7: {  	_ =	swait.ge [sflag:s17], $0x70  }
0xc8: {  	[sflag:s17] =	ssyncset.done $0x0  }
0xc9: {  	s18 =	simm.s32 $0x17A00;
	[sflag:s17] =	ssyncadd.s32 $0xFFFFFF90  }
0xca: {  	[tilespmem:s18], [sflag:$0x8] =	stream.indirect.gather [hbm4b:s5+s15], $0x80, s13, s15, $0xb8;
	[tilespmem:$0x1EA00] =	vst v63  }
0xcb: {  	s19 =	simm.s32 $0x7;
	[bflag:$0x0] =	sbarrier.arrive $0xFFFF  }
0xcc: {  	_ =	swait.ge [sflag:s19], $0x3800  }
0xcd: {  	[sflag:s19] =	ssyncset.done $0x0  }
0xce: {  	[sflag:s19] =	ssyncadd.s32 $0xFFFFC800  }
0xcf: {  	s3 =	rddreg [dreg:$0x3]  }
0xd0: {  	[spmem:s3] =	stream.indirect.scatter.add.f32 [tilespmem:s16], [sflag:$0xA], $0x80, s7, s15, $0xb8;
	[tilespmem:$0x1EA00] =	vst v63  }
0xd1: {  	s12 =	simm.s32 $0x13E00;
	s0 =	rddreg [dreg:$0x17]  }
0xd2: {  	[tilespmem:s12], [sflag:$0x5] =	stream.linear.gather [hbm4b:s0+s4], $0x70, $0x38;
	[tilespmem:$0x1EA00] =	vst v63  }
0xd3: {  	s9 =	simm.s32 $0x14100;
	s22 =	simm.s32 $0x3;
	s6 =	rddreg [dreg:$0x18]  }
0xd4: {  	[tilespmem:s9], [sflag:$0x5] =	stream.linear.gather [hbm4b:s6+s4], $0x70, $0x38;
	[tilespmem:$0x1EA00] =	vst v63  }
0xd5: {  	_ =	swait.ge [sflag:s22], $0x70  }
0xd6: {  	[sflag:s22] =	ssyncset.done $0x0  }
0xd7: {  	[sflag:s22] =	ssyncadd.s32 $0xFFFFFF90  }
0xd8: {  	_ =	swait.ge [sflag:s22], $0x70  }
0xd9: {  	[sflag:s22] =	ssyncset.done $0x0  }
0xda: {  	s24 =	simm.s32 $0x1B200;
	s25 =	simm.s32 $0x8;
	[sflag:s22] =	ssyncadd.s32 $0xFFFFFF90  }
0xdb: {  	[tilespmem:s24], [sflag:$0x9] =	stream.indirect.gather [hbm4b:s5+s15], $0x80, s28, s15, $0xb8;
	[tilespmem:$0x1EA00] =	vst v63  }
0xdc: {  	_ =	swait.ge [sflag:s25], $0x3800  }
0xdd: {  	[sflag:s25] =	ssyncset.done $0x0  }
0xde: {  	s26 =	simm.s32 $0xA;
	[sflag:s25] =	ssyncadd.s32 $0xFFFFC800  }
0xdf: {  	_ =	swait.ge [sflag:s26], $0x3800  }
0xe0: {  	[sflag:s26] =	ssyncset.done $0x0  }
0xe1: {  	[sflag:s26] =	ssyncadd.s32 $0xFFFFC800  }
0xe2: {  	[spmem:s3] =	stream.indirect.scatter.add.f32 [tilespmem:s18], [sflag:$0xB], $0x80, s20, s15, $0xb8;
	[tilespmem:$0x1EA00] =	vst v63  }
0xe3: {  	s21 =	simm.s32 $0x13E80;
	s11 =	rddreg [dreg:$0x19]  }
0xe4: {  	[tilespmem:s21], [sflag:$0x6] =	stream.linear.gather [hbm4b:s11+s4], $0x70, $0x38;
	[tilespmem:$0x1EA00] =	vst v63  }
0xe5: {  	s29 =	simm.s32 $0x14180;
	s9 =	simm.s32 $0x4;
	s23 =	rddreg [dreg:$0x1a]  }
0xe6: {  	[tilespmem:s29], [sflag:$0x6] =	stream.linear.gather [hbm4b:s23+s4], $0x70, $0x38;
	[tilespmem:$0x1EA00] =	vst v63  }
0xe7: {  	_ =	swait.ge [sflag:s9], $0x70  }
0xe8: {  	[sflag:s9] =	ssyncset.done $0x0  }
0xe9: {  	[sflag:s9] =	ssyncadd.s32 $0xFFFFFF90  }
0xea: {  	_ =	swait.ge [sflag:s9], $0x70  }
0xeb: {  	[sflag:s9] =	ssyncset.done $0x0  }
0xec: {  	s2 =	simm.s32 $0x13D80;
	s0 =	simm.s32 $0x9;
	[sflag:s9] =	ssyncadd.s32 $0xFFFFFF90  }
0xed: {  	[tilespmem:s16], [sflag:$0x7] =	stream.indirect.gather [hbm4b:s5+s15], $0x80, s2, s15, $0xb8;
	[tilespmem:$0x1EA00] =	vst v63  }
0xee: {  	_ =	swait.ge [sflag:s0], $0x3800  }
0xef: {  	[sflag:s0] =	ssyncset.done $0x0  }
0xf0: {  	s11 =	simm.s32 $0xB;
	[sflag:s0] =	ssyncadd.s32 $0xFFFFC800  }
0xf1: {  	_ =	swait.ge [sflag:s11], $0x3800  }
0xf2: {  	[sflag:s11] =	ssyncset.done $0x0  }
0xf3: {  	s8 =	simm.s32 $0x14000;
	[sflag:s11] =	ssyncadd.s32 $0xFFFFC800  }
0xf4: {  	[spmem:s3] =	stream.indirect.scatter.add.f32 [tilespmem:s24], [sflag:$0xC], $0x80, s8, s15, $0xb8;
	[tilespmem:$0x1EA00] =	vst v63  }
0xf5: {  	s2 =	rddreg [dreg:$0x1b]  }
0xf6: {  	[tilespmem:s10], [sflag:$0x1] =	stream.linear.gather [hbm4b:s2+s4], $0x70, $0x38;
	[tilespmem:$0x1EA00] =	vst v63  }
0xf7: {  	s23 =	rddreg [dreg:$0x1c]  }
0xf8: {  	[tilespmem:s7], [sflag:$0x1] =	stream.linear.gather [hbm4b:s23+s4], $0x70, $0x38;
	[tilespmem:$0x1EA00] =	vst v63  }
0xf9: {  	s23 =	simm.s32 $0x5  }
0xfa: {  	_ =	swait.ge [sflag:s23], $0x70  }
0xfb: {  	[sflag:s23] =	ssyncset.done $0x0  }
0xfc: {  	[sflag:s23] =	ssyncadd.s32 $0xFFFFFF90  }
0xfd: {  	_ =	swait.ge [sflag:s23], $0x70  }
0xfe: {  	[sflag:s23] =	ssyncset.done $0x0  }
0xff: {  	[sflag:s23] =	ssyncadd.s32 $0xFFFFFF90  }
0x100: {  	[tilespmem:s18], [sflag:$0x8] =	stream.indirect.gather [hbm4b:s5+s15], $0x80, s12, s15, $0xb8;
	[tilespmem:$0x1EA00] =	vst v63  }
0x101: {  	_ =	swait.ge [sflag:s19], $0x3800  }
0x102: {  	[sflag:s19] =	ssyncset.done $0x0  }
0x103: {  	s2 =	simm.s32 $0xC;
	[sflag:s19] =	ssyncadd.s32 $0xFFFFC800  }
0x104: {  	_ =	swait.ge [sflag:s2], $0x3800  }
0x105: {  	[sflag:s2] =	ssyncset.done $0x0  }
0x106: {  	s31 =	simm.s32 $0x14080;
	[sflag:s2] =	ssyncadd.s32 $0xFFFFC800  }
0x107: {  	[spmem:s3] =	stream.indirect.scatter.add.f32 [tilespmem:s16], [sflag:$0xA], $0x80, s31, s15, $0xb8;
	[tilespmem:$0x1EA00] =	vst v63  }
0x108: {  	s29 =	rddreg [dreg:$0x1d]  }
0x109: {  	[tilespmem:s13], [sflag:$0x2] =	stream.linear.gather [hbm4b:s29+s4], $0x70, $0x38;
	[tilespmem:$0x1EA00] =	vst v63  }
0x10a: {  	s29 =	rddreg [dreg:$0x1e]  }
0x10b: {  	[tilespmem:s20], [sflag:$0x2] =	stream.linear.gather [hbm4b:s29+s4], $0x70, $0x38;
	[tilespmem:$0x1EA00] =	vst v63  }
0x10c: {  	s29 =	simm.s32 $0x6  }
0x10d: {  	_ =	swait.ge [sflag:s29], $0x70  }
0x10e: {  	[sflag:s29] =	ssyncset.done $0x0  }
0x10f: {  	[sflag:s29] =	ssyncadd.s32 $0xFFFFFF90  }
0x110: {  	_ =	swait.ge [sflag:s29], $0x70  }
0x111: {  	[sflag:s29] =	ssyncset.done $0x0  }
0x112: {  	[sflag:s29] =	ssyncadd.s32 $0xFFFFFF90  }
0x113: {  	[tilespmem:s24], [sflag:$0x9] =	stream.indirect.gather [hbm4b:s5+s15], $0x80, s21, s15, $0xb8;
	[tilespmem:$0x1EA00] =	vst v63  }
0x114: {  	_ =	swait.ge [sflag:s25], $0x3800  }
0x115: {  	[sflag:s25] =	ssyncset.done $0x0  }
0x116: {  	[sflag:s25] =	ssyncadd.s32 $0xFFFFC800  }
0x117: {  	_ =	swait.ge [sflag:s26], $0x3800  }
0x118: {  	[sflag:s26] =	ssyncset.done $0x0  }
0x119: {  	s6 =	simm.s32 $0x14100;
	[sflag:s26] =	ssyncadd.s32 $0xFFFFC800  }
0x11a: {  	[spmem:s3] =	stream.indirect.scatter.add.f32 [tilespmem:s18], [sflag:$0xB], $0x80, s6, s15, $0xb8;
	[tilespmem:$0x1EA00] =	vst v63  }
0x11b: {  	s1 =	rddreg [dreg:$0x1f]  }
0x11c: {  	[tilespmem:s28], [sflag:$0x3] =	stream.linear.gather [hbm4b:s1+s4], $0x70, $0x38;
	[tilespmem:$0x1EA00] =	vst v63  }
0x11d: {  	s1 =	sld [smem:$0x7DA];
	_ =	sdelay $0x1  }
0x11e: {  	s8 =	simm.s32 $0x14000  }
0x11f: {  	[tilespmem:s8], [sflag:$0x3] =	stream.linear.gather [hbm4b:s1+s4], $0x70, $0x38;
	[tilespmem:$0x1EA00] =	vst v63  }
0x120: {  	_ =	swait.ge [sflag:s14], $0x70  }
0x121: {  	[sflag:s14] =	ssyncset.done $0x0  }
0x122: {  	[sflag:s14] =	ssyncadd.s32 $0xFFFFFF90  }
0x123: {  	_ =	swait.ge [sflag:s14], $0x70  }
0x124: {  	[sflag:s14] =	ssyncset.done $0x0  }
0x125: {  	[sflag:s14] =	ssyncadd.s32 $0xFFFFFF90  }
0x126: {  	[tilespmem:s16], [sflag:$0x7] =	stream.indirect.gather [hbm4b:s5+s15], $0x80, s10, s15, $0xb8;
	[tilespmem:$0x1EA00] =	vst v63  }
0x127: {  	_ =	swait.ge [sflag:s0], $0x3800  }
0x128: {  	[sflag:s0] =	ssyncset.done $0x0  }
0x129: {  	[sflag:s0] =	ssyncadd.s32 $0xFFFFC800  }
0x12a: {  	_ =	swait.ge [sflag:s11], $0x3800  }
0x12b: {  	[sflag:s11] =	ssyncset.done $0x0  }
0x12c: {  	s8 =	simm.s32 $0x14180;
	s1 =	sld [smem:$0x7DB];
	[sflag:s11] =	ssyncadd.s32 $0xFFFFC800  }
0x12d: {  	[spmem:s3] =	stream.indirect.scatter.add.f32 [tilespmem:s24], [sflag:$0xC], $0x80, s8, s15, $0xb8;
	[tilespmem:$0x1EA00] =	vst v63  }
0x12e: {  	s30 =	simm.s32 $0x13D80  }
0x12f: {  	[tilespmem:s30], [sflag:$0x4] =	stream.linear.gather [hbm4b:s1+s4], $0x70, $0x38;
	[tilespmem:$0x1EA00] =	vst v63  }
0x130: {  	s1 =	sld [smem:$0x7DC];
	_ =	sdelay $0x2  }
0x131: {  	[tilespmem:s31], [sflag:$0x4] =	stream.linear.gather [hbm4b:s1+s4], $0x70, $0x38;
	[tilespmem:$0x1EA00] =	vst v63  }
0x132: {  	_ =	swait.ge [sflag:s17], $0x70  }
0x133: {  	[sflag:s17] =	ssyncset.done $0x0  }
0x134: {  	[sflag:s17] =	ssyncadd.s32 $0xFFFFFF90  }
0x135: {  	_ =	swait.ge [sflag:s17], $0x70  }
0x136: {  	[sflag:s17] =	ssyncset.done $0x0  }
0x137: {  	[sflag:s17] =	ssyncadd.s32 $0xFFFFFF90  }
0x138: {  	[tilespmem:s18], [sflag:$0x8] =	stream.indirect.gather [hbm4b:s5+s15], $0x80, s13, s15, $0xb8;
	[tilespmem:$0x1EA00] =	vst v63  }
0x139: {  	_ =	swait.ge [sflag:s19], $0x3800  }
0x13a: {  	[sflag:s19] =	ssyncset.done $0x0  }
0x13b: {  	[sflag:s19] =	ssyncadd.s32 $0xFFFFC800  }
0x13c: {  	_ =	swait.ge [sflag:s2], $0x3800  }
0x13d: {  	[sflag:s2] =	ssyncset.done $0x0  }
0x13e: {  	s30 =	rddreg [dreg:$0x10];
	[sflag:s2] =	ssyncadd.s32 $0xFFFFC800  }
0x13f: {  	[spmem:s3] =	stream.indirect.scatter.add.f32 [tilespmem:s16], [sflag:$0xA], $0x80, s7, s15, $0xb8;
	[tilespmem:$0x1EA00] =	vst v63  }
0x140: {  	s1 =	rddreg [dreg:$0xf];
	s30 =	sadd.s32 $0x0, s30  }
0x141: {  	[tilespmem:s12], [sflag:$0x5] =	stream.linear.gather [hbm4b:s30+s4], $0x70, $0x38;
	[tilespmem:$0x1EA00] =	vst v63  }
0x142: {  	s6 =	simm.s32 $0x14100;
	s30 =	sadd.s32 $0x0, s1  }
0x143: {  	[tilespmem:s6], [sflag:$0x5] =	stream.linear.gather [hbm4b:s30+s4], $0x70, $0x38;
	[tilespmem:$0x1EA00] =	vst v63  }
0x144: {  	_ =	swait.ge [sflag:s22], $0x70  }
0x145: {  	[sflag:s22] =	ssyncset.done $0x0  }
0x146: {  	[sflag:s22] =	ssyncadd.s32 $0xFFFFFF90  }
0x147: {  	_ =	swait.ge [sflag:s22], $0x70  }
0x148: {  	[sflag:s22] =	ssyncset.done $0x0  }
0x149: {  	[sflag:s22] =	ssyncadd.s32 $0xFFFFFF90  }
0x14a: {  	[tilespmem:s24], [sflag:$0x9] =	stream.indirect.gather [hbm4b:s5+s15], $0x80, s28, s15, $0xb8;
	[tilespmem:$0x1EA00] =	vst v63  }
0x14b: {  	_ =	swait.ge [sflag:s25], $0x3800  }
0x14c: {  	[sflag:s25] =	ssyncset.done $0x0  }
0x14d: {  	[sflag:s25] =	ssyncadd.s32 $0xFFFFC800  }
0x14e: {  	_ =	swait.ge [sflag:s26], $0x3800  }
0x14f: {  	[sflag:s26] =	ssyncset.done $0x0  }
0x150: {  	s30 =	rddreg [dreg:$0xe];
	[sflag:s26] =	ssyncadd.s32 $0xFFFFC800  }
0x151: {  	[spmem:s3] =	stream.indirect.scatter.add.f32 [tilespmem:s18], [sflag:$0xB], $0x80, s20, s15, $0xb8;
	[tilespmem:$0x1EA00] =	vst v63  }
0x152: {  	s22 =	rddreg [dreg:$0xd];
	s30 =	sadd.s32 $0x0, s30  }
0x153: {  	[tilespmem:s21], [sflag:$0x6] =	stream.linear.gather [hbm4b:s30+s4], $0x70, $0x38;
	[tilespmem:$0x1EA00] =	vst v63  }
0x154: {  	s8 =	simm.s32 $0x14180;
	s30 =	sadd.s32 $0x0, s22  }
0x155: {  	[tilespmem:s8], [sflag:$0x6] =	stream.linear.gather [hbm4b:s30+s4], $0x70, $0x38;
	[tilespmem:$0x1EA00] =	vst v63  }
0x156: {  	_ =	swait.ge [sflag:s9], $0x70  }
0x157: {  	[sflag:s9] =	ssyncset.done $0x0  }
0x158: {  	[sflag:s9] =	ssyncadd.s32 $0xFFFFFF90  }
0x159: {  	_ =	swait.ge [sflag:s9], $0x70  }
0x15a: {  	[sflag:s9] =	ssyncset.done $0x0  }
0x15b: {  	s1 =	simm.s32 $0x13D80;
	[sflag:s9] =	ssyncadd.s32 $0xFFFFFF90  }
0x15c: {  	[tilespmem:s16], [sflag:$0x7] =	stream.indirect.gather [hbm4b:s5+s15], $0x80, s1, s15, $0xb8;
	[tilespmem:$0x1EA00] =	vst v63  }
0x15d: {  	_ =	swait.ge [sflag:s0], $0x3800  }
0x15e: {  	[sflag:s0] =	ssyncset.done $0x0  }
0x15f: {  	[sflag:s0] =	ssyncadd.s32 $0xFFFFC800  }
0x160: {  	_ =	swait.ge [sflag:s11], $0x3800  }
0x161: {  	[sflag:s11] =	ssyncset.done $0x0  }
0x162: {  	s8 =	simm.s32 $0x14000;
	s30 =	rddreg [dreg:$0xc];
	[sflag:s11] =	ssyncadd.s32 $0xFFFFC800  }
0x163: {  	[spmem:s3] =	stream.indirect.scatter.add.f32 [tilespmem:s24], [sflag:$0xC], $0x80, s8, s15, $0xb8;
	[tilespmem:$0x1EA00] =	vst v63  }
0x164: {  	s6 =	rddreg [dreg:$0xb];
	s30 =	sadd.s32 $0x0, s30  }
0x165: {  	[tilespmem:s10], [sflag:$0x1] =	stream.linear.gather [hbm4b:s30+s4], $0x70, $0x38;
	[tilespmem:$0x1EA00] =	vst v63  }
0x166: {  	s30 =	sadd.s32 $0x0, s6  }
0x167: {  	[tilespmem:s7], [sflag:$0x1] =	stream.linear.gather [hbm4b:s30+s4], $0x70, $0x38;
	[tilespmem:$0x1EA00] =	vst v63  }
0x168: {  	_ =	swait.ge [sflag:s23], $0x70  }
0x169: {  	[sflag:s23] =	ssyncset.done $0x0  }
0x16a: {  	[sflag:s23] =	ssyncadd.s32 $0xFFFFFF90  }
0x16b: {  	_ =	swait.ge [sflag:s23], $0x70  }
0x16c: {  	[sflag:s23] =	ssyncset.done $0x0  }
0x16d: {  	[sflag:s23] =	ssyncadd.s32 $0xFFFFFF90  }
0x16e: {  	[tilespmem:s18], [sflag:$0x8] =	stream.indirect.gather [hbm4b:s5+s15], $0x80, s12, s15, $0xb8;
	[tilespmem:$0x1EA00] =	vst v63  }
0x16f: {  	_ =	swait.ge [sflag:s19], $0x3800  }
0x170: {  	[sflag:s19] =	ssyncset.done $0x0  }
0x171: {  	[sflag:s19] =	ssyncadd.s32 $0xFFFFC800  }
0x172: {  	_ =	swait.ge [sflag:s2], $0x3800  }
0x173: {  	[sflag:s2] =	ssyncset.done $0x0  }
0x174: {  	s23 =	simm.s32 $0x14080;
	s30 =	rddreg [dreg:$0xa];
	[sflag:s2] =	ssyncadd.s32 $0xFFFFC800  }
0x175: {  	[spmem:s3] =	stream.indirect.scatter.add.f32 [tilespmem:s16], [sflag:$0xA], $0x80, s23, s15, $0xb8;
	[tilespmem:$0x1EA00] =	vst v63  }
0x176: {  	s19 =	rddreg [dreg:$0x9];
	s30 =	sadd.s32 $0x0, s30  }
0x177: {  	[tilespmem:s13], [sflag:$0x2] =	stream.linear.gather [hbm4b:s30+s4], $0x70, $0x38;
	[tilespmem:$0x1EA00] =	vst v63  }
0x178: {  	s30 =	sadd.s32 $0x0, s19  }
0x179: {  	[tilespmem:s20], [sflag:$0x2] =	stream.linear.gather [hbm4b:s30+s4], $0x70, $0x38;
	[tilespmem:$0x1EA00] =	vst v63  }
0x17a: {  	_ =	swait.ge [sflag:s29], $0x70  }
0x17b: {  	[sflag:s29] =	ssyncset.done $0x0  }
0x17c: {  	[sflag:s29] =	ssyncadd.s32 $0xFFFFFF90  }
0x17d: {  	_ =	swait.ge [sflag:s29], $0x70  }
0x17e: {  	[sflag:s29] =	ssyncset.done $0x0  }
0x17f: {  	[sflag:s29] =	ssyncadd.s32 $0xFFFFFF90  }
0x180: {  	[tilespmem:s24], [sflag:$0x9] =	stream.indirect.gather [hbm4b:s5+s15], $0x80, s21, s15, $0xb8;
	[tilespmem:$0x1EA00] =	vst v63  }
0x181: {  	_ =	swait.ge [sflag:s25], $0x3800  }
0x182: {  	[sflag:s25] =	ssyncset.done $0x0  }
0x183: {  	[sflag:s25] =	ssyncadd.s32 $0xFFFFC800  }
0x184: {  	_ =	swait.ge [sflag:s26], $0x3800  }
0x185: {  	[sflag:s26] =	ssyncset.done $0x0  }
0x186: {  	s30 =	rddreg [dreg:$0x8];
	[sflag:s26] =	ssyncadd.s32 $0xFFFFC800;
	s26 =	simm.s32 $0x14100  }
0x187: {  	[spmem:s3] =	stream.indirect.scatter.add.f32 [tilespmem:s18], [sflag:$0xB], $0x80, s26, s15, $0xb8;
	[tilespmem:$0x1EA00] =	vst v63  }
0x188: {  	s25 =	rddreg [dreg:$0x7];
	s30 =	sadd.s32 $0x0, s30  }
0x189: {  	[tilespmem:s28], [sflag:$0x3] =	stream.linear.gather [hbm4b:s30+s4], $0x70, $0x38;
	[tilespmem:$0x1EA00] =	vst v63  }
0x18a: {  	s30 =	sadd.s32 $0x0, s25  }
0x18b: {  	[tilespmem:s8], [sflag:$0x3] =	stream.linear.gather [hbm4b:s30+s4], $0x70, $0x38;
	[tilespmem:$0x1EA00] =	vst v63  }
0x18c: {  	_ =	swait.ge [sflag:s14], $0x70  }
0x18d: {  	[sflag:s14] =	ssyncset.done $0x0  }
0x18e: {  	[sflag:s14] =	ssyncadd.s32 $0xFFFFFF90  }
0x18f: {  	_ =	swait.ge [sflag:s14], $0x70  }
0x190: {  	[sflag:s14] =	ssyncset.done $0x0  }
0x191: {  	[sflag:s14] =	ssyncadd.s32 $0xFFFFFF90  }
0x192: {  	[tilespmem:s16], [sflag:$0x7] =	stream.indirect.gather [hbm4b:s5+s15], $0x80, s10, s15, $0xb8;
	[tilespmem:$0x1EA00] =	vst v63  }
0x193: {  	_ =	swait.ge [sflag:s0], $0x3800  }
0x194: {  	[sflag:s0] =	ssyncset.done $0x0  }
0x195: {  	[sflag:s0] =	ssyncadd.s32 $0xFFFFC800  }
0x196: {  	_ =	swait.ge [sflag:s11], $0x3800  }
0x197: {  	[sflag:s11] =	ssyncset.done $0x0  }
0x198: {  	s22 =	simm.s32 $0x14180;
	s30 =	rddreg [dreg:$0x6];
	[sflag:s11] =	ssyncadd.s32 $0xFFFFC800  }
0x199: {  	[spmem:s3] =	stream.indirect.scatter.add.f32 [tilespmem:s24], [sflag:$0xC], $0x80, s22, s15, $0xb8;
	[tilespmem:$0x1EA00] =	vst v63  }
0x19a: {  	s29 =	rddreg [dreg:$0x5];
	s30 =	sadd.s32 $0x0, s30  }
0x19b: {  	[tilespmem:s1], [sflag:$0x4] =	stream.linear.gather [hbm4b:s30+s4], $0x70, $0x38;
	[tilespmem:$0x1EA00] =	vst v63  }
0x19c: {  	s30 =	sadd.s32 $0x0, s29  }
0x19d: {  	[tilespmem:s23], [sflag:$0x4] =	stream.linear.gather [hbm4b:s30+s4], $0x70, $0x38;
	[tilespmem:$0x1EA00] =	vst v63  }
0x19e: {  	_ =	swait.ge [sflag:s17], $0x70  }
0x19f: {  	[sflag:s17] =	ssyncset.done $0x0  }
0x1a0: {  	[sflag:s17] =	ssyncadd.s32 $0xFFFFFF90  }
0x1a1: {  	_ =	swait.ge [sflag:s17], $0x70  }
0x1a2: {  	s19 =	simm.s32 $0x2;
	[sflag:s17] =	ssyncset.done $0x0  }
0x1a3: {  	s30 =	simm.s32 $0x54;
	[sflag:s17] =	ssyncadd.s32 $0xFFFFFF90;
	s17 =	simm.s32 $0x1  }
.LBB2_2:
0x1a4: {  	s13 =	simm.s32 $0x13C80  }
0x1a5: {  	s24 =	simm.s32 $0x17A00;
	s3 =	rddreg [dreg:$0x0];
	s22 =	simm.s32 $0x7  }
0x1a6: {  	[tilespmem:s24], [sflag:$0x8] =	stream.indirect.gather [hbm4b:s3+s15], $0x80, s13, s15, $0xb8;
	[tilespmem:$0x1EA00] =	vst v63  }
0x1a7: {  	_ =	swait.ge [sflag:s22], $0x3800  }
0x1a8: {  	[sflag:s22] =	ssyncset.done $0x0  }
0x1a9: {  	s29 =	simm.s32 $0xC;
	[sflag:s22] =	ssyncadd.s32 $0xFFFFC800  }
0x1aa: {  	_ =	swait.ge [sflag:s29], $0x3800  }
0x1ab: {  	[sflag:s29] =	ssyncset.done $0x0  }
0x1ac: {  	s31 =	smov.u32 s30;
	s1 =	rddreg [dreg:$0x10];
	[sflag:s29] =	ssyncadd.s32 $0xFFFFC800  }
0x1ad: {  	s12 =	simm.s32 $0x13F00;
	s18 =	simm.s32 $0x14200;
	s14 =	rddreg [dreg:$0x3]  }
0x1ae: {  	[spmem:s14] =	stream.indirect.scatter.add.f32 [tilespmem:s18], [sflag:$0xA], $0x80, s12, s15, $0xb8;
	[tilespmem:$0x1EA00] =	vst v63  }
0x1af: {  	s7 =	simm.s32 $0x13E00;
	s5 =	rddreg [dreg:$0xf];
	s1 =	sadd.s32 s31, s1  }
0x1b0: {  	[tilespmem:s7], [sflag:$0x5] =	stream.linear.gather [hbm4b:s1+s4], $0x70, $0x38;
	[tilespmem:$0x1EA00] =	vst v63  }
0x1b1: {  	s16 =	simm.s32 $0x14100;
	s0 =	simm.s32 $0x3;
	s9 =	sadd.s32 s31, s5  }
0x1b2: {  	[tilespmem:s16], [sflag:$0x5] =	stream.linear.gather [hbm4b:s9+s4], $0x70, $0x38;
	[tilespmem:$0x1EA00] =	vst v63  }
0x1b3: {  	_ =	swait.ge [sflag:s0], $0x70  }
0x1b4: {  	[sflag:s0] =	ssyncset.done $0x0  }
0x1b5: {  	[sflag:s0] =	ssyncadd.s32 $0xFFFFFF90  }
0x1b6: {  	_ =	swait.ge [sflag:s0], $0x70  }
0x1b7: {  	s21 =	simm.s32 $0x13D00;
	[sflag:s0] =	ssyncset.done $0x0  }
0x1b8: {  	s26 =	simm.s32 $0x8;
	[sflag:s0] =	ssyncadd.s32 $0xFFFFFF90;
	s0 =	simm.s32 $0x1B200  }
0x1b9: {  	[tilespmem:s0], [sflag:$0x9] =	stream.indirect.gather [hbm4b:s3+s15], $0x80, s21, s15, $0xb8;
	[tilespmem:$0x1EA00] =	vst v63  }
0x1ba: {  	_ =	swait.ge [sflag:s26], $0x3800  }
0x1bb: {  	[sflag:s26] =	ssyncset.done $0x0  }
0x1bc: {  	s8 =	simm.s32 $0xA;
	[sflag:s26] =	ssyncadd.s32 $0xFFFFC800  }
0x1bd: {  	_ =	swait.ge [sflag:s8], $0x3800  }
0x1be: {  	[sflag:s8] =	ssyncset.done $0x0  }
0x1bf: {  	s20 =	simm.s32 $0x13F80;
	s10 =	rddreg [dreg:$0xe];
	[sflag:s8] =	ssyncadd.s32 $0xFFFFC800  }
0x1c0: {  	[spmem:s14] =	stream.indirect.scatter.add.f32 [tilespmem:s24], [sflag:$0xB], $0x80, s20, s15, $0xb8;
	[tilespmem:$0x1EA00] =	vst v63  }
0x1c1: {  	s25 =	simm.s32 $0x13E80;
	s11 =	rddreg [dreg:$0xd];
	s1 =	sadd.s32 s31, s10  }
0x1c2: {  	[tilespmem:s25], [sflag:$0x6] =	stream.linear.gather [hbm4b:s1+s4], $0x70, $0x38;
	[tilespmem:$0x1EA00] =	vst v63  }
0x1c3: {  	s2 =	simm.s32 $0x4;
	s9 =	simm.s32 $0x14180;
	s23 =	sadd.s32 s31, s11  }
0x1c4: {  	[tilespmem:s9], [sflag:$0x6] =	stream.linear.gather [hbm4b:s23+s4], $0x70, $0x38;
	[tilespmem:$0x1EA00] =	vst v63  }
0x1c5: {  	_ =	swait.ge [sflag:s2], $0x70  }
0x1c6: {  	[sflag:s2] =	ssyncset.done $0x0  }
0x1c7: {  	[sflag:s2] =	ssyncadd.s32 $0xFFFFFF90  }
0x1c8: {  	_ =	swait.ge [sflag:s2], $0x70  }
0x1c9: {  	[sflag:s2] =	ssyncset.done $0x0  }
0x1ca: {  	s6 =	simm.s32 $0x13D80;
	s23 =	simm.s32 $0x9;
	[sflag:s2] =	ssyncadd.s32 $0xFFFFFF90  }
0x1cb: {  	[tilespmem:s18], [sflag:$0x7] =	stream.indirect.gather [hbm4b:s3+s15], $0x80, s6, s15, $0xb8;
	[tilespmem:$0x1EA00] =	vst v63  }
0x1cc: {  	_ =	swait.ge [sflag:s23], $0x3800  }
0x1cd: {  	[sflag:s23] =	ssyncset.done $0x0  }
0x1ce: {  	s2 =	simm.s32 $0xB;
	[sflag:s23] =	ssyncadd.s32 $0xFFFFC800  }
0x1cf: {  	_ =	swait.ge [sflag:s2], $0x3800  }
0x1d0: {  	[sflag:s2] =	ssyncset.done $0x0  }
0x1d1: {  	s28 =	simm.s32 $0x14000;
	s5 =	rddreg [dreg:$0xc];
	[sflag:s2] =	ssyncadd.s32 $0xFFFFC800  }
0x1d2: {  	[spmem:s14] =	stream.indirect.scatter.add.f32 [tilespmem:s0], [sflag:$0xC], $0x80, s28, s15, $0xb8;
	[tilespmem:$0x1EA00] =	vst v63  }
0x1d3: {  	s11 =	simm.s32 $0x13C00;
	s10 =	rddreg [dreg:$0xb];
	s1 =	sadd.s32 s31, s5  }
0x1d4: {  	[tilespmem:s11], [sflag:$0x1] =	stream.linear.gather [hbm4b:s1+s4], $0x70, $0x38;
	[tilespmem:$0x1EA00] =	vst v63  }
0x1d5: {  	s5 =	sadd.s32 s31, s10  }
0x1d6: {  	[tilespmem:s12], [sflag:$0x1] =	stream.linear.gather [hbm4b:s5+s4], $0x70, $0x38;
	[tilespmem:$0x1EA00] =	vst v63  }
0x1d7: {  	s5 =	simm.s32 $0x5  }
0x1d8: {  	_ =	swait.ge [sflag:s5], $0x70  }
0x1d9: {  	[sflag:s5] =	ssyncset.done $0x0  }
0x1da: {  	[sflag:s5] =	ssyncadd.s32 $0xFFFFFF90  }
0x1db: {  	_ =	swait.ge [sflag:s5], $0x70  }
0x1dc: {  	[sflag:s5] =	ssyncset.done $0x0  }
0x1dd: {  	[sflag:s5] =	ssyncadd.s32 $0xFFFFFF90  }
0x1de: {  	[tilespmem:s24], [sflag:$0x8] =	stream.indirect.gather [hbm4b:s3+s15], $0x80, s7, s15, $0xb8;
	[tilespmem:$0x1EA00] =	vst v63  }
0x1df: {  	_ =	swait.ge [sflag:s22], $0x3800  }
0x1e0: {  	[sflag:s22] =	ssyncset.done $0x0  }
0x1e1: {  	[sflag:s22] =	ssyncadd.s32 $0xFFFFC800  }
0x1e2: {  	_ =	swait.ge [sflag:s29], $0x3800  }
0x1e3: {  	[sflag:s29] =	ssyncset.done $0x0  }
0x1e4: {  	s7 =	simm.s32 $0x14080;
	s12 =	rddreg [dreg:$0xa];
	[sflag:s29] =	ssyncadd.s32 $0xFFFFC800  }
0x1e5: {  	[spmem:s14] =	stream.indirect.scatter.add.f32 [tilespmem:s18], [sflag:$0xA], $0x80, s7, s15, $0xb8;
	[tilespmem:$0x1EA00] =	vst v63  }
0x1e6: {  	s22 =	rddreg [dreg:$0x9];
	s1 =	sadd.s32 s31, s12  }
0x1e7: {  	[tilespmem:s13], [sflag:$0x2] =	stream.linear.gather [hbm4b:s1+s4], $0x70, $0x38;
	[tilespmem:$0x1EA00] =	vst v63  }
0x1e8: {  	s5 =	simm.s32 $0x6;
	s29 =	sadd.s32 s31, s22  }
0x1e9: {  	[tilespmem:s20], [sflag:$0x2] =	stream.linear.gather [hbm4b:s29+s4], $0x70, $0x38;
	[tilespmem:$0x1EA00] =	vst v63  }
0x1ea: {  	_ =	swait.ge [sflag:s5], $0x70  }
0x1eb: {  	[sflag:s5] =	ssyncset.done $0x0  }
0x1ec: {  	[sflag:s5] =	ssyncadd.s32 $0xFFFFFF90  }
0x1ed: {  	_ =	swait.ge [sflag:s5], $0x70  }
0x1ee: {  	[sflag:s5] =	ssyncset.done $0x0  }
0x1ef: {  	[sflag:s5] =	ssyncadd.s32 $0xFFFFFF90  }
0x1f0: {  	[tilespmem:s0], [sflag:$0x9] =	stream.indirect.gather [hbm4b:s3+s15], $0x80, s25, s15, $0xb8;
	[tilespmem:$0x1EA00] =	vst v63  }
0x1f1: {  	_ =	swait.ge [sflag:s26], $0x3800  }
0x1f2: {  	[sflag:s26] =	ssyncset.done $0x0  }
0x1f3: {  	[sflag:s26] =	ssyncadd.s32 $0xFFFFC800  }
0x1f4: {  	_ =	swait.ge [sflag:s8], $0x3800  }
0x1f5: {  	[sflag:s8] =	ssyncset.done $0x0  }
0x1f6: {  	s20 =	rddreg [dreg:$0x8];
	[sflag:s8] =	ssyncadd.s32 $0xFFFFC800  }
0x1f7: {  	[spmem:s14] =	stream.indirect.scatter.add.f32 [tilespmem:s24], [sflag:$0xB], $0x80, s16, s15, $0xb8;
	[tilespmem:$0x1EA00] =	vst v63  }
0x1f8: {  	s22 =	rddreg [dreg:$0x7];
	s1 =	sadd.s32 s31, s20  }
0x1f9: {  	[tilespmem:s21], [sflag:$0x3] =	stream.linear.gather [hbm4b:s1+s4], $0x70, $0x38;
	[tilespmem:$0x1EA00] =	vst v63  }
0x1fa: {  	s25 =	sadd.s32 s31, s22  }
0x1fb: {  	[tilespmem:s28], [sflag:$0x3] =	stream.linear.gather [hbm4b:s25+s4], $0x70, $0x38;
	[tilespmem:$0x1EA00] =	vst v63  }
0x1fc: {  	_ =	swait.ge [sflag:s17], $0x70  }
0x1fd: {  	[sflag:s17] =	ssyncset.done $0x0  }
0x1fe: {  	[sflag:s17] =	ssyncadd.s32 $0xFFFFFF90  }
0x1ff: {  	_ =	swait.ge [sflag:s17], $0x70  }
0x200: {  	[sflag:s17] =	ssyncset.done $0x0  }
0x201: {  	[sflag:s17] =	ssyncadd.s32 $0xFFFFFF90  }
0x202: {  	[tilespmem:s18], [sflag:$0x7] =	stream.indirect.gather [hbm4b:s3+s15], $0x80, s11, s15, $0xb8;
	[tilespmem:$0x1EA00] =	vst v63  }
0x203: {  	_ =	swait.ge [sflag:s23], $0x3800  }
0x204: {  	[sflag:s23] =	ssyncset.done $0x0  }
0x205: {  	[sflag:s23] =	ssyncadd.s32 $0xFFFFC800  }
0x206: {  	_ =	swait.ge [sflag:s2], $0x3800  }
0x207: {  	[sflag:s2] =	ssyncset.done $0x0  }
0x208: {  	s26 =	rddreg [dreg:$0x6];
	[sflag:s2] =	ssyncadd.s32 $0xFFFFC800  }
0x209: {  	[spmem:s14] =	stream.indirect.scatter.add.f32 [tilespmem:s0], [sflag:$0xC], $0x80, s9, s15, $0xb8;
	[tilespmem:$0x1EA00] =	vst v63  }
0x20a: {  	s29 =	rddreg [dreg:$0x5];
	s1 =	sadd.s32 s31, s26  }
0x20b: {  	[tilespmem:s6], [sflag:$0x4] =	stream.linear.gather [hbm4b:s1+s4], $0x70, $0x38;
	[tilespmem:$0x1EA00] =	vst v63  }
0x20c: {  	s31 =	sadd.s32 s31, s29  }
0x20d: {  	[tilespmem:s7], [sflag:$0x4] =	stream.linear.gather [hbm4b:s31+s4], $0x70, $0x38;
	[tilespmem:$0x1EA00] =	vst v63  }
0x20e: {  	p3 =	sne.s32 s30, $0x3F0;
	_ =	swait.ge [sflag:s19], $0x70  }
.Ltmp0:
0x20f: {  	[sflag:s19] =	ssyncset.done $0x0;
	(pc) =	sbr.rel @p3 .LBB2_2-.Ltmp0, $4  }
0x210: {  	s30 =	sadd.s32 $0x54, s30;
	s10 =	simm.s32 $0x13F00;
	[sflag:s19] =	ssyncadd.s32 $0xFFFFFF90  }
0x211: {  	s12 =	simm.s32 $0x13C80;
	s13 =	simm.s32 $0x13F80;
	_ =	swait.ge [sflag:s19], $0x70  }
0x212: {  	s5 =	simm.s32 $0x14080;
	s20 =	simm.s32 $0x13D00;
	[sflag:s19] =	ssyncset.done $0x0  }
0x213: {  	s21 =	simm.s32 $0x14000;
	s28 =	simm.s32 $0x13D80;
	[sflag:s19] =	ssyncadd.s32 $0xFFFFFF90  }
0x214: {  	s16 =	simm.s32 $0x17A00;
	s3 =	rddreg [dreg:$0x0];
	s17 =	simm.s32 $0x7  }
0x215: {  	[tilespmem:s16], [sflag:$0x8] =	stream.indirect.gather [hbm4b:s3+s15], $0x80, s12, s15, $0xb8;
	[tilespmem:$0x1EA00] =	vst v63  }
0x216: {  	_ =	swait.ge [sflag:s17], $0x3800  }
0x217: {  	[sflag:s17] =	ssyncset.done $0x0  }
0x218: {  	s11 =	simm.s32 $0xC;
	[sflag:s17] =	ssyncadd.s32 $0xFFFFC800  }
0x219: {  	_ =	swait.ge [sflag:s11], $0x3800  }
0x21a: {  	[sflag:s11] =	ssyncset.done $0x0  }
0x21b: {  	s1 =	sld [smem:$0x7DF];
	[sflag:s11] =	ssyncadd.s32 $0xFFFFC800  }
0x21c: {  	s12 =	simm.s32 $0x14200;
	s14 =	rddreg [dreg:$0x3]  }
0x21d: {  	[spmem:s14] =	stream.indirect.scatter.add.f32 [tilespmem:s12], [sflag:$0xA], $0x80, s10, s15, $0xb8;
	[tilespmem:$0x1EA00] =	vst v63  }
0x21e: {  	s6 =	simm.s32 $0x13E00;
	s22 =	sld [smem:$0x7E0]  }
0x21f: {  	[tilespmem:s6], [sflag:$0x5] =	stream.linear.gather [hbm4b:s1+s4], $0x70, $0x38;
	[tilespmem:$0x1EA00] =	vst v63  }
0x220: {  	s7 =	simm.s32 $0x14100;
	s0 =	simm.s32 $0x3  }
0x221: {  	[tilespmem:s7], [sflag:$0x5] =	stream.linear.gather [hbm4b:s22+s4], $0x70, $0x38;
	[tilespmem:$0x1EA00] =	vst v63  }
0x222: {  	_ =	swait.ge [sflag:s0], $0x70  }
0x223: {  	[sflag:s0] =	ssyncset.done $0x0  }
0x224: {  	[sflag:s0] =	ssyncadd.s32 $0xFFFFFF90  }
0x225: {  	_ =	swait.ge [sflag:s0], $0x70  }
0x226: {  	[sflag:s0] =	ssyncset.done $0x0  }
0x227: {  	s23 =	simm.s32 $0x1B200;
	s18 =	simm.s32 $0x8;
	[sflag:s0] =	ssyncadd.s32 $0xFFFFFF90  }
0x228: {  	[tilespmem:s23], [sflag:$0x9] =	stream.indirect.gather [hbm4b:s3+s15], $0x80, s20, s15, $0xb8;
	[tilespmem:$0x1EA00] =	vst v63  }
0x229: {  	_ =	swait.ge [sflag:s18], $0x3800  }
0x22a: {  	[sflag:s18] =	ssyncset.done $0x0  }
0x22b: {  	s8 =	simm.s32 $0xA;
	[sflag:s18] =	ssyncadd.s32 $0xFFFFC800  }
0x22c: {  	_ =	swait.ge [sflag:s8], $0x3800  }
0x22d: {  	[sflag:s8] =	ssyncset.done $0x0  }
0x22e: {  	s24 =	sld [smem:$0x7E2];
	[sflag:s8] =	ssyncadd.s32 $0xFFFFC800  }
0x22f: {  	[spmem:s14] =	stream.indirect.scatter.add.f32 [tilespmem:s16], [sflag:$0xB], $0x80, s13, s15, $0xb8;
	[tilespmem:$0x1EA00] =	vst v63  }
0x230: {  	s25 =	simm.s32 $0x13E80;
	s26 =	sld [smem:$0x7E1]  }
0x231: {  	[tilespmem:s25], [sflag:$0x6] =	stream.linear.gather [hbm4b:s24+s4], $0x70, $0x38;
	[tilespmem:$0x1EA00] =	vst v63  }
0x232: {  	s9 =	simm.s32 $0x14180;
	s29 =	simm.s32 $0x4  }
0x233: {  	[tilespmem:s9], [sflag:$0x6] =	stream.linear.gather [hbm4b:s26+s4], $0x70, $0x38;
	[tilespmem:$0x1EA00] =	vst v63  }
0x234: {  	_ =	swait.ge [sflag:s29], $0x70  }
0x235: {  	[sflag:s29] =	ssyncset.done $0x0  }
0x236: {  	[sflag:s29] =	ssyncadd.s32 $0xFFFFFF90  }
0x237: {  	_ =	swait.ge [sflag:s29], $0x70  }
0x238: {  	[sflag:s29] =	ssyncset.done $0x0  }
0x239: {  	s30 =	simm.s32 $0x9;
	[sflag:s29] =	ssyncadd.s32 $0xFFFFFF90  }
0x23a: {  	[tilespmem:s12], [sflag:$0x7] =	stream.indirect.gather [hbm4b:s3+s15], $0x80, s28, s15, $0xb8;
	[tilespmem:$0x1EA00] =	vst v63  }
0x23b: {  	_ =	swait.ge [sflag:s30], $0x3800  }
0x23c: {  	[sflag:s30] =	ssyncset.done $0x0  }
0x23d: {  	s2 =	simm.s32 $0xB;
	[sflag:s30] =	ssyncadd.s32 $0xFFFFC800  }
0x23e: {  	_ =	swait.ge [sflag:s2], $0x3800  }
0x23f: {  	[sflag:s2] =	ssyncset.done $0x0  }
0x240: {  	s31 =	simm.s32 $0x5;
	[sflag:s2] =	ssyncadd.s32 $0xFFFFC800  }
0x241: {  	[spmem:s14] =	stream.indirect.scatter.add.f32 [tilespmem:s23], [sflag:$0xC], $0x80, s21, s15, $0xb8;
	[tilespmem:$0x1EA00] =	vst v63  }
0x242: {  	_ =	swait.ge [sflag:s31], $0x70  }
0x243: {  	[sflag:s31] =	ssyncset.done $0x0  }
0x244: {  	[sflag:s31] =	ssyncadd.s32 $0xFFFFFF90  }
0x245: {  	_ =	swait.ge [sflag:s31], $0x70  }
0x246: {  	[sflag:s31] =	ssyncset.done $0x0  }
0x247: {  	[sflag:s31] =	ssyncadd.s32 $0xFFFFFF90  }
0x248: {  	[tilespmem:s16], [sflag:$0x8] =	stream.indirect.gather [hbm4b:s3+s15], $0x80, s6, s15, $0xb8;
	[tilespmem:$0x1EA00] =	vst v63  }
0x249: {  	_ =	swait.ge [sflag:s17], $0x3800  }
0x24a: {  	[sflag:s17] =	ssyncset.done $0x0  }
0x24b: {  	[sflag:s17] =	ssyncadd.s32 $0xFFFFC800  }
0x24c: {  	_ =	swait.ge [sflag:s11], $0x3800  }
0x24d: {  	[sflag:s11] =	ssyncset.done $0x0  }
0x24e: {  	s17 =	simm.s32 $0x6;
	[sflag:s11] =	ssyncadd.s32 $0xFFFFC800  }
0x24f: {  	[spmem:s14] =	stream.indirect.scatter.add.f32 [tilespmem:s12], [sflag:$0xA], $0x80, s5, s15, $0xb8;
	[tilespmem:$0x1EA00] =	vst v63  }
0x250: {  	_ =	swait.ge [sflag:s17], $0x70  }
0x251: {  	[sflag:s17] =	ssyncset.done $0x0  }
0x252: {  	[sflag:s17] =	ssyncadd.s32 $0xFFFFFF90  }
0x253: {  	_ =	swait.ge [sflag:s17], $0x70  }
0x254: {  	[sflag:s17] =	ssyncset.done $0x0  }
0x255: {  	[sflag:s17] =	ssyncadd.s32 $0xFFFFFF90  }
0x256: {  	[tilespmem:s23], [sflag:$0x9] =	stream.indirect.gather [hbm4b:s3+s15], $0x80, s25, s15, $0xb8;
	[tilespmem:$0x1EA00] =	vst v63  }
0x257: {  	_ =	swait.ge [sflag:s18], $0x3800  }
0x258: {  	[sflag:s18] =	ssyncset.done $0x0  }
0x259: {  	[sflag:s18] =	ssyncadd.s32 $0xFFFFC800  }
0x25a: {  	_ =	swait.ge [sflag:s8], $0x3800  }
0x25b: {  	[sflag:s8] =	ssyncset.done $0x0  }
0x25c: {  	[sflag:s8] =	ssyncadd.s32 $0xFFFFC800  }
0x25d: {  	[spmem:s14] =	stream.indirect.scatter.add.f32 [tilespmem:s16], [sflag:$0xB], $0x80, s7, s15, $0xb8;
	[tilespmem:$0x1EA00] =	vst v63  }
0x25e: {  	_ =	swait.ge [sflag:s30], $0x3800  }
0x25f: {  	[sflag:s30] =	ssyncset.done $0x0  }
0x260: {  	[sflag:s30] =	ssyncadd.s32 $0xFFFFC800  }
0x261: {  	_ =	swait.ge [sflag:s2], $0x3800  }
0x262: {  	[sflag:s2] =	ssyncset.done $0x0  }
0x263: {  	[sflag:s2] =	ssyncadd.s32 $0xFFFFC800  }
0x264: {  	[spmem:s14] =	stream.indirect.scatter.add.f32 [tilespmem:s23], [sflag:$0xC], $0x80, s9, s15, $0xb8;
	[tilespmem:$0x1EA00] =	vst v63  }
0x265: {  	_ =	swait.ge [sflag:s11], $0x3800  }
0x266: {  	[sflag:s11] =	ssyncset.done $0x0  }
0x267: {  	[sflag:s11] =	ssyncadd.s32 $0xFFFFC800  }
0x268: {  	[bflag:$0x0] =	sbarrier.arrive $0xFFFF  }
0x269: {  	s9 =	sld [smem:$0x7FC];
	_ =	sdelay $0x1  }
0x26a: {  	s30 =	simm.s32 $0xD  }
0x26b: {  	[tilespmem:s12], [sflag:$0xD] =	stream.linear.gather [spmem:s9], $0x3800, $0x38;
	[tilespmem:$0x1EA00] =	vst v63  }
0x26c: {  	_ =	swait.ge [sflag:s30], $0x3800  }
0x26d: {  	s19 =	sld [smem:$0x7EF]  }
0x26e: {  	[sflag:s30] =	ssyncset.done $0x0  }
0x26f: {  	s20 =	sld [smem:$0x7F8];
	[sflag:s30] =	ssyncadd.s32 $0xFFFFC800  }
0x270: {  	[hbm4b:s19+s4] =	stream.linear.scatter [tilespmem:s12], [sflag:$0xA], $0x3800, $0x38;
	[tilespmem:$0x1EA00] =	vst v63  }
0x271: {  	_ = 	snop  }
0x272: {  	[tilespmem:s16], [sflag:$0xD] =	stream.linear.gather [spmem:s20], $0x3800, $0x38;
	[tilespmem:$0x1EA00] =	vst v63  }
0x273: {  	_ =	swait.ge [sflag:s30], $0x3800  }
0x274: {  	s21 =	sld [smem:$0x7F0]  }
0x275: {  	[sflag:s30] =	ssyncset.done $0x0  }
0x276: {  	[sflag:s30] =	ssyncadd.s32 $0xFFFFC800  }
0x277: {  	[hbm4b:s21+s4] =	stream.linear.scatter [tilespmem:s16], [sflag:$0xB], $0x3800, $0x38;
	[tilespmem:$0x1EA00] =	vst v63  }
0x278: {  	_ =	swait.ge [sflag:s8], $0x3800  }
0x279: {  	s22 =	sld [smem:$0x7F9]  }
0x27a: {  	[sflag:s8] =	ssyncset.done $0x0  }
0x27b: {  	[sflag:s8] =	ssyncadd.s32 $0xFFFFC800  }
0x27c: {  	[tilespmem:s12], [sflag:$0xD] =	stream.linear.gather [spmem:s22], $0x3800, $0x38;
	[tilespmem:$0x1EA00] =	vst v63  }
0x27d: {  	_ =	swait.ge [sflag:s30], $0x3800  }
0x27e: {  	s23 =	sld [smem:$0x7F1]  }
0x27f: {  	[sflag:s30] =	ssyncset.done $0x0  }
0x280: {  	[sflag:s30] =	ssyncadd.s32 $0xFFFFC800  }
0x281: {  	[hbm4b:s23+s4] =	stream.linear.scatter [tilespmem:s12], [sflag:$0xA], $0x3800, $0x38;
	[tilespmem:$0x1EA00] =	vst v63  }
0x282: {  	_ =	swait.ge [sflag:s2], $0x3800  }
0x283: {  	s24 =	sld [smem:$0x7FA]  }
0x284: {  	[sflag:s2] =	ssyncset.done $0x0  }
0x285: {  	[sflag:s2] =	ssyncadd.s32 $0xFFFFC800  }
0x286: {  	[tilespmem:s16], [sflag:$0xD] =	stream.linear.gather [spmem:s24], $0x3800, $0x38;
	[tilespmem:$0x1EA00] =	vst v63  }
0x287: {  	_ =	swait.ge [sflag:s30], $0x3800  }
0x288: {  	s25 =	sld [smem:$0x7F2]  }
0x289: {  	[sflag:s30] =	ssyncset.done $0x0  }
0x28a: {  	[sflag:s30] =	ssyncadd.s32 $0xFFFFC800  }
0x28b: {  	[hbm4b:s25+s4] =	stream.linear.scatter [tilespmem:s16], [sflag:$0xB], $0x3800, $0x38;
	[tilespmem:$0x1EA00] =	vst v63  }
0x28c: {  	_ =	swait.ge [sflag:s8], $0x3800  }
0x28d: {  	s26 =	sld [smem:$0x7FB]  }
0x28e: {  	[sflag:s8] =	ssyncset.done $0x0  }
0x28f: {  	[sflag:s8] =	ssyncadd.s32 $0xFFFFC800  }
0x290: {  	[tilespmem:s12], [sflag:$0xD] =	stream.linear.gather [spmem:s26], $0x3800, $0x38;
	[tilespmem:$0x1EA00] =	vst v63  }
0x291: {  	_ =	swait.ge [sflag:s30], $0x3800  }
0x292: {  	s28 =	sld [smem:$0x7F3]  }
0x293: {  	[sflag:s30] =	ssyncset.done $0x0  }
0x294: {  	[sflag:s30] =	ssyncadd.s32 $0xFFFFC800  }
0x295: {  	[hbm4b:s28+s4] =	stream.linear.scatter [tilespmem:s12], [sflag:$0xA], $0x3800, $0x38;
	[tilespmem:$0x1EA00] =	vst v63  }
0x296: {  	_ =	swait.ge [sflag:s2], $0x3800  }
0x297: {  	s5 =	sld [smem:$0x7FD]  }
0x298: {  	[sflag:s2] =	ssyncset.done $0x0  }
0x299: {  	[sflag:s2] =	ssyncadd.s32 $0xFFFFC800  }
0x29a: {  	[tilespmem:s16], [sflag:$0xD] =	stream.linear.gather [spmem:s5], $0x2400, $0x38;
	[tilespmem:$0x1EA00] =	vst v63  }
0x29b: {  	_ =	swait.ge [sflag:s30], $0x2400  }
0x29c: {  	s29 =	sld [smem:$0x7F4]  }
0x29d: {  	[sflag:s30] =	ssyncset.done $0x0  }
0x29e: {  	[sflag:s30] =	ssyncadd.s32 $0xFFFFDC00  }
0x29f: {  	[hbm4b:s29+s4] =	stream.linear.scatter [tilespmem:s16], [sflag:$0xB], $0x2400, $0x38;
	[tilespmem:$0x1EA00] =	vst v63  }
0x2a0: {  	_ =	swait.ge [sflag:s8], $0x3800  }
0x2a1: {  	[sflag:s8] =	ssyncset.done $0x0  }
0x2a2: {  	[sflag:s8] =	ssyncadd.s32 $0xFFFFC800  }
0x2a3: {  	_ =	swait.ge [sflag:s2], $0x2400  }
0x2a4: {  	s30 =	sld [smem:$0x7D9]  }
0x2a5: {  	s31 =	sld [smem:$0x7F5];
	_ =	sdelay $0x1  }
0x2a6: {  	s0 =	sadd.s32 $0x1, s30  }
0x2a7: {  	p3 =	sne.s32 s0, s31  }
.Ltmp1:
0x2a8: {  	_ = 	snop;
	(pc) =	sbr.rel @p3 .LBB2_1-.Ltmp1, $3  }
0x2a9: {  	_ =	sdelay $0x1  }
0x2aa: {  	[sflag:s2] =	ssyncset.done $0x0  }
0x2ab: {  	s17 =	simm.s32 $0x2;
	s14 =	simm.s32 $0x1;
	[sflag:s2] =	ssyncadd.s32 $0xFFFFDC00  }
0x2ac: {  	_ =	sfence.sel $0x180000  }
0x2ad: {  	[bflag:$0x0] =	sbarrier.arrive $0xFFFF  }
0x2ae: {  	_ =	strace $0x90000047  }
0x2af: {  	s0 =	stileid.u32;
	[bflag:$0x2] =	sbarrier.arrive $0xFFFF  }
0x2b0: {  	p0 =	sne.s32 s0, $0x0;
	s0 =	rddreg [dreg:$0x4]  }
0x2b1: {  	s0 =	sadd.s32 @!p0 $0x100000, s0  }
0x2b2: {  	[sflag:s0] =	ssyncadd.tile.s32 @!p0 $0x1;
	_ =	shalt  }
.Lfunc_end2:
_tile_overlayer_lowered:
.L_overlay_start_2:
0x2b3: {  	(tag) =	ssettag $0x2  }
0x2b4: {  	s0 =	rddreg [dreg:$0x0];
	s2 =	stileid.u32  }
0x2b5: {  	s1 =	rddreg [dreg:$0x1];
	p0 =	sne.s32 s2, $0x0  }
0x2b6: {  	s3 =	rddreg [dreg:$0x2];
	[bflag:$0x3] =	sbarrier.arrive $0xFFFF;
	s2 =	simm.s32 @!p0 $0x1C0D  }
0x2b7: {  	[timem:s3], [sflag:s2] =	dma.local @!p0 [hbm:s0], s1  }
0x2b8: {  	s0 =	simm.s32 @!p0 $0xD  }
0x2b9: {  	_ =	swait.ge @!p0 [sflag:s0], s1  }
0x2ba: {  	s1 =	ssub.s32 @!p0 $0x0, s1;
	[sflag:s0] =	ssyncset.done @!p0 $0x0  }
0x2bb: {  	[sflag:s0] =	ssyncadd.s32 @!p0 s1  }
0x2bc: {  	[bflag:$0x3] =	sbarrier.arrive $0xFFFF  }
0x2bd: {  	_ =	shalt  }

</sc_bundles>
